<compile_context>
chip_gen: v7x
topology: tpu7x:2x2x1
jax: 0.10.2.dev20260603
libtpu: 0.0.44.dev20260713+nightly
codegen_flags: <defaults>
</compile_context>

<pallas_src>
import functools

import jax
import jax.numpy as jnp
from jax import lax
from jax.experimental import pallas as pl
from jax.experimental.pallas import tpu as pltpu
from jax.experimental.pallas import tpu_sc as plsc

N = 1024
P = N * (N - 1) // 2
NB = P // 128
NC = 2
NS = 16
NW = NC * NS
NBW = 128
CHUNK = 32
L = 16
PB = 8192


def _pairs_body(juncs_hbm, lines_hbm, jidx_hbm, labels_hbm, lsc_hbm,
                scores_hbm, table_v, lines_v, jidx_v, ones_i_v, ones_f_v,
                spat_v, sem_l, sem_j, sem_c):
    wid = lax.axis_index("s") * NC + lax.axis_index("c")
    big = wid < 28
    b0 = jnp.where(big, wid * 128, 28 + wid * 127)
    p0 = b0 * 128
    p1 = p0 + jnp.where(big, 128 * 128, 127 * 128)

    pltpu.sync_copy(juncs_hbm, table_v)

    lane = lax.broadcasted_iota(jnp.int32, (L,), 0)

    ones_i = jnp.ones((L,), jnp.int32)
    ones_f = jnp.ones((L,), jnp.float32)

    def fill_body(k, _):
        base = k * L
        ones_i_v[pl.ds(base, L)] = ones_i
        ones_f_v[pl.ds(base, L)] = ones_f
        half = jnp.bitwise_and(lax.shift_right_logical(k, 3),
                               jnp.int32(1))
        spat_v[pl.ds(base, L)] = jnp.full((L,), half.astype(jnp.float32))
        return 0

    lax.fori_loop(0, PB // L, fill_body, 0)

    def _const_copies():
        big_list = []
        for t in range(2):
            big_list.append((ones_i_v,
                             labels_hbm.at[pl.ds(p0 + t * PB, PB)]))
            big_list.append((ones_f_v,
                             lsc_hbm.at[pl.ds(p0 + t * PB, PB)]))
        for t in range(4):
            big_list.append((spat_v,
                             scores_hbm.at[pl.ds(b0 * 256 + t * PB, PB)]))
        sm_list = [
            (ones_i_v, labels_hbm.at[pl.ds(p0, PB)]),
            (ones_i_v.at[pl.ds(0, 8064)],
             labels_hbm.at[pl.ds(p0 + PB, 8064)]),
            (ones_f_v, lsc_hbm.at[pl.ds(p0, PB)]),
            (ones_f_v.at[pl.ds(0, 8064)],
             lsc_hbm.at[pl.ds(p0 + PB, 8064)]),
        ]
        for t in range(3):
            sm_list.append((spat_v,
                            scores_hbm.at[pl.ds(b0 * 256 + t * PB, PB)]))
        sm_list.append((spat_v.at[pl.ds(0, 7936)],
                        scores_hbm.at[pl.ds(b0 * 256 + 3 * PB, 7936)]))
        return big_list, sm_list

    big_list, sm_list = _const_copies()

    @pl.when(big)
    def _():
        for src, dst in big_list:
            pltpu.async_copy(src, dst, sem_c)

    @pl.when(jnp.logical_not(big))
    def _():
        for src, dst in sm_list:
            pltpu.async_copy(src, dst, sem_c)

    def _off(i):
        return i * (N - 1) - lax.shift_right_logical(i * (i - 1), 1)

    def _row_of(target):
        def bisect_body(_, c):
            lo, hi = c
            mid = lax.shift_right_logical(lo + hi + 1, 1)
            pred = _off(mid) <= target
            return jnp.where(pred, mid, lo), jnp.where(pred, hi, mid - 1)

        i_row, _ = lax.fori_loop(0, 10, bisect_body,
                                 (jnp.int32(0), jnp.int32(N - 1)))
        return i_row

    i0 = _row_of(p0)
    j0 = i0 + 1 + (p0 - _off(i0))

    def _tbl_idx(n, c):
        return (lax.shift_left(lax.shift_right_logical(n, 7), 8)
                + jnp.bitwise_and(n, jnp.int32(127)) + c * 128)

    def _row_vecs(i):
        iv = jnp.full((L,), i, jnp.int32)
        xi = plsc.load_gather(table_v, [_tbl_idx(iv, 0)])
        yi = plsc.load_gather(table_v, [_tbl_idx(iv, 1)])
        return iv, xi, yi

    def _make_body(chunk_end):
        def body(_, c):
            p, i, j, q = c[:4]
            iv, xi, yi = c[4:]
            cnt = jnp.minimum(jnp.minimum(jnp.int32(L), N - j),
                              chunk_end - p)
            msk = lane < cnt
            jv = j + lane
            jx = _tbl_idx(jv, 0)
            xj = plsc.load_gather(table_v, [jx], mask=msk)
            yj = plsc.load_gather(table_v, [jx + 128], mask=msk)
            r = q + lane
            blk = lax.shift_right_logical(r, 7)
            low = jnp.bitwise_and(r, jnp.int32(127))
            b4 = lax.shift_left(blk, 9) + low
            b2 = lax.shift_left(blk, 8) + low
            plsc.store_scatter(lines_v, [b4], xi, mask=msk)
            plsc.store_scatter(lines_v, [b4 + 128], yi, mask=msk)
            plsc.store_scatter(lines_v, [b4 + 256], xj, mask=msk)
            plsc.store_scatter(lines_v, [b4 + 384], yj, mask=msk)
            plsc.store_scatter(jidx_v, [b2], iv, mask=msk)
            plsc.store_scatter(jidx_v, [b2 + 128], jv, mask=msk)
            p = p + cnt
            q = q + cnt
            j = j + cnt
            row_done = jnp.logical_and(j >= N, i < jnp.int32(N - 2))
            i = jnp.where(row_done, i + 1, i)
            j = jnp.where(row_done, i + 1, j)
            iv, xi, yi = lax.cond(row_done, _row_vecs,
                                  lambda _: (iv, xi, yi), i)
            return p, i, j, q, iv, xi, yi

        return body

    iv0, xi0, yi0 = _row_vecs(i0)
    carry = (p0, i0, j0, jnp.int32(0), iv0, xi0, yi0)
    for ck in range(4):
        chunk_end = jnp.minimum(p1, p0 + (ck + 1) * (CHUNK * 128))
        i_ce = _row_of(chunk_end - 1)
        trip = (lax.shift_right_logical(chunk_end - carry[0], 4)
                + (i_ce - carry[1]) + 2)
        carry = lax.fori_loop(0, trip, _make_body(chunk_end), carry)
        if ck < 3:
            pltpu.async_copy(
                lines_v.at[pl.ds(ck * (CHUNK * 512), CHUNK * 512)],
                lines_hbm.at[pl.ds(b0 * 512 + ck * (CHUNK * 512),
                                   CHUNK * 512)],
                sem_l)
            pltpu.async_copy(
                jidx_v.at[pl.ds(ck * (CHUNK * 256), CHUNK * 256)],
                jidx_hbm.at[pl.ds(b0 * 256 + ck * (CHUNK * 256),
                                  CHUNK * 256)],
                sem_j)

    @pl.when(big)
    def _():
        pltpu.async_copy(
            lines_v.at[pl.ds(3 * (CHUNK * 512), CHUNK * 512)],
            lines_hbm.at[pl.ds(b0 * 512 + 3 * (CHUNK * 512),
                               CHUNK * 512)],
            sem_l)
        pltpu.async_copy(
            jidx_v.at[pl.ds(3 * (CHUNK * 256), CHUNK * 256)],
            jidx_hbm.at[pl.ds(b0 * 256 + 3 * (CHUNK * 256),
                              CHUNK * 256)],
            sem_j)

    @pl.when(big)
    def _():
        for ck in range(4):
            pltpu.make_async_copy(
                lines_v.at[pl.ds(ck * (CHUNK * 512), CHUNK * 512)],
                lines_hbm.at[pl.ds(b0 * 512 + ck * (CHUNK * 512),
                                   CHUNK * 512)],
                sem_l).wait()
            pltpu.make_async_copy(
                jidx_v.at[pl.ds(ck * (CHUNK * 256), CHUNK * 256)],
                jidx_hbm.at[pl.ds(b0 * 256 + ck * (CHUNK * 256),
                                  CHUNK * 256)],
                sem_j).wait()
        for src, dst in big_list:
            pltpu.make_async_copy(src, dst, sem_c).wait()

    @pl.when(jnp.logical_not(big))
    def _():
        for ck in range(3):
            pltpu.make_async_copy(
                lines_v.at[pl.ds(ck * (CHUNK * 512), CHUNK * 512)],
                lines_hbm.at[pl.ds(b0 * 512 + ck * (CHUNK * 512),
                                   CHUNK * 512)],
                sem_l).wait()
            pltpu.make_async_copy(
                jidx_v.at[pl.ds(ck * (CHUNK * 256), CHUNK * 256)],
                jidx_hbm.at[pl.ds(b0 * 256 + ck * (CHUNK * 256),
                                  CHUNK * 256)],
                sem_j).wait()
        pltpu.sync_copy(
            lines_v.at[pl.ds(3 * (CHUNK * 512), 31 * 512)],
            lines_hbm.at[pl.ds(b0 * 512 + 3 * (CHUNK * 512), 31 * 512)])
        pltpu.sync_copy(
            jidx_v.at[pl.ds(3 * (CHUNK * 256), 31 * 256)],
            jidx_hbm.at[pl.ds(b0 * 256 + 3 * (CHUNK * 256), 31 * 256)])
        for src, dst in sm_list:
            pltpu.make_async_copy(src, dst, sem_c).wait()


@jax.jit
def _pairs(juncs_pred):
    mesh = plsc.VectorSubcoreMesh(core_axis_name="c", subcore_axis_name="s")
    k = functools.partial(
        pl.kernel,
        mesh=mesh,
        out_type=[
            jax.ShapeDtypeStruct((P * 4,), jnp.float32),
            jax.ShapeDtypeStruct((P * 2,), jnp.int32),
            jax.ShapeDtypeStruct((P,), jnp.int32),
            jax.ShapeDtypeStruct((P,), jnp.float32),
            jax.ShapeDtypeStruct((P * 2,), jnp.float32),
        ],
        scratch_types=[
            pltpu.VMEM((N * 2,), jnp.float32),
            pltpu.VMEM((NBW * 512,), jnp.float32),
            pltpu.VMEM((NBW * 256,), jnp.int32),
            pltpu.VMEM((PB,), jnp.int32),
            pltpu.VMEM((PB,), jnp.float32),
            pltpu.VMEM((PB,), jnp.float32),
            pltpu.SemaphoreType.DMA,
            pltpu.SemaphoreType.DMA,
            pltpu.SemaphoreType.DMA,
        ],
        compiler_params=pltpu.CompilerParams(needs_layout_passes=False),
    )(_pairs_body)
    juncs_flat = (juncs_pred.reshape(8, 128, 2)
                  .transpose(0, 2, 1).reshape(-1))
    lines_flat, jidx_flat, labels, label_scores, scores_flat = \
        k(juncs_flat)
    lines_pred = (lines_flat.reshape(NB, 4, 128)
                  .transpose(0, 2, 1).reshape(P, 4))
    jidx = (jidx_flat.reshape(NB, 2, 128)
            .transpose(0, 2, 1).reshape(P, 2))
    scores = (scores_flat.reshape(NB, 2, 128)
              .transpose(0, 2, 1).reshape(P, 2))
    return lines_pred, jidx, labels, label_scores, scores


def kernel(img_idx, juncs_pred, meta):
    lines_pred, jidx, labels, label_scores, scores = _pairs(juncs_pred)
    return (lines_pred, labels, label_scores, jidx, scores)

# --- scband reference (transcript-rebuilt; emitter-appended) ---
"""Pipeline reference for scband-line-generator-2748779070287 (READ-ONLY COPY).

The authoritative reference and input builder live on the scoring server;
editing this copy changes nothing except your own understanding.
"""

import jax, jax.numpy as jnp
import numpy as np


def setup_inputs(seed: int = 0) -> dict:
    key = jax.random.key(seed)
    N = 1024
    juncs_pred = jax.random.uniform(key, (N, 2), dtype=jnp.float32)
    return {"img_idx": 0, "juncs_pred": juncs_pred, "meta": 0}


def reference(img_idx, juncs_pred, meta):
    # Faithful translation of LineGenerator.forward_train_image ->
    # _generate_lines_from_junctions.
    N = juncs_pred.shape[0]
    # torch.combinations(arange(N)) == all (i, j) with i < j in lexicographic
    # order, which matches jnp.triu_indices(N, k=1) row-major ordering.
    rows, cols = jnp.triu_indices(N, k=1)
    jidx = jnp.stack([rows, cols], axis=1)  # [P, 2] int
    P = jidx.shape[0]
    # gather junction coordinate pairs -> [P, 2, 2] -> [P, 4]
    lines_pred = jnp.take(juncs_pred, jidx, axis=0).reshape(P, 4)
    scores = jnp.zeros((P, 2), dtype=jnp.float32).at[:, 1].set(1.0)
    labels = jnp.ones((P,), dtype=jnp.int32)
    label_scores = jnp.ones((P,), dtype=jnp.float32)
    # forward_train_image returns dict {'edges_pred': jidx, 'lines_pred': lines_pred,
    # 'lines_logits': scores}; return as a tuple of arrays.
    return (lines_pred, labels, label_scores, jidx, scores)

if __name__ == "__main__":
    import jax
    _d = setup_inputs()
    print(jax.jit(kernel)(*tuple(_d.values())))

</pallas_src>

<mosaic_0001>
#map = affine_map<(d0, d1) -> (0)>
module attributes {stable_mosaic.version = 14 : i64} {
  func.func @_pairs_body(%arg0: i32, %arg1: i32, %arg2: memref<2048xf32, #tpu.memory_space<hbm>>, %arg3: memref<2095104xf32, #tpu.memory_space<hbm>>, %arg4: memref<1047552xi32, #tpu.memory_space<hbm>>, %arg5: memref<523776xi32, #tpu.memory_space<hbm>>, %arg6: memref<523776xf32, #tpu.memory_space<hbm>>, %arg7: memref<1047552xf32, #tpu.memory_space<hbm>>, %arg8: memref<2048xf32, #tpu.memory_space<vmem>>, %arg9: memref<65536xf32, #tpu.memory_space<vmem>>, %arg10: memref<32768xi32, #tpu.memory_space<vmem>>, %arg11: memref<8192xi32, #tpu.memory_space<vmem>>, %arg12: memref<8192xf32, #tpu.memory_space<vmem>>, %arg13: memref<8192xf32, #tpu.memory_space<vmem>>, %arg14: memref<!tpu.dma_semaphore, #tpu.memory_space<semaphore_mem>>, %arg15: memref<!tpu.dma_semaphore, #tpu.memory_space<semaphore_mem>>, %arg16: memref<!tpu.dma_semaphore, #tpu.memory_space<semaphore_mem>>) attributes {dimension_semantics = [#tpu.dimension_semantics<core_parallel>, #tpu.dimension_semantics<subcore_parallel>], iteration_bounds = array<i64: 2, 16>, scalar_prefetch = 0 : i64, scratch_operands = 9 : i64, tpu.core_type = #tpu.core_type<sc_vector_subcore>, window_params = [{transform_indices = #map}, {transform_indices = #map}, {transform_indices = #map}, {transform_indices = #map}, {transform_indices = #map}, {transform_indices = #map}]} {
    %mul3A = arith.constant 2 : i32
    %mul3A_0 = arith.muli %arg1, %mul3A : i32
    %add3A = arith.addi %mul3A_0, %arg0 : i32
    %lt3A = arith.constant 28 : i32
    %lt3A_1 = arith.cmpi slt, %add3A, %lt3A : i32
    %mul3A_2 = arith.constant 128 : i32
    %mul3A_3 = arith.muli %add3A, %mul3A_2 : i32
    %mul3A_4 = arith.constant 127 : i32
    %mul3A_5 = arith.muli %add3A, %mul3A_4 : i32
    %add3A_6 = arith.constant 28 : i32
    %add3A_7 = arith.addi %add3A_6, %mul3A_5 : i32
    %select_n3A = arith.select %lt3A_1, %mul3A_3, %add3A_7 : i32
    %mul3A_8 = arith.constant 128 : i32
    %mul3A_9 = arith.muli %select_n3A, %mul3A_8 : i32
    %jit3A = arith.constant 16384 : i32
    %jit3A_10 = arith.constant 16256 : i32
    %select_n3A_11 = arith.select %lt3A_1, %jit3A, %jit3A_10 : i32
    %add3A_12 = arith.addi %mul3A_9, %select_n3A_11 : i32
    "tpu.region"() ({
      %run_scoped3A = tpu.sem_alloc : memref<!tpu.dma_semaphore, #tpu.memory_space<semaphore_mem>>
      tpu.enqueue_dma source(%arg2 : memref<2048xf32, #tpu.memory_space<hbm>>) target(%arg8 : memref<2048xf32, #tpu.memory_space<vmem>>) target_semaphore(%run_scoped3A : memref<!tpu.dma_semaphore, #tpu.memory_space<semaphore_mem>>)
      tpu.wait_dma2 semaphore(%run_scoped3A : memref<!tpu.dma_semaphore, #tpu.memory_space<semaphore_mem>>) src(%arg2 : memref<2048xf32, #tpu.memory_space<hbm>>) dst(%arg8 : memref<2048xf32, #tpu.memory_space<vmem>>)
      tpu.yield
    }) : () -> ()
    %iota3A = tpu.iota {dimensions = array<i32: 0>} : vector<16xi32>
    %broadcast_in_dim3A = arith.constant 1 : i32
    %broadcast_in_dim3A_13 = vector.broadcast %broadcast_in_dim3A : i32 to vector<16xi32>
    %broadcast_in_dim3A_14 = arith.constant 1.000000e+00 : f32
    %broadcast_in_dim3A_15 = vector.broadcast %broadcast_in_dim3A_14 : f32 to vector<16xf32>
    %scan3A = arith.constant 0 : i32
    %scan3A_16 = arith.constant 0 : i32
    %scan3A_17 = arith.constant 512 : i32
    %scan3A_18 = arith.addi %scan3A_16, %scan3A_17 : i32
    %scan3A_19 = arith.constant 1 : i32
    %scan3A_20 = scf.for %scan3A_308 = %scan3A_16 to %scan3A_18 step %scan3A_19 iter_args(%scan3A_309 = %scan3A) -> (i32)  : i32 {
      %mul3A_310 = arith.constant 16 : i32
      %mul3A_311 = arith.muli %scan3A_308, %mul3A_310 : i32
      %swap3A = arith.index_cast %mul3A_311 : i32 to index
      %swap3A_312 = tpu.vector_load %arg11[%swap3A] {strides = array<i32>} : memref<8192xi32, #tpu.memory_space<vmem>>, vector<16xi32>,
      tpu.vector_store %arg11[%swap3A], %broadcast_in_dim3A_13 {strides = array<i32>} : memref<8192xi32, #tpu.memory_space<vmem>>, vector<16xi32>,
      %swap3A_313 = arith.index_cast %mul3A_311 : i32 to index
      %swap3A_314 = tpu.vector_load %arg12[%swap3A_313] {strides = array<i32>} : memref<8192xf32, #tpu.memory_space<vmem>>, vector<16xf32>,
      tpu.vector_store %arg12[%swap3A_313], %broadcast_in_dim3A_15 {strides = array<i32>} : memref<8192xf32, #tpu.memory_space<vmem>>, vector<16xf32>,
      %shift_right_logical3A_315 = arith.constant 3 : i32
      %shift_right_logical3A_316 = arith.shrui %scan3A_308, %shift_right_logical3A_315 : i32
      %and3A_317 = arith.constant 1 : i32
      %and3A_318 = arith.andi %shift_right_logical3A_316, %and3A_317 : i32
      %convert_element_type3A_319 = arith.sitofp %and3A_318 : i32 to f32
      %broadcast_in_dim3A_320 = vector.broadcast %convert_element_type3A_319 : f32 to vector<16xf32>
      %swap3A_321 = arith.index_cast %mul3A_311 : i32 to index
      %swap3A_322 = tpu.vector_load %arg13[%swap3A_321] {strides = array<i32>} : memref<8192xf32, #tpu.memory_space<vmem>>, vector<16xf32>,
      tpu.vector_store %arg13[%swap3A_321], %broadcast_in_dim3A_320 {strides = array<i32>} : memref<8192xf32, #tpu.memory_space<vmem>>, vector<16xf32>,
      %scan3A_323 = arith.constant 0 : i32
      scf.yield %scan3A_323 : i32
    }
    %scan3A_21 = arith.constant 512 : i32
    %add3A_22 = arith.constant 0 : i32
    %add3A_23 = arith.addi %mul3A_9, %add3A_22 : i32
    %add3A_24 = arith.constant 0 : i32
    %add3A_25 = arith.addi %mul3A_9, %add3A_24 : i32
    %add3A_26 = arith.constant 8192 : i32
    %add3A_27 = arith.addi %mul3A_9, %add3A_26 : i32
    %add3A_28 = arith.constant 8192 : i32
    %add3A_29 = arith.addi %mul3A_9, %add3A_28 : i32
    %mul3A_30 = arith.constant 256 : i32
    %mul3A_31 = arith.muli %select_n3A, %mul3A_30 : i32
    %add3A_32 = arith.constant 0 : i32
    %add3A_33 = arith.addi %mul3A_31, %add3A_32 : i32
    %mul3A_34 = arith.constant 256 : i32
    %mul3A_35 = arith.muli %select_n3A, %mul3A_34 : i32
    %add3A_36 = arith.constant 8192 : i32
    %add3A_37 = arith.addi %mul3A_35, %add3A_36 : i32
    %mul3A_38 = arith.constant 256 : i32
    %mul3A_39 = arith.muli %select_n3A, %mul3A_38 : i32
    %add3A_40 = arith.constant 16384 : i32
    %add3A_41 = arith.addi %mul3A_39, %add3A_40 : i32
    %mul3A_42 = arith.constant 256 : i32
    %mul3A_43 = arith.muli %select_n3A, %mul3A_42 : i32
    %add3A_44 = arith.constant 24576 : i32
    %add3A_45 = arith.addi %mul3A_43, %add3A_44 : i32
    %add3A_46 = arith.constant 8192 : i32
    %add3A_47 = arith.addi %mul3A_9, %add3A_46 : i32
    %add3A_48 = arith.constant 8192 : i32
    %add3A_49 = arith.addi %mul3A_9, %add3A_48 : i32
    %mul3A_50 = arith.constant 256 : i32
    %mul3A_51 = arith.muli %select_n3A, %mul3A_50 : i32
    %add3A_52 = arith.constant 0 : i32
    %add3A_53 = arith.addi %mul3A_51, %add3A_52 : i32
    %mul3A_54 = arith.constant 256 : i32
    %mul3A_55 = arith.muli %select_n3A, %mul3A_54 : i32
    %add3A_56 = arith.constant 8192 : i32
    %add3A_57 = arith.addi %mul3A_55, %add3A_56 : i32
    %mul3A_58 = arith.constant 256 : i32
    %mul3A_59 = arith.muli %select_n3A, %mul3A_58 : i32
    %add3A_60 = arith.constant 16384 : i32
    %add3A_61 = arith.addi %mul3A_59, %add3A_60 : i32
    %mul3A_62 = arith.constant 256 : i32
    %mul3A_63 = arith.muli %select_n3A, %mul3A_62 : i32
    %add3A_64 = arith.constant 24576 : i32
    %add3A_65 = arith.addi %mul3A_63, %add3A_64 : i32
    %convert_element_type3A = arith.extui %lt3A_1 : i1 to i32
    %cond3A = arith.constant 0 : i32
    %cond3A_66 = arith.cmpi ne, %convert_element_type3A, %cond3A : i32
    scf.if %cond3A_66 {
      %dma_start3A_308 = tpu.memref_slice %arg5[%add3A_23] : memref<523776xi32, #tpu.memory_space<hbm>> -> memref<8192xi32, #tpu.memory_space<hbm>>
      %dma_start3A_309 = tpu.memref_slice %arg5[%add3A_23] : memref<523776xi32, #tpu.memory_space<hbm>> -> memref<8192xi32, #tpu.memory_space<hbm>>
      tpu.enqueue_dma source(%arg11 : memref<8192xi32, #tpu.memory_space<vmem>>) target(%dma_start3A_309 : memref<8192xi32, #tpu.memory_space<hbm>>) target_semaphore(%arg16 : memref<!tpu.dma_semaphore, #tpu.memory_space<semaphore_mem>>)
      %dma_start3A_310 = tpu.memref_slice %arg6[%add3A_25] : memref<523776xf32, #tpu.memory_space<hbm>> -> memref<8192xf32, #tpu.memory_space<hbm>>
      %dma_start3A_311 = tpu.memref_slice %arg6[%add3A_25] : memref<523776xf32, #tpu.memory_space<hbm>> -> memref<8192xf32, #tpu.memory_space<hbm>>
      tpu.enqueue_dma source(%arg12 : memref<8192xf32, #tpu.memory_space<vmem>>) target(%dma_start3A_311 : memref<8192xf32, #tpu.memory_space<hbm>>) target_semaphore(%arg16 : memref<!tpu.dma_semaphore, #tpu.memory_space<semaphore_mem>>)
      %dma_start3A_312 = tpu.memref_slice %arg5[%add3A_27] : memref<523776xi32, #tpu.memory_space<hbm>> -> memref<8192xi32, #tpu.memory_space<hbm>>
      %dma_start3A_313 = tpu.memref_slice %arg5[%add3A_27] : memref<523776xi32, #tpu.memory_space<hbm>> -> memref<8192xi32, #tpu.memory_space<hbm>>
      tpu.enqueue_dma source(%arg11 : memref<8192xi32, #tpu.memory_space<vmem>>) target(%dma_start3A_313 : memref<8192xi32, #tpu.memory_space<hbm>>) target_semaphore(%arg16 : memref<!tpu.dma_semaphore, #tpu.memory_space<semaphore_mem>>)
      %dma_start3A_314 = tpu.memref_slice %arg6[%add3A_29] : memref<523776xf32, #tpu.memory_space<hbm>> -> memref<8192xf32, #tpu.memory_space<hbm>>
      %dma_start3A_315 = tpu.memref_slice %arg6[%add3A_29] : memref<523776xf32, #tpu.memory_space<hbm>> -> memref<8192xf32, #tpu.memory_space<hbm>>
      tpu.enqueue_dma source(%arg12 : memref<8192xf32, #tpu.memory_space<vmem>>) target(%dma_start3A_315 : memref<8192xf32, #tpu.memory_space<hbm>>) target_semaphore(%arg16 : memref<!tpu.dma_semaphore, #tpu.memory_space<semaphore_mem>>)
      %dma_start3A_316 = tpu.memref_slice %arg7[%add3A_33] : memref<1047552xf32, #tpu.memory_space<hbm>> -> memref<8192xf32, #tpu.memory_space<hbm>>
      %dma_start3A_317 = tpu.memref_slice %arg7[%add3A_33] : memref<1047552xf32, #tpu.memory_space<hbm>> -> memref<8192xf32, #tpu.memory_space<hbm>>
      tpu.enqueue_dma source(%arg13 : memref<8192xf32, #tpu.memory_space<vmem>>) target(%dma_start3A_317 : memref<8192xf32, #tpu.memory_space<hbm>>) target_semaphore(%arg16 : memref<!tpu.dma_semaphore, #tpu.memory_space<semaphore_mem>>)
      %dma_start3A_318 = tpu.memref_slice %arg7[%add3A_37] : memref<1047552xf32, #tpu.memory_space<hbm>> -> memref<8192xf32, #tpu.memory_space<hbm>>
      %dma_start3A_319 = tpu.memref_slice %arg7[%add3A_37] : memref<1047552xf32, #tpu.memory_space<hbm>> -> memref<8192xf32, #tpu.memory_space<hbm>>
      tpu.enqueue_dma source(%arg13 : memref<8192xf32, #tpu.memory_space<vmem>>) target(%dma_start3A_319 : memref<8192xf32, #tpu.memory_space<hbm>>) target_semaphore(%arg16 : memref<!tpu.dma_semaphore, #tpu.memory_space<semaphore_mem>>)
      %dma_start3A_320 = tpu.memref_slice %arg7[%add3A_41] : memref<1047552xf32, #tpu.memory_space<hbm>> -> memref<8192xf32, #tpu.memory_space<hbm>>
      %dma_start3A_321 = tpu.memref_slice %arg7[%add3A_41] : memref<1047552xf32, #tpu.memory_space<hbm>> -> memref<8192xf32, #tpu.memory_space<hbm>>
      tpu.enqueue_dma source(%arg13 : memref<8192xf32, #tpu.memory_space<vmem>>) target(%dma_start3A_321 : memref<8192xf32, #tpu.memory_space<hbm>>) target_semaphore(%arg16 : memref<!tpu.dma_semaphore, #tpu.memory_space<semaphore_mem>>)
      %dma_start3A_322 = tpu.memref_slice %arg7[%add3A_45] : memref<1047552xf32, #tpu.memory_space<hbm>> -> memref<8192xf32, #tpu.memory_space<hbm>>
      %dma_start3A_323 = tpu.memref_slice %arg7[%add3A_45] : memref<1047552xf32, #tpu.memory_space<hbm>> -> memref<8192xf32, #tpu.memory_space<hbm>>
      tpu.enqueue_dma source(%arg13 : memref<8192xf32, #tpu.memory_space<vmem>>) target(%dma_start3A_323 : memref<8192xf32, #tpu.memory_space<hbm>>) target_semaphore(%arg16 : memref<!tpu.dma_semaphore, #tpu.memory_space<semaphore_mem>>)
    } else {
    }
    %not3A = arith.constant true
    %not3A_67 = arith.xori %lt3A_1, %not3A : i1
    %convert_element_type3A_68 = arith.extui %not3A_67 : i1 to i32
    %cond3A_69 = arith.constant 0 : i32
    %cond3A_70 = arith.cmpi ne, %convert_element_type3A_68, %cond3A_69 : i32
    scf.if %cond3A_70 {
      %dma_start3A_308 = tpu.memref_slice %arg5[%mul3A_9] : memref<523776xi32, #tpu.memory_space<hbm>> -> memref<8192xi32, #tpu.memory_space<hbm>>
      %dma_start3A_309 = tpu.memref_slice %arg5[%mul3A_9] : memref<523776xi32, #tpu.memory_space<hbm>> -> memref<8192xi32, #tpu.memory_space<hbm>>
      tpu.enqueue_dma source(%arg11 : memref<8192xi32, #tpu.memory_space<vmem>>) target(%dma_start3A_309 : memref<8192xi32, #tpu.memory_space<hbm>>) target_semaphore(%arg16 : memref<!tpu.dma_semaphore, #tpu.memory_space<semaphore_mem>>)
      %dma_start3A_310 = arith.constant 0 : i32
      %dma_start3A_311 = tpu.memref_slice %arg11[%dma_start3A_310] : memref<8192xi32, #tpu.memory_space<vmem>> -> memref<8064xi32, #tpu.memory_space<vmem>>
      %dma_start3A_312 = tpu.memref_slice %arg5[%add3A_47] : memref<523776xi32, #tpu.memory_space<hbm>> -> memref<8064xi32, #tpu.memory_space<hbm>>
      %dma_start3A_313 = tpu.memref_slice %arg5[%add3A_47] : memref<523776xi32, #tpu.memory_space<hbm>> -> memref<8064xi32, #tpu.memory_space<hbm>>
      %dma_start3A_314 = arith.constant 0 : i32
      %dma_start3A_315 = tpu.memref_slice %arg11[%dma_start3A_314] : memref<8192xi32, #tpu.memory_space<vmem>> -> memref<8064xi32, #tpu.memory_space<vmem>>
      tpu.enqueue_dma source(%dma_start3A_315 : memref<8064xi32, #tpu.memory_space<vmem>>) target(%dma_start3A_313 : memref<8064xi32, #tpu.memory_space<hbm>>) target_semaphore(%arg16 : memref<!tpu.dma_semaphore, #tpu.memory_space<semaphore_mem>>)
      %dma_start3A_316 = tpu.memref_slice %arg6[%mul3A_9] : memref<523776xf32, #tpu.memory_space<hbm>> -> memref<8192xf32, #tpu.memory_space<hbm>>
      %dma_start3A_317 = tpu.memref_slice %arg6[%mul3A_9] : memref<523776xf32, #tpu.memory_space<hbm>> -> memref<8192xf32, #tpu.memory_space<hbm>>
      tpu.enqueue_dma source(%arg12 : memref<8192xf32, #tpu.memory_space<vmem>>) target(%dma_start3A_317 : memref<8192xf32, #tpu.memory_space<hbm>>) target_semaphore(%arg16 : memref<!tpu.dma_semaphore, #tpu.memory_space<semaphore_mem>>)
      %dma_start3A_318 = arith.constant 0 : i32
      %dma_start3A_319 = tpu.memref_slice %arg12[%dma_start3A_318] : memref<8192xf32, #tpu.memory_space<vmem>> -> memref<8064xf32, #tpu.memory_space<vmem>>
      %dma_start3A_320 = tpu.memref_slice %arg6[%add3A_49] : memref<523776xf32, #tpu.memory_space<hbm>> -> memref<8064xf32, #tpu.memory_space<hbm>>
      %dma_start3A_321 = tpu.memref_slice %arg6[%add3A_49] : memref<523776xf32, #tpu.memory_space<hbm>> -> memref<8064xf32, #tpu.memory_space<hbm>>
      %dma_start3A_322 = arith.constant 0 : i32
      %dma_start3A_323 = tpu.memref_slice %arg12[%dma_start3A_322] : memref<8192xf32, #tpu.memory_space<vmem>> -> memref<8064xf32, #tpu.memory_space<vmem>>
      tpu.enqueue_dma source(%dma_start3A_323 : memref<8064xf32, #tpu.memory_space<vmem>>) target(%dma_start3A_321 : memref<8064xf32, #tpu.memory_space<hbm>>) target_semaphore(%arg16 : memref<!tpu.dma_semaphore, #tpu.memory_space<semaphore_mem>>)
      %dma_start3A_324 = tpu.memref_slice %arg7[%add3A_53] : memref<1047552xf32, #tpu.memory_space<hbm>> -> memref<8192xf32, #tpu.memory_space<hbm>>
      %dma_start3A_325 = tpu.memref_slice %arg7[%add3A_53] : memref<1047552xf32, #tpu.memory_space<hbm>> -> memref<8192xf32, #tpu.memory_space<hbm>>
      tpu.enqueue_dma source(%arg13 : memref<8192xf32, #tpu.memory_space<vmem>>) target(%dma_start3A_325 : memref<8192xf32, #tpu.memory_space<hbm>>) target_semaphore(%arg16 : memref<!tpu.dma_semaphore, #tpu.memory_space<semaphore_mem>>)
      %dma_start3A_326 = tpu.memref_slice %arg7[%add3A_57] : memref<1047552xf32, #tpu.memory_space<hbm>> -> memref<8192xf32, #tpu.memory_space<hbm>>
      %dma_start3A_327 = tpu.memref_slice %arg7[%add3A_57] : memref<1047552xf32, #tpu.memory_space<hbm>> -> memref<8192xf32, #tpu.memory_space<hbm>>
      tpu.enqueue_dma source(%arg13 : memref<8192xf32, #tpu.memory_space<vmem>>) target(%dma_start3A_327 : memref<8192xf32, #tpu.memory_space<hbm>>) target_semaphore(%arg16 : memref<!tpu.dma_semaphore, #tpu.memory_space<semaphore_mem>>)
      %dma_start3A_328 = tpu.memref_slice %arg7[%add3A_61] : memref<1047552xf32, #tpu.memory_space<hbm>> -> memref<8192xf32, #tpu.memory_space<hbm>>
      %dma_start3A_329 = tpu.memref_slice %arg7[%add3A_61] : memref<1047552xf32, #tpu.memory_space<hbm>> -> memref<8192xf32, #tpu.memory_space<hbm>>
      tpu.enqueue_dma source(%arg13 : memref<8192xf32, #tpu.memory_space<vmem>>) target(%dma_start3A_329 : memref<8192xf32, #tpu.memory_space<hbm>>) target_semaphore(%arg16 : memref<!tpu.dma_semaphore, #tpu.memory_space<semaphore_mem>>)
      %dma_start3A_330 = arith.constant 0 : i32
      %dma_start3A_331 = tpu.memref_slice %arg13[%dma_start3A_330] : memref<8192xf32, #tpu.memory_space<vmem>> -> memref<7936xf32, #tpu.memory_space<vmem>>
      %dma_start3A_332 = tpu.memref_slice %arg7[%add3A_65] : memref<1047552xf32, #tpu.memory_space<hbm>> -> memref<7936xf32, #tpu.memory_space<hbm>>
      %dma_start3A_333 = tpu.memref_slice %arg7[%add3A_65] : memref<1047552xf32, #tpu.memory_space<hbm>> -> memref<7936xf32, #tpu.memory_space<hbm>>
      %dma_start3A_334 = arith.constant 0 : i32
      %dma_start3A_335 = tpu.memref_slice %arg13[%dma_start3A_334] : memref<8192xf32, #tpu.memory_space<vmem>> -> memref<7936xf32, #tpu.memory_space<vmem>>
      tpu.enqueue_dma source(%dma_start3A_335 : memref<7936xf32, #tpu.memory_space<vmem>>) target(%dma_start3A_333 : memref<7936xf32, #tpu.memory_space<hbm>>) target_semaphore(%arg16 : memref<!tpu.dma_semaphore, #tpu.memory_space<semaphore_mem>>)
    } else {
    }
    %scan3A_71 = arith.constant 0 : i32
    %scan3A_72 = arith.constant 1023 : i32
    %scan3A_73 = arith.constant 0 : i32
    %scan3A_74 = arith.constant 10 : i32
    %scan3A_75 = arith.addi %scan3A_73, %scan3A_74 : i32
    %scan3A_76 = arith.constant 1 : i32
    %scan3A_77:2 = scf.for %scan3A_308 = %scan3A_73 to %scan3A_75 step %scan3A_76 iter_args(%scan3A_309 = %scan3A_71, %scan3A_310 = %scan3A_72) -> (i32, i32)  : i32 {
      %add3A_311 = arith.addi %scan3A_309, %scan3A_310 : i32
      %add3A_312 = arith.constant 1 : i32
      %add3A_313 = arith.addi %add3A_311, %add3A_312 : i32
      %shift_right_logical3A_314 = arith.constant 1 : i32
      %shift_right_logical3A_315 = arith.shrui %add3A_313, %shift_right_logical3A_314 : i32
      %mul3A_316 = arith.constant 1023 : i32
      %mul3A_317 = arith.muli %shift_right_logical3A_315, %mul3A_316 : i32
      %sub3A_318 = arith.constant 1 : i32
      %sub3A_319 = arith.subi %shift_right_logical3A_315, %sub3A_318 : i32
      %mul3A_320 = arith.muli %shift_right_logical3A_315, %sub3A_319 : i32
      %shift_right_logical3A_321 = arith.constant 1 : i32
      %shift_right_logical3A_322 = arith.shrui %mul3A_320, %shift_right_logical3A_321 : i32
      %sub3A_323 = arith.subi %mul3A_317, %shift_right_logical3A_322 : i32
      %le3A = arith.cmpi sle, %sub3A_323, %mul3A_9 : i32
      %select_n3A_324 = arith.select %le3A, %shift_right_logical3A_315, %scan3A_309 : i32
      %sub3A_325 = arith.constant 1 : i32
      %sub3A_326 = arith.subi %shift_right_logical3A_315, %sub3A_325 : i32
      %select_n3A_327 = arith.select %le3A, %scan3A_310, %sub3A_326 : i32
      scf.yield %select_n3A_324, %select_n3A_327 : i32, i32
    }
    %scan3A_78 = arith.constant 10 : i32
    %add3A_79 = arith.constant 1 : i32
    %add3A_80 = arith.addi %scan3A_77#0, %add3A_79 : i32
    %mul3A_81 = arith.constant 1023 : i32
    %mul3A_82 = arith.muli %scan3A_77#0, %mul3A_81 : i32
    %sub3A = arith.constant 1 : i32
    %sub3A_83 = arith.subi %scan3A_77#0, %sub3A : i32
    %mul3A_84 = arith.muli %scan3A_77#0, %sub3A_83 : i32
    %shift_right_logical3A = arith.constant 1 : i32
    %shift_right_logical3A_85 = arith.shrui %mul3A_84, %shift_right_logical3A : i32
    %sub3A_86 = arith.subi %mul3A_82, %shift_right_logical3A_85 : i32
    %sub3A_87 = arith.subi %mul3A_9, %sub3A_86 : i32
    %add3A_88 = arith.addi %add3A_80, %sub3A_87 : i32
    %broadcast_in_dim3A_89 = vector.broadcast %scan3A_77#0 : i32 to vector<16xi32>
    %shift_right_logical3A_90 = arith.constant 7 : i32
    %shift_right_logical3A_91 = vector.broadcast %shift_right_logical3A_90 : i32 to vector<16xi32>
    %shift_right_logical3A_92 = arith.shrui %broadcast_in_dim3A_89, %shift_right_logical3A_91 : vector<16xi32>
    %shift_left3A = arith.constant 8 : i32
    %shift_left3A_93 = vector.broadcast %shift_left3A : i32 to vector<16xi32>
    %shift_left3A_94 = arith.shli %shift_right_logical3A_92, %shift_left3A_93 : vector<16xi32>
    %and3A = arith.constant 127 : i32
    %and3A_95 = vector.broadcast %and3A : i32 to vector<16xi32>
    %and3A_96 = arith.andi %broadcast_in_dim3A_89, %and3A_95 : vector<16xi32>
    %add3A_97 = arith.addi %shift_left3A_94, %and3A_96 : vector<16xi32>
    %add3A_98 = arith.constant 0 : i32
    %add3A_99 = vector.broadcast %add3A_98 : i32 to vector<16xi32>
    %add3A_100 = arith.addi %add3A_97, %add3A_99 : vector<16xi32>
    %gather3A = tpu.vector_load_idx %arg8[%add3A_100] : memref<2048xf32, #tpu.memory_space<vmem>>[vector<16xi32>], vector<16xf32>,
    %shift_right_logical3A_101 = arith.constant 7 : i32
    %shift_right_logical3A_102 = vector.broadcast %shift_right_logical3A_101 : i32 to vector<16xi32>
    %shift_right_logical3A_103 = arith.shrui %broadcast_in_dim3A_89, %shift_right_logical3A_102 : vector<16xi32>
    %shift_left3A_104 = arith.constant 8 : i32
    %shift_left3A_105 = vector.broadcast %shift_left3A_104 : i32 to vector<16xi32>
    %shift_left3A_106 = arith.shli %shift_right_logical3A_103, %shift_left3A_105 : vector<16xi32>
    %and3A_107 = arith.constant 127 : i32
    %and3A_108 = vector.broadcast %and3A_107 : i32 to vector<16xi32>
    %and3A_109 = arith.andi %broadcast_in_dim3A_89, %and3A_108 : vector<16xi32>
    %add3A_110 = arith.addi %shift_left3A_106, %and3A_109 : vector<16xi32>
    %add3A_111 = arith.constant 128 : i32
    %add3A_112 = vector.broadcast %add3A_111 : i32 to vector<16xi32>
    %add3A_113 = arith.addi %add3A_110, %add3A_112 : vector<16xi32>
    %gather3A_114 = tpu.vector_load_idx %arg8[%add3A_113] : memref<2048xf32, #tpu.memory_space<vmem>>[vector<16xi32>], vector<16xf32>,
    %add3A_115 = arith.constant 4096 : i32
    %add3A_116 = arith.addi %mul3A_9, %add3A_115 : i32
    %min3A = arith.minsi %add3A_12, %add3A_116 : i32
    %sub3A_117 = arith.constant 1 : i32
    %sub3A_118 = arith.subi %min3A, %sub3A_117 : i32
    %scan3A_119 = arith.constant 0 : i32
    %scan3A_120 = arith.constant 1023 : i32
    %scan3A_121 = arith.constant 0 : i32
    %scan3A_122 = arith.constant 10 : i32
    %scan3A_123 = arith.addi %scan3A_121, %scan3A_122 : i32
    %scan3A_124 = arith.constant 1 : i32
    %scan3A_125:2 = scf.for %scan3A_308 = %scan3A_121 to %scan3A_123 step %scan3A_124 iter_args(%scan3A_309 = %scan3A_119, %scan3A_310 = %scan3A_120) -> (i32, i32)  : i32 {
      %add3A_311 = arith.addi %scan3A_309, %scan3A_310 : i32
      %add3A_312 = arith.constant 1 : i32
      %add3A_313 = arith.addi %add3A_311, %add3A_312 : i32
      %shift_right_logical3A_314 = arith.constant 1 : i32
      %shift_right_logical3A_315 = arith.shrui %add3A_313, %shift_right_logical3A_314 : i32
      %mul3A_316 = arith.constant 1023 : i32
      %mul3A_317 = arith.muli %shift_right_logical3A_315, %mul3A_316 : i32
      %sub3A_318 = arith.constant 1 : i32
      %sub3A_319 = arith.subi %shift_right_logical3A_315, %sub3A_318 : i32
      %mul3A_320 = arith.muli %shift_right_logical3A_315, %sub3A_319 : i32
      %shift_right_logical3A_321 = arith.constant 1 : i32
      %shift_right_logical3A_322 = arith.shrui %mul3A_320, %shift_right_logical3A_321 : i32
      %sub3A_323 = arith.subi %mul3A_317, %shift_right_logical3A_322 : i32
      %le3A = arith.cmpi sle, %sub3A_323, %sub3A_118 : i32
      %select_n3A_324 = arith.select %le3A, %shift_right_logical3A_315, %scan3A_309 : i32
      %sub3A_325 = arith.constant 1 : i32
      %sub3A_326 = arith.subi %shift_right_logical3A_315, %sub3A_325 : i32
      %select_n3A_327 = arith.select %le3A, %scan3A_310, %sub3A_326 : i32
      scf.yield %select_n3A_324, %select_n3A_327 : i32, i32
    }
    %scan3A_126 = arith.constant 10 : i32
    %sub3A_127 = arith.subi %min3A, %mul3A_9 : i32
    %shift_right_logical3A_128 = arith.constant 4 : i32
    %shift_right_logical3A_129 = arith.shrui %sub3A_127, %shift_right_logical3A_128 : i32
    %sub3A_130 = arith.subi %scan3A_125#0, %scan3A_77#0 : i32
    %add3A_131 = arith.addi %shift_right_logical3A_129, %sub3A_130 : i32
    %add3A_132 = arith.constant 2 : i32
    %add3A_133 = arith.addi %add3A_131, %add3A_132 : i32
    %while3A = arith.constant 0 : i32
    %while3A_134 = arith.constant 0 : i32
    %while3A_135 = arith.subi %add3A_133, %while3A : i32
    %while3A_136 = arith.addi %while3A, %while3A_135 : i32
    %while3A_137 = arith.constant 1 : i32
    %while3A_138 = arith.divsi %while3A_135, %while3A_137 : i32
    %while3A_139 = arith.muli %while3A_138, %while3A_137 : i32
    %while3A_140 = arith.addi %while3A, %while3A_139 : i32
    %while3A_141 = arith.constant 1 : i32
    %while3A_142:7 = scf.for %while3A_308 = %while3A to %while3A_140 step %while3A_141 iter_args(%while3A_309 = %mul3A_9, %while3A_310 = %scan3A_77#0, %while3A_311 = %add3A_88, %while3A_312 = %while3A_134, %while3A_313 = %broadcast_in_dim3A_89, %while3A_314 = %gather3A, %while3A_315 = %gather3A_114) -> (i32, i32, i32, i32, vector<16xi32>, vector<16xf32>, vector<16xf32>)  : i32 {
      %sub3A_316 = arith.constant 1024 : i32
      %sub3A_317 = arith.subi %sub3A_316, %while3A_311 : i32
      %min3A_318 = arith.constant 16 : i32
      %min3A_319 = arith.minsi %min3A_318, %sub3A_317 : i32
      %sub3A_320 = arith.subi %min3A, %while3A_309 : i32
      %min3A_321 = arith.minsi %min3A_319, %sub3A_320 : i32
      %lt3A_322 = vector.broadcast %min3A_321 : i32 to vector<16xi32>
      %lt3A_323 = arith.cmpi slt, %iota3A, %lt3A_322 : vector<16xi32>
      %add3A_324 = vector.broadcast %while3A_311 : i32 to vector<16xi32>
      %add3A_325 = arith.addi %add3A_324, %iota3A : vector<16xi32>
      %shift_right_logical3A_326 = arith.constant 7 : i32
      %shift_right_logical3A_327 = vector.broadcast %shift_right_logical3A_326 : i32 to vector<16xi32>
      %shift_right_logical3A_328 = arith.shrui %add3A_325, %shift_right_logical3A_327 : vector<16xi32>
      %shift_left3A_329 = arith.constant 8 : i32
      %shift_left3A_330 = vector.broadcast %shift_left3A_329 : i32 to vector<16xi32>
      %shift_left3A_331 = arith.shli %shift_right_logical3A_328, %shift_left3A_330 : vector<16xi32>
      %and3A_332 = arith.constant 127 : i32
      %and3A_333 = vector.broadcast %and3A_332 : i32 to vector<16xi32>
      %and3A_334 = arith.andi %add3A_325, %and3A_333 : vector<16xi32>
      %add3A_335 = arith.addi %shift_left3A_331, %and3A_334 : vector<16xi32>
      %add3A_336 = arith.constant 0 : i32
      %add3A_337 = vector.broadcast %add3A_336 : i32 to vector<16xi32>
      %add3A_338 = arith.addi %add3A_335, %add3A_337 : vector<16xi32>
      %gather3A_339 = tpu.vector_load_idx %arg8[%add3A_338] masked %lt3A_323 : memref<2048xf32, #tpu.memory_space<vmem>>[vector<16xi32>], vector<16xf32>, vector<16xi1>
      %add3A_340 = arith.constant 128 : i32
      %add3A_341 = vector.broadcast %add3A_340 : i32 to vector<16xi32>
      %add3A_342 = arith.addi %add3A_338, %add3A_341 : vector<16xi32>
      %gather3A_343 = tpu.vector_load_idx %arg8[%add3A_342] masked %lt3A_323 : memref<2048xf32, #tpu.memory_space<vmem>>[vector<16xi32>], vector<16xf32>, vector<16xi1>
      %add3A_344 = vector.broadcast %while3A_312 : i32 to vector<16xi32>
      %add3A_345 = arith.addi %add3A_344, %iota3A : vector<16xi32>
      %shift_right_logical3A_346 = arith.constant 7 : i32
      %shift_right_logical3A_347 = vector.broadcast %shift_right_logical3A_346 : i32 to vector<16xi32>
      %shift_right_logical3A_348 = arith.shrui %add3A_345, %shift_right_logical3A_347 : vector<16xi32>
      %and3A_349 = arith.constant 127 : i32
      %and3A_350 = vector.broadcast %and3A_349 : i32 to vector<16xi32>
      %and3A_351 = arith.andi %add3A_345, %and3A_350 : vector<16xi32>
      %shift_left3A_352 = arith.constant 9 : i32
      %shift_left3A_353 = vector.broadcast %shift_left3A_352 : i32 to vector<16xi32>
      %shift_left3A_354 = arith.shli %shift_right_logical3A_348, %shift_left3A_353 : vector<16xi32>
      %add3A_355 = arith.addi %shift_left3A_354, %and3A_351 : vector<16xi32>
      %shift_left3A_356 = arith.constant 8 : i32
      %shift_left3A_357 = vector.broadcast %shift_left3A_356 : i32 to vector<16xi32>
      %shift_left3A_358 = arith.shli %shift_right_logical3A_348, %shift_left3A_357 : vector<16xi32>
      %add3A_359 = arith.addi %shift_left3A_358, %and3A_351 : vector<16xi32>
      tpu.vector_store_idx %arg9[%add3A_355], %while3A_314 masked %lt3A_323 : memref<65536xf32, #tpu.memory_space<vmem>>[vector<16xi32>], vector<16xf32>, vector<16xi1>
      %add3A_360 = arith.constant 128 : i32
      %add3A_361 = vector.broadcast %add3A_360 : i32 to vector<16xi32>
      %add3A_362 = arith.addi %add3A_355, %add3A_361 : vector<16xi32>
      tpu.vector_store_idx %arg9[%add3A_362], %while3A_315 masked %lt3A_323 : memref<65536xf32, #tpu.memory_space<vmem>>[vector<16xi32>], vector<16xf32>, vector<16xi1>
      %add3A_363 = arith.constant 256 : i32
      %add3A_364 = vector.broadcast %add3A_363 : i32 to vector<16xi32>
      %add3A_365 = arith.addi %add3A_355, %add3A_364 : vector<16xi32>
      tpu.vector_store_idx %arg9[%add3A_365], %gather3A_339 masked %lt3A_323 : memref<65536xf32, #tpu.memory_space<vmem>>[vector<16xi32>], vector<16xf32>, vector<16xi1>
      %add3A_366 = arith.constant 384 : i32
      %add3A_367 = vector.broadcast %add3A_366 : i32 to vector<16xi32>
      %add3A_368 = arith.addi %add3A_355, %add3A_367 : vector<16xi32>
      tpu.vector_store_idx %arg9[%add3A_368], %gather3A_343 masked %lt3A_323 : memref<65536xf32, #tpu.memory_space<vmem>>[vector<16xi32>], vector<16xf32>, vector<16xi1>
      tpu.vector_store_idx %arg10[%add3A_359], %while3A_313 masked %lt3A_323 : memref<32768xi32, #tpu.memory_space<vmem>>[vector<16xi32>], vector<16xi32>, vector<16xi1>
      %add3A_369 = arith.constant 128 : i32
      %add3A_370 = vector.broadcast %add3A_369 : i32 to vector<16xi32>
      %add3A_371 = arith.addi %add3A_359, %add3A_370 : vector<16xi32>
      tpu.vector_store_idx %arg10[%add3A_371], %add3A_325 masked %lt3A_323 : memref<32768xi32, #tpu.memory_space<vmem>>[vector<16xi32>], vector<16xi32>, vector<16xi1>
      %add3A_372 = arith.addi %while3A_309, %min3A_321 : i32
      %add3A_373 = arith.addi %while3A_312, %min3A_321 : i32
      %add3A_374 = arith.addi %while3A_311, %min3A_321 : i32
      %ge3A = arith.constant 1024 : i32
      %ge3A_375 = arith.cmpi sge, %add3A_374, %ge3A : i32
      %lt3A_376 = arith.constant 1022 : i32
      %lt3A_377 = arith.cmpi slt, %while3A_310, %lt3A_376 : i32
      %and3A_378 = arith.andi %ge3A_375, %lt3A_377 : i1
      %add3A_379 = arith.constant 1 : i32
      %add3A_380 = arith.addi %while3A_310, %add3A_379 : i32
      %select_n3A_381 = arith.select %and3A_378, %add3A_380, %while3A_310 : i32
      %add3A_382 = arith.constant 1 : i32
      %add3A_383 = arith.addi %select_n3A_381, %add3A_382 : i32
      %select_n3A_384 = arith.select %and3A_378, %add3A_383, %add3A_374 : i32
      %convert_element_type3A_385 = arith.extui %and3A_378 : i1 to i32
      %cond3A_386 = arith.constant 0 : i32
      %cond3A_387 = arith.cmpi ne, %convert_element_type3A_385, %cond3A_386 : i32
      %cond3A_388:3 = scf.if %cond3A_387 -> (vector<16xi32>, vector<16xf32>, vector<16xf32>) {
        %broadcast_in_dim3A_389 = vector.broadcast %select_n3A_381 : i32 to vector<16xi32>
        %shift_right_logical3A_390 = arith.constant 7 : i32
        %shift_right_logical3A_391 = vector.broadcast %shift_right_logical3A_390 : i32 to vector<16xi32>
        %shift_right_logical3A_392 = arith.shrui %broadcast_in_dim3A_389, %shift_right_logical3A_391 : vector<16xi32>
        %shift_left3A_393 = arith.constant 8 : i32
        %shift_left3A_394 = vector.broadcast %shift_left3A_393 : i32 to vector<16xi32>
        %shift_left3A_395 = arith.shli %shift_right_logical3A_392, %shift_left3A_394 : vector<16xi32>
        %and3A_396 = arith.constant 127 : i32
        %and3A_397 = vector.broadcast %and3A_396 : i32 to vector<16xi32>
        %and3A_398 = arith.andi %broadcast_in_dim3A_389, %and3A_397 : vector<16xi32>
        %add3A_399 = arith.addi %shift_left3A_395, %and3A_398 : vector<16xi32>
        %add3A_400 = arith.constant 0 : i32
        %add3A_401 = vector.broadcast %add3A_400 : i32 to vector<16xi32>
        %add3A_402 = arith.addi %add3A_399, %add3A_401 : vector<16xi32>
        %gather3A_403 = tpu.vector_load_idx %arg8[%add3A_402] : memref<2048xf32, #tpu.memory_space<vmem>>[vector<16xi32>], vector<16xf32>,
        %shift_right_logical3A_404 = arith.constant 7 : i32
        %shift_right_logical3A_405 = vector.broadcast %shift_right_logical3A_404 : i32 to vector<16xi32>
        %shift_right_logical3A_406 = arith.shrui %broadcast_in_dim3A_389, %shift_right_logical3A_405 : vector<16xi32>
        %shift_left3A_407 = arith.constant 8 : i32
        %shift_left3A_408 = vector.broadcast %shift_left3A_407 : i32 to vector<16xi32>
        %shift_left3A_409 = arith.shli %shift_right_logical3A_406, %shift_left3A_408 : vector<16xi32>
        %and3A_410 = arith.constant 127 : i32
        %and3A_411 = vector.broadcast %and3A_410 : i32 to vector<16xi32>
        %and3A_412 = arith.andi %broadcast_in_dim3A_389, %and3A_411 : vector<16xi32>
        %add3A_413 = arith.addi %shift_left3A_409, %and3A_412 : vector<16xi32>
        %add3A_414 = arith.constant 128 : i32
        %add3A_415 = vector.broadcast %add3A_414 : i32 to vector<16xi32>
        %add3A_416 = arith.addi %add3A_413, %add3A_415 : vector<16xi32>
        %gather3A_417 = tpu.vector_load_idx %arg8[%add3A_416] : memref<2048xf32, #tpu.memory_space<vmem>>[vector<16xi32>], vector<16xf32>,
        scf.yield %broadcast_in_dim3A_389, %gather3A_403, %gather3A_417 : vector<16xi32>, vector<16xf32>, vector<16xf32>
      } else {
        scf.yield %while3A_313, %while3A_314, %while3A_315 : vector<16xi32>, vector<16xf32>, vector<16xf32>
      }
      scf.yield %add3A_372, %select_n3A_381, %select_n3A_384, %add3A_373, %cond3A_388#0, %cond3A_388#1, %cond3A_388#2 : i32, i32, i32, i32, vector<16xi32>, vector<16xf32>, vector<16xf32>
    }
    %while3A_143 = arith.constant 1 : i32
    %while3A_144:7 = scf.for %while3A_308 = %while3A_140 to %while3A_136 step %while3A_143 iter_args(%while3A_309 = %while3A_142#0, %while3A_310 = %while3A_142#1, %while3A_311 = %while3A_142#2, %while3A_312 = %while3A_142#3, %while3A_313 = %while3A_142#4, %while3A_314 = %while3A_142#5, %while3A_315 = %while3A_142#6) -> (i32, i32, i32, i32, vector<16xi32>, vector<16xf32>, vector<16xf32>)  : i32 {
      %sub3A_316 = arith.constant 1024 : i32
      %sub3A_317 = arith.subi %sub3A_316, %while3A_311 : i32
      %min3A_318 = arith.constant 16 : i32
      %min3A_319 = arith.minsi %min3A_318, %sub3A_317 : i32
      %sub3A_320 = arith.subi %min3A, %while3A_309 : i32
      %min3A_321 = arith.minsi %min3A_319, %sub3A_320 : i32
      %lt3A_322 = vector.broadcast %min3A_321 : i32 to vector<16xi32>
      %lt3A_323 = arith.cmpi slt, %iota3A, %lt3A_322 : vector<16xi32>
      %add3A_324 = vector.broadcast %while3A_311 : i32 to vector<16xi32>
      %add3A_325 = arith.addi %add3A_324, %iota3A : vector<16xi32>
      %shift_right_logical3A_326 = arith.constant 7 : i32
      %shift_right_logical3A_327 = vector.broadcast %shift_right_logical3A_326 : i32 to vector<16xi32>
      %shift_right_logical3A_328 = arith.shrui %add3A_325, %shift_right_logical3A_327 : vector<16xi32>
      %shift_left3A_329 = arith.constant 8 : i32
      %shift_left3A_330 = vector.broadcast %shift_left3A_329 : i32 to vector<16xi32>
      %shift_left3A_331 = arith.shli %shift_right_logical3A_328, %shift_left3A_330 : vector<16xi32>
      %and3A_332 = arith.constant 127 : i32
      %and3A_333 = vector.broadcast %and3A_332 : i32 to vector<16xi32>
      %and3A_334 = arith.andi %add3A_325, %and3A_333 : vector<16xi32>
      %add3A_335 = arith.addi %shift_left3A_331, %and3A_334 : vector<16xi32>
      %add3A_336 = arith.constant 0 : i32
      %add3A_337 = vector.broadcast %add3A_336 : i32 to vector<16xi32>
      %add3A_338 = arith.addi %add3A_335, %add3A_337 : vector<16xi32>
      %gather3A_339 = tpu.vector_load_idx %arg8[%add3A_338] masked %lt3A_323 : memref<2048xf32, #tpu.memory_space<vmem>>[vector<16xi32>], vector<16xf32>, vector<16xi1>
      %add3A_340 = arith.constant 128 : i32
      %add3A_341 = vector.broadcast %add3A_340 : i32 to vector<16xi32>
      %add3A_342 = arith.addi %add3A_338, %add3A_341 : vector<16xi32>
      %gather3A_343 = tpu.vector_load_idx %arg8[%add3A_342] masked %lt3A_323 : memref<2048xf32, #tpu.memory_space<vmem>>[vector<16xi32>], vector<16xf32>, vector<16xi1>
      %add3A_344 = vector.broadcast %while3A_312 : i32 to vector<16xi32>
      %add3A_345 = arith.addi %add3A_344, %iota3A : vector<16xi32>
      %shift_right_logical3A_346 = arith.constant 7 : i32
      %shift_right_logical3A_347 = vector.broadcast %shift_right_logical3A_346 : i32 to vector<16xi32>
      %shift_right_logical3A_348 = arith.shrui %add3A_345, %shift_right_logical3A_347 : vector<16xi32>
      %and3A_349 = arith.constant 127 : i32
      %and3A_350 = vector.broadcast %and3A_349 : i32 to vector<16xi32>
      %and3A_351 = arith.andi %add3A_345, %and3A_350 : vector<16xi32>
      %shift_left3A_352 = arith.constant 9 : i32
      %shift_left3A_353 = vector.broadcast %shift_left3A_352 : i32 to vector<16xi32>
      %shift_left3A_354 = arith.shli %shift_right_logical3A_348, %shift_left3A_353 : vector<16xi32>
      %add3A_355 = arith.addi %shift_left3A_354, %and3A_351 : vector<16xi32>
      %shift_left3A_356 = arith.constant 8 : i32
      %shift_left3A_357 = vector.broadcast %shift_left3A_356 : i32 to vector<16xi32>
      %shift_left3A_358 = arith.shli %shift_right_logical3A_348, %shift_left3A_357 : vector<16xi32>
      %add3A_359 = arith.addi %shift_left3A_358, %and3A_351 : vector<16xi32>
      tpu.vector_store_idx %arg9[%add3A_355], %while3A_314 masked %lt3A_323 : memref<65536xf32, #tpu.memory_space<vmem>>[vector<16xi32>], vector<16xf32>, vector<16xi1>
      %add3A_360 = arith.constant 128 : i32
      %add3A_361 = vector.broadcast %add3A_360 : i32 to vector<16xi32>
      %add3A_362 = arith.addi %add3A_355, %add3A_361 : vector<16xi32>
      tpu.vector_store_idx %arg9[%add3A_362], %while3A_315 masked %lt3A_323 : memref<65536xf32, #tpu.memory_space<vmem>>[vector<16xi32>], vector<16xf32>, vector<16xi1>
      %add3A_363 = arith.constant 256 : i32
      %add3A_364 = vector.broadcast %add3A_363 : i32 to vector<16xi32>
      %add3A_365 = arith.addi %add3A_355, %add3A_364 : vector<16xi32>
      tpu.vector_store_idx %arg9[%add3A_365], %gather3A_339 masked %lt3A_323 : memref<65536xf32, #tpu.memory_space<vmem>>[vector<16xi32>], vector<16xf32>, vector<16xi1>
      %add3A_366 = arith.constant 384 : i32
      %add3A_367 = vector.broadcast %add3A_366 : i32 to vector<16xi32>
      %add3A_368 = arith.addi %add3A_355, %add3A_367 : vector<16xi32>
      tpu.vector_store_idx %arg9[%add3A_368], %gather3A_343 masked %lt3A_323 : memref<65536xf32, #tpu.memory_space<vmem>>[vector<16xi32>], vector<16xf32>, vector<16xi1>
      tpu.vector_store_idx %arg10[%add3A_359], %while3A_313 masked %lt3A_323 : memref<32768xi32, #tpu.memory_space<vmem>>[vector<16xi32>], vector<16xi32>, vector<16xi1>
      %add3A_369 = arith.constant 128 : i32
      %add3A_370 = vector.broadcast %add3A_369 : i32 to vector<16xi32>
      %add3A_371 = arith.addi %add3A_359, %add3A_370 : vector<16xi32>
      tpu.vector_store_idx %arg10[%add3A_371], %add3A_325 masked %lt3A_323 : memref<32768xi32, #tpu.memory_space<vmem>>[vector<16xi32>], vector<16xi32>, vector<16xi1>
      %add3A_372 = arith.addi %while3A_309, %min3A_321 : i32
      %add3A_373 = arith.addi %while3A_312, %min3A_321 : i32
      %add3A_374 = arith.addi %while3A_311, %min3A_321 : i32
      %ge3A = arith.constant 1024 : i32
      %ge3A_375 = arith.cmpi sge, %add3A_374, %ge3A : i32
      %lt3A_376 = arith.constant 1022 : i32
      %lt3A_377 = arith.cmpi slt, %while3A_310, %lt3A_376 : i32
      %and3A_378 = arith.andi %ge3A_375, %lt3A_377 : i1
      %add3A_379 = arith.constant 1 : i32
      %add3A_380 = arith.addi %while3A_310, %add3A_379 : i32
      %select_n3A_381 = arith.select %and3A_378, %add3A_380, %while3A_310 : i32
      %add3A_382 = arith.constant 1 : i32
      %add3A_383 = arith.addi %select_n3A_381, %add3A_382 : i32
      %select_n3A_384 = arith.select %and3A_378, %add3A_383, %add3A_374 : i32
      %convert_element_type3A_385 = arith.extui %and3A_378 : i1 to i32
      %cond3A_386 = arith.constant 0 : i32
      %cond3A_387 = arith.cmpi ne, %convert_element_type3A_385, %cond3A_386 : i32
      %cond3A_388:3 = scf.if %cond3A_387 -> (vector<16xi32>, vector<16xf32>, vector<16xf32>) {
        %broadcast_in_dim3A_389 = vector.broadcast %select_n3A_381 : i32 to vector<16xi32>
        %shift_right_logical3A_390 = arith.constant 7 : i32
        %shift_right_logical3A_391 = vector.broadcast %shift_right_logical3A_390 : i32 to vector<16xi32>
        %shift_right_logical3A_392 = arith.shrui %broadcast_in_dim3A_389, %shift_right_logical3A_391 : vector<16xi32>
        %shift_left3A_393 = arith.constant 8 : i32
        %shift_left3A_394 = vector.broadcast %shift_left3A_393 : i32 to vector<16xi32>
        %shift_left3A_395 = arith.shli %shift_right_logical3A_392, %shift_left3A_394 : vector<16xi32>
        %and3A_396 = arith.constant 127 : i32
        %and3A_397 = vector.broadcast %and3A_396 : i32 to vector<16xi32>
        %and3A_398 = arith.andi %broadcast_in_dim3A_389, %and3A_397 : vector<16xi32>
        %add3A_399 = arith.addi %shift_left3A_395, %and3A_398 : vector<16xi32>
        %add3A_400 = arith.constant 0 : i32
        %add3A_401 = vector.broadcast %add3A_400 : i32 to vector<16xi32>
        %add3A_402 = arith.addi %add3A_399, %add3A_401 : vector<16xi32>
        %gather3A_403 = tpu.vector_load_idx %arg8[%add3A_402] : memref<2048xf32, #tpu.memory_space<vmem>>[vector<16xi32>], vector<16xf32>,
        %shift_right_logical3A_404 = arith.constant 7 : i32
        %shift_right_logical3A_405 = vector.broadcast %shift_right_logical3A_404 : i32 to vector<16xi32>
        %shift_right_logical3A_406 = arith.shrui %broadcast_in_dim3A_389, %shift_right_logical3A_405 : vector<16xi32>
        %shift_left3A_407 = arith.constant 8 : i32
        %shift_left3A_408 = vector.broadcast %shift_left3A_407 : i32 to vector<16xi32>
        %shift_left3A_409 = arith.shli %shift_right_logical3A_406, %shift_left3A_408 : vector<16xi32>
        %and3A_410 = arith.constant 127 : i32
        %and3A_411 = vector.broadcast %and3A_410 : i32 to vector<16xi32>
        %and3A_412 = arith.andi %broadcast_in_dim3A_389, %and3A_411 : vector<16xi32>
        %add3A_413 = arith.addi %shift_left3A_409, %and3A_412 : vector<16xi32>
        %add3A_414 = arith.constant 128 : i32
        %add3A_415 = vector.broadcast %add3A_414 : i32 to vector<16xi32>
        %add3A_416 = arith.addi %add3A_413, %add3A_415 : vector<16xi32>
        %gather3A_417 = tpu.vector_load_idx %arg8[%add3A_416] : memref<2048xf32, #tpu.memory_space<vmem>>[vector<16xi32>], vector<16xf32>,
        scf.yield %broadcast_in_dim3A_389, %gather3A_403, %gather3A_417 : vector<16xi32>, vector<16xf32>, vector<16xf32>
      } else {
        scf.yield %while3A_313, %while3A_314, %while3A_315 : vector<16xi32>, vector<16xf32>, vector<16xf32>
      }
      scf.yield %add3A_372, %select_n3A_381, %select_n3A_384, %add3A_373, %cond3A_388#0, %cond3A_388#1, %cond3A_388#2 : i32, i32, i32, i32, vector<16xi32>, vector<16xf32>, vector<16xf32>
    }
    %mul3A_145 = arith.constant 512 : i32
    %mul3A_146 = arith.muli %select_n3A, %mul3A_145 : i32
    %add3A_147 = arith.constant 0 : i32
    %add3A_148 = arith.addi %mul3A_146, %add3A_147 : i32
    %dma_start3A = arith.constant 0 : i32
    %dma_start3A_149 = tpu.memref_slice %arg9[%dma_start3A] : memref<65536xf32, #tpu.memory_space<vmem>> -> memref<16384xf32, #tpu.memory_space<vmem>>
    %dma_start3A_150 = tpu.memref_slice %arg3[%add3A_148] : memref<2095104xf32, #tpu.memory_space<hbm>> -> memref<16384xf32, #tpu.memory_space<hbm>>
    %dma_start3A_151 = tpu.memref_slice %arg3[%add3A_148] : memref<2095104xf32, #tpu.memory_space<hbm>> -> memref<16384xf32, #tpu.memory_space<hbm>>
    %dma_start3A_152 = arith.constant 0 : i32
    %dma_start3A_153 = tpu.memref_slice %arg9[%dma_start3A_152] : memref<65536xf32, #tpu.memory_space<vmem>> -> memref<16384xf32, #tpu.memory_space<vmem>>
    tpu.enqueue_dma source(%dma_start3A_153 : memref<16384xf32, #tpu.memory_space<vmem>>) target(%dma_start3A_151 : memref<16384xf32, #tpu.memory_space<hbm>>) target_semaphore(%arg14 : memref<!tpu.dma_semaphore, #tpu.memory_space<semaphore_mem>>)
    %mul3A_154 = arith.constant 256 : i32
    %mul3A_155 = arith.muli %select_n3A, %mul3A_154 : i32
    %add3A_156 = arith.constant 0 : i32
    %add3A_157 = arith.addi %mul3A_155, %add3A_156 : i32
    %dma_start3A_158 = arith.constant 0 : i32
    %dma_start3A_159 = tpu.memref_slice %arg10[%dma_start3A_158] : memref<32768xi32, #tpu.memory_space<vmem>> -> memref<8192xi32, #tpu.memory_space<vmem>>
    %dma_start3A_160 = tpu.memref_slice %arg4[%add3A_157] : memref<1047552xi32, #tpu.memory_space<hbm>> -> memref<8192xi32, #tpu.memory_space<hbm>>
    %dma_start3A_161 = tpu.memref_slice %arg4[%add3A_157] : memref<1047552xi32, #tpu.memory_space<hbm>> -> memref<8192xi32, #tpu.memory_space<hbm>>
    %dma_start3A_162 = arith.constant 0 : i32
    %dma_start3A_163 = tpu.memref_slice %arg10[%dma_start3A_162] : memref<32768xi32, #tpu.memory_space<vmem>> -> memref<8192xi32, #tpu.memory_space<vmem>>
    tpu.enqueue_dma source(%dma_start3A_163 : memref<8192xi32, #tpu.memory_space<vmem>>) target(%dma_start3A_161 : memref<8192xi32, #tpu.memory_space<hbm>>) target_semaphore(%arg15 : memref<!tpu.dma_semaphore, #tpu.memory_space<semaphore_mem>>)
    %add3A_164 = arith.constant 8192 : i32
    %add3A_165 = arith.addi %mul3A_9, %add3A_164 : i32
    %min3A_166 = arith.minsi %add3A_12, %add3A_165 : i32
    %sub3A_167 = arith.constant 1 : i32
    %sub3A_168 = arith.subi %min3A_166, %sub3A_167 : i32
    %scan3A_169 = arith.constant 0 : i32
    %scan3A_170 = arith.constant 1023 : i32
    %scan3A_171 = arith.constant 0 : i32
    %scan3A_172 = arith.constant 10 : i32
    %scan3A_173 = arith.addi %scan3A_171, %scan3A_172 : i32
    %scan3A_174 = arith.constant 1 : i32
    %scan3A_175:2 = scf.for %scan3A_308 = %scan3A_171 to %scan3A_173 step %scan3A_174 iter_args(%scan3A_309 = %scan3A_169, %scan3A_310 = %scan3A_170) -> (i32, i32)  : i32 {
      %add3A_311 = arith.addi %scan3A_309, %scan3A_310 : i32
      %add3A_312 = arith.constant 1 : i32
      %add3A_313 = arith.addi %add3A_311, %add3A_312 : i32
      %shift_right_logical3A_314 = arith.constant 1 : i32
      %shift_right_logical3A_315 = arith.shrui %add3A_313, %shift_right_logical3A_314 : i32
      %mul3A_316 = arith.constant 1023 : i32
      %mul3A_317 = arith.muli %shift_right_logical3A_315, %mul3A_316 : i32
      %sub3A_318 = arith.constant 1 : i32
      %sub3A_319 = arith.subi %shift_right_logical3A_315, %sub3A_318 : i32
      %mul3A_320 = arith.muli %shift_right_logical3A_315, %sub3A_319 : i32
      %shift_right_logical3A_321 = arith.constant 1 : i32
      %shift_right_logical3A_322 = arith.shrui %mul3A_320, %shift_right_logical3A_321 : i32
      %sub3A_323 = arith.subi %mul3A_317, %shift_right_logical3A_322 : i32
      %le3A = arith.cmpi sle, %sub3A_323, %sub3A_168 : i32
      %select_n3A_324 = arith.select %le3A, %shift_right_logical3A_315, %scan3A_309 : i32
      %sub3A_325 = arith.constant 1 : i32
      %sub3A_326 = arith.subi %shift_right_logical3A_315, %sub3A_325 : i32
      %select_n3A_327 = arith.select %le3A, %scan3A_310, %sub3A_326 : i32
      scf.yield %select_n3A_324, %select_n3A_327 : i32, i32
    }
    %scan3A_176 = arith.constant 10 : i32
    %sub3A_177 = arith.subi %min3A_166, %while3A_144#0 : i32
    %shift_right_logical3A_178 = arith.constant 4 : i32
    %shift_right_logical3A_179 = arith.shrui %sub3A_177, %shift_right_logical3A_178 : i32
    %sub3A_180 = arith.subi %scan3A_175#0, %while3A_144#1 : i32
    %add3A_181 = arith.addi %shift_right_logical3A_179, %sub3A_180 : i32
    %add3A_182 = arith.constant 2 : i32
    %add3A_183 = arith.addi %add3A_181, %add3A_182 : i32
    %while3A_184 = arith.constant 0 : i32
    %while3A_185 = arith.subi %add3A_183, %while3A_184 : i32
    %while3A_186 = arith.addi %while3A_184, %while3A_185 : i32
    %while3A_187 = arith.constant 1 : i32
    %while3A_188 = arith.divsi %while3A_185, %while3A_187 : i32
    %while3A_189 = arith.muli %while3A_188, %while3A_187 : i32
    %while3A_190 = arith.addi %while3A_184, %while3A_189 : i32
    %while3A_191 = arith.constant 1 : i32
    %while3A_192:7 = scf.for %while3A_308 = %while3A_184 to %while3A_190 step %while3A_191 iter_args(%while3A_309 = %while3A_144#0, %while3A_310 = %while3A_144#1, %while3A_311 = %while3A_144#2, %while3A_312 = %while3A_144#3, %while3A_313 = %while3A_144#4, %while3A_314 = %while3A_144#5, %while3A_315 = %while3A_144#6) -> (i32, i32, i32, i32, vector<16xi32>, vector<16xf32>, vector<16xf32>)  : i32 {
      %sub3A_316 = arith.constant 1024 : i32
      %sub3A_317 = arith.subi %sub3A_316, %while3A_311 : i32
      %min3A_318 = arith.constant 16 : i32
      %min3A_319 = arith.minsi %min3A_318, %sub3A_317 : i32
      %sub3A_320 = arith.subi %min3A_166, %while3A_309 : i32
      %min3A_321 = arith.minsi %min3A_319, %sub3A_320 : i32
      %lt3A_322 = vector.broadcast %min3A_321 : i32 to vector<16xi32>
      %lt3A_323 = arith.cmpi slt, %iota3A, %lt3A_322 : vector<16xi32>
      %add3A_324 = vector.broadcast %while3A_311 : i32 to vector<16xi32>
      %add3A_325 = arith.addi %add3A_324, %iota3A : vector<16xi32>
      %shift_right_logical3A_326 = arith.constant 7 : i32
      %shift_right_logical3A_327 = vector.broadcast %shift_right_logical3A_326 : i32 to vector<16xi32>
      %shift_right_logical3A_328 = arith.shrui %add3A_325, %shift_right_logical3A_327 : vector<16xi32>
      %shift_left3A_329 = arith.constant 8 : i32
      %shift_left3A_330 = vector.broadcast %shift_left3A_329 : i32 to vector<16xi32>
      %shift_left3A_331 = arith.shli %shift_right_logical3A_328, %shift_left3A_330 : vector<16xi32>
      %and3A_332 = arith.constant 127 : i32
      %and3A_333 = vector.broadcast %and3A_332 : i32 to vector<16xi32>
      %and3A_334 = arith.andi %add3A_325, %and3A_333 : vector<16xi32>
      %add3A_335 = arith.addi %shift_left3A_331, %and3A_334 : vector<16xi32>
      %add3A_336 = arith.constant 0 : i32
      %add3A_337 = vector.broadcast %add3A_336 : i32 to vector<16xi32>
      %add3A_338 = arith.addi %add3A_335, %add3A_337 : vector<16xi32>
      %gather3A_339 = tpu.vector_load_idx %arg8[%add3A_338] masked %lt3A_323 : memref<2048xf32, #tpu.memory_space<vmem>>[vector<16xi32>], vector<16xf32>, vector<16xi1>
      %add3A_340 = arith.constant 128 : i32
      %add3A_341 = vector.broadcast %add3A_340 : i32 to vector<16xi32>
      %add3A_342 = arith.addi %add3A_338, %add3A_341 : vector<16xi32>
      %gather3A_343 = tpu.vector_load_idx %arg8[%add3A_342] masked %lt3A_323 : memref<2048xf32, #tpu.memory_space<vmem>>[vector<16xi32>], vector<16xf32>, vector<16xi1>
      %add3A_344 = vector.broadcast %while3A_312 : i32 to vector<16xi32>
      %add3A_345 = arith.addi %add3A_344, %iota3A : vector<16xi32>
      %shift_right_logical3A_346 = arith.constant 7 : i32
      %shift_right_logical3A_347 = vector.broadcast %shift_right_logical3A_346 : i32 to vector<16xi32>
      %shift_right_logical3A_348 = arith.shrui %add3A_345, %shift_right_logical3A_347 : vector<16xi32>
      %and3A_349 = arith.constant 127 : i32
      %and3A_350 = vector.broadcast %and3A_349 : i32 to vector<16xi32>
      %and3A_351 = arith.andi %add3A_345, %and3A_350 : vector<16xi32>
      %shift_left3A_352 = arith.constant 9 : i32
      %shift_left3A_353 = vector.broadcast %shift_left3A_352 : i32 to vector<16xi32>
      %shift_left3A_354 = arith.shli %shift_right_logical3A_348, %shift_left3A_353 : vector<16xi32>
      %add3A_355 = arith.addi %shift_left3A_354, %and3A_351 : vector<16xi32>
      %shift_left3A_356 = arith.constant 8 : i32
      %shift_left3A_357 = vector.broadcast %shift_left3A_356 : i32 to vector<16xi32>
      %shift_left3A_358 = arith.shli %shift_right_logical3A_348, %shift_left3A_357 : vector<16xi32>
      %add3A_359 = arith.addi %shift_left3A_358, %and3A_351 : vector<16xi32>
      tpu.vector_store_idx %arg9[%add3A_355], %while3A_314 masked %lt3A_323 : memref<65536xf32, #tpu.memory_space<vmem>>[vector<16xi32>], vector<16xf32>, vector<16xi1>
      %add3A_360 = arith.constant 128 : i32
      %add3A_361 = vector.broadcast %add3A_360 : i32 to vector<16xi32>
      %add3A_362 = arith.addi %add3A_355, %add3A_361 : vector<16xi32>
      tpu.vector_store_idx %arg9[%add3A_362], %while3A_315 masked %lt3A_323 : memref<65536xf32, #tpu.memory_space<vmem>>[vector<16xi32>], vector<16xf32>, vector<16xi1>
      %add3A_363 = arith.constant 256 : i32
      %add3A_364 = vector.broadcast %add3A_363 : i32 to vector<16xi32>
      %add3A_365 = arith.addi %add3A_355, %add3A_364 : vector<16xi32>
      tpu.vector_store_idx %arg9[%add3A_365], %gather3A_339 masked %lt3A_323 : memref<65536xf32, #tpu.memory_space<vmem>>[vector<16xi32>], vector<16xf32>, vector<16xi1>
      %add3A_366 = arith.constant 384 : i32
      %add3A_367 = vector.broadcast %add3A_366 : i32 to vector<16xi32>
      %add3A_368 = arith.addi %add3A_355, %add3A_367 : vector<16xi32>
      tpu.vector_store_idx %arg9[%add3A_368], %gather3A_343 masked %lt3A_323 : memref<65536xf32, #tpu.memory_space<vmem>>[vector<16xi32>], vector<16xf32>, vector<16xi1>
      tpu.vector_store_idx %arg10[%add3A_359], %while3A_313 masked %lt3A_323 : memref<32768xi32, #tpu.memory_space<vmem>>[vector<16xi32>], vector<16xi32>, vector<16xi1>
      %add3A_369 = arith.constant 128 : i32
      %add3A_370 = vector.broadcast %add3A_369 : i32 to vector<16xi32>
      %add3A_371 = arith.addi %add3A_359, %add3A_370 : vector<16xi32>
      tpu.vector_store_idx %arg10[%add3A_371], %add3A_325 masked %lt3A_323 : memref<32768xi32, #tpu.memory_space<vmem>>[vector<16xi32>], vector<16xi32>, vector<16xi1>
      %add3A_372 = arith.addi %while3A_309, %min3A_321 : i32
      %add3A_373 = arith.addi %while3A_312, %min3A_321 : i32
      %add3A_374 = arith.addi %while3A_311, %min3A_321 : i32
      %ge3A = arith.constant 1024 : i32
      %ge3A_375 = arith.cmpi sge, %add3A_374, %ge3A : i32
      %lt3A_376 = arith.constant 1022 : i32
      %lt3A_377 = arith.cmpi slt, %while3A_310, %lt3A_376 : i32
      %and3A_378 = arith.andi %ge3A_375, %lt3A_377 : i1
      %add3A_379 = arith.constant 1 : i32
      %add3A_380 = arith.addi %while3A_310, %add3A_379 : i32
      %select_n3A_381 = arith.select %and3A_378, %add3A_380, %while3A_310 : i32
      %add3A_382 = arith.constant 1 : i32
      %add3A_383 = arith.addi %select_n3A_381, %add3A_382 : i32
      %select_n3A_384 = arith.select %and3A_378, %add3A_383, %add3A_374 : i32
      %convert_element_type3A_385 = arith.extui %and3A_378 : i1 to i32
      %cond3A_386 = arith.constant 0 : i32
      %cond3A_387 = arith.cmpi ne, %convert_element_type3A_385, %cond3A_386 : i32
      %cond3A_388:3 = scf.if %cond3A_387 -> (vector<16xi32>, vector<16xf32>, vector<16xf32>) {
        %broadcast_in_dim3A_389 = vector.broadcast %select_n3A_381 : i32 to vector<16xi32>
        %shift_right_logical3A_390 = arith.constant 7 : i32
        %shift_right_logical3A_391 = vector.broadcast %shift_right_logical3A_390 : i32 to vector<16xi32>
        %shift_right_logical3A_392 = arith.shrui %broadcast_in_dim3A_389, %shift_right_logical3A_391 : vector<16xi32>
        %shift_left3A_393 = arith.constant 8 : i32
        %shift_left3A_394 = vector.broadcast %shift_left3A_393 : i32 to vector<16xi32>
        %shift_left3A_395 = arith.shli %shift_right_logical3A_392, %shift_left3A_394 : vector<16xi32>
        %and3A_396 = arith.constant 127 : i32
        %and3A_397 = vector.broadcast %and3A_396 : i32 to vector<16xi32>
        %and3A_398 = arith.andi %broadcast_in_dim3A_389, %and3A_397 : vector<16xi32>
        %add3A_399 = arith.addi %shift_left3A_395, %and3A_398 : vector<16xi32>
        %add3A_400 = arith.constant 0 : i32
        %add3A_401 = vector.broadcast %add3A_400 : i32 to vector<16xi32>
        %add3A_402 = arith.addi %add3A_399, %add3A_401 : vector<16xi32>
        %gather3A_403 = tpu.vector_load_idx %arg8[%add3A_402] : memref<2048xf32, #tpu.memory_space<vmem>>[vector<16xi32>], vector<16xf32>,
        %shift_right_logical3A_404 = arith.constant 7 : i32
        %shift_right_logical3A_405 = vector.broadcast %shift_right_logical3A_404 : i32 to vector<16xi32>
        %shift_right_logical3A_406 = arith.shrui %broadcast_in_dim3A_389, %shift_right_logical3A_405 : vector<16xi32>
        %shift_left3A_407 = arith.constant 8 : i32
        %shift_left3A_408 = vector.broadcast %shift_left3A_407 : i32 to vector<16xi32>
        %shift_left3A_409 = arith.shli %shift_right_logical3A_406, %shift_left3A_408 : vector<16xi32>
        %and3A_410 = arith.constant 127 : i32
        %and3A_411 = vector.broadcast %and3A_410 : i32 to vector<16xi32>
        %and3A_412 = arith.andi %broadcast_in_dim3A_389, %and3A_411 : vector<16xi32>
        %add3A_413 = arith.addi %shift_left3A_409, %and3A_412 : vector<16xi32>
        %add3A_414 = arith.constant 128 : i32
        %add3A_415 = vector.broadcast %add3A_414 : i32 to vector<16xi32>
        %add3A_416 = arith.addi %add3A_413, %add3A_415 : vector<16xi32>
        %gather3A_417 = tpu.vector_load_idx %arg8[%add3A_416] : memref<2048xf32, #tpu.memory_space<vmem>>[vector<16xi32>], vector<16xf32>,
        scf.yield %broadcast_in_dim3A_389, %gather3A_403, %gather3A_417 : vector<16xi32>, vector<16xf32>, vector<16xf32>
      } else {
        scf.yield %while3A_313, %while3A_314, %while3A_315 : vector<16xi32>, vector<16xf32>, vector<16xf32>
      }
      scf.yield %add3A_372, %select_n3A_381, %select_n3A_384, %add3A_373, %cond3A_388#0, %cond3A_388#1, %cond3A_388#2 : i32, i32, i32, i32, vector<16xi32>, vector<16xf32>, vector<16xf32>
    }
    %while3A_193 = arith.constant 1 : i32
    %while3A_194:7 = scf.for %while3A_308 = %while3A_190 to %while3A_186 step %while3A_193 iter_args(%while3A_309 = %while3A_192#0, %while3A_310 = %while3A_192#1, %while3A_311 = %while3A_192#2, %while3A_312 = %while3A_192#3, %while3A_313 = %while3A_192#4, %while3A_314 = %while3A_192#5, %while3A_315 = %while3A_192#6) -> (i32, i32, i32, i32, vector<16xi32>, vector<16xf32>, vector<16xf32>)  : i32 {
      %sub3A_316 = arith.constant 1024 : i32
      %sub3A_317 = arith.subi %sub3A_316, %while3A_311 : i32
      %min3A_318 = arith.constant 16 : i32
      %min3A_319 = arith.minsi %min3A_318, %sub3A_317 : i32
      %sub3A_320 = arith.subi %min3A_166, %while3A_309 : i32
      %min3A_321 = arith.minsi %min3A_319, %sub3A_320 : i32
      %lt3A_322 = vector.broadcast %min3A_321 : i32 to vector<16xi32>
      %lt3A_323 = arith.cmpi slt, %iota3A, %lt3A_322 : vector<16xi32>
      %add3A_324 = vector.broadcast %while3A_311 : i32 to vector<16xi32>
      %add3A_325 = arith.addi %add3A_324, %iota3A : vector<16xi32>
      %shift_right_logical3A_326 = arith.constant 7 : i32
      %shift_right_logical3A_327 = vector.broadcast %shift_right_logical3A_326 : i32 to vector<16xi32>
      %shift_right_logical3A_328 = arith.shrui %add3A_325, %shift_right_logical3A_327 : vector<16xi32>
      %shift_left3A_329 = arith.constant 8 : i32
      %shift_left3A_330 = vector.broadcast %shift_left3A_329 : i32 to vector<16xi32>
      %shift_left3A_331 = arith.shli %shift_right_logical3A_328, %shift_left3A_330 : vector<16xi32>
      %and3A_332 = arith.constant 127 : i32
      %and3A_333 = vector.broadcast %and3A_332 : i32 to vector<16xi32>
      %and3A_334 = arith.andi %add3A_325, %and3A_333 : vector<16xi32>
      %add3A_335 = arith.addi %shift_left3A_331, %and3A_334 : vector<16xi32>
      %add3A_336 = arith.constant 0 : i32
      %add3A_337 = vector.broadcast %add3A_336 : i32 to vector<16xi32>
      %add3A_338 = arith.addi %add3A_335, %add3A_337 : vector<16xi32>
      %gather3A_339 = tpu.vector_load_idx %arg8[%add3A_338] masked %lt3A_323 : memref<2048xf32, #tpu.memory_space<vmem>>[vector<16xi32>], vector<16xf32>, vector<16xi1>
      %add3A_340 = arith.constant 128 : i32
      %add3A_341 = vector.broadcast %add3A_340 : i32 to vector<16xi32>
      %add3A_342 = arith.addi %add3A_338, %add3A_341 : vector<16xi32>
      %gather3A_343 = tpu.vector_load_idx %arg8[%add3A_342] masked %lt3A_323 : memref<2048xf32, #tpu.memory_space<vmem>>[vector<16xi32>], vector<16xf32>, vector<16xi1>
      %add3A_344 = vector.broadcast %while3A_312 : i32 to vector<16xi32>
      %add3A_345 = arith.addi %add3A_344, %iota3A : vector<16xi32>
      %shift_right_logical3A_346 = arith.constant 7 : i32
      %shift_right_logical3A_347 = vector.broadcast %shift_right_logical3A_346 : i32 to vector<16xi32>
      %shift_right_logical3A_348 = arith.shrui %add3A_345, %shift_right_logical3A_347 : vector<16xi32>
      %and3A_349 = arith.constant 127 : i32
      %and3A_350 = vector.broadcast %and3A_349 : i32 to vector<16xi32>
      %and3A_351 = arith.andi %add3A_345, %and3A_350 : vector<16xi32>
      %shift_left3A_352 = arith.constant 9 : i32
      %shift_left3A_353 = vector.broadcast %shift_left3A_352 : i32 to vector<16xi32>
      %shift_left3A_354 = arith.shli %shift_right_logical3A_348, %shift_left3A_353 : vector<16xi32>
      %add3A_355 = arith.addi %shift_left3A_354, %and3A_351 : vector<16xi32>
      %shift_left3A_356 = arith.constant 8 : i32
      %shift_left3A_357 = vector.broadcast %shift_left3A_356 : i32 to vector<16xi32>
      %shift_left3A_358 = arith.shli %shift_right_logical3A_348, %shift_left3A_357 : vector<16xi32>
      %add3A_359 = arith.addi %shift_left3A_358, %and3A_351 : vector<16xi32>
      tpu.vector_store_idx %arg9[%add3A_355], %while3A_314 masked %lt3A_323 : memref<65536xf32, #tpu.memory_space<vmem>>[vector<16xi32>], vector<16xf32>, vector<16xi1>
      %add3A_360 = arith.constant 128 : i32
      %add3A_361 = vector.broadcast %add3A_360 : i32 to vector<16xi32>
      %add3A_362 = arith.addi %add3A_355, %add3A_361 : vector<16xi32>
      tpu.vector_store_idx %arg9[%add3A_362], %while3A_315 masked %lt3A_323 : memref<65536xf32, #tpu.memory_space<vmem>>[vector<16xi32>], vector<16xf32>, vector<16xi1>
      %add3A_363 = arith.constant 256 : i32
      %add3A_364 = vector.broadcast %add3A_363 : i32 to vector<16xi32>
      %add3A_365 = arith.addi %add3A_355, %add3A_364 : vector<16xi32>
      tpu.vector_store_idx %arg9[%add3A_365], %gather3A_339 masked %lt3A_323 : memref<65536xf32, #tpu.memory_space<vmem>>[vector<16xi32>], vector<16xf32>, vector<16xi1>
      %add3A_366 = arith.constant 384 : i32
      %add3A_367 = vector.broadcast %add3A_366 : i32 to vector<16xi32>
      %add3A_368 = arith.addi %add3A_355, %add3A_367 : vector<16xi32>
      tpu.vector_store_idx %arg9[%add3A_368], %gather3A_343 masked %lt3A_323 : memref<65536xf32, #tpu.memory_space<vmem>>[vector<16xi32>], vector<16xf32>, vector<16xi1>
      tpu.vector_store_idx %arg10[%add3A_359], %while3A_313 masked %lt3A_323 : memref<32768xi32, #tpu.memory_space<vmem>>[vector<16xi32>], vector<16xi32>, vector<16xi1>
      %add3A_369 = arith.constant 128 : i32
      %add3A_370 = vector.broadcast %add3A_369 : i32 to vector<16xi32>
      %add3A_371 = arith.addi %add3A_359, %add3A_370 : vector<16xi32>
      tpu.vector_store_idx %arg10[%add3A_371], %add3A_325 masked %lt3A_323 : memref<32768xi32, #tpu.memory_space<vmem>>[vector<16xi32>], vector<16xi32>, vector<16xi1>
      %add3A_372 = arith.addi %while3A_309, %min3A_321 : i32
      %add3A_373 = arith.addi %while3A_312, %min3A_321 : i32
      %add3A_374 = arith.addi %while3A_311, %min3A_321 : i32
      %ge3A = arith.constant 1024 : i32
      %ge3A_375 = arith.cmpi sge, %add3A_374, %ge3A : i32
      %lt3A_376 = arith.constant 1022 : i32
      %lt3A_377 = arith.cmpi slt, %while3A_310, %lt3A_376 : i32
      %and3A_378 = arith.andi %ge3A_375, %lt3A_377 : i1
      %add3A_379 = arith.constant 1 : i32
      %add3A_380 = arith.addi %while3A_310, %add3A_379 : i32
      %select_n3A_381 = arith.select %and3A_378, %add3A_380, %while3A_310 : i32
      %add3A_382 = arith.constant 1 : i32
      %add3A_383 = arith.addi %select_n3A_381, %add3A_382 : i32
      %select_n3A_384 = arith.select %and3A_378, %add3A_383, %add3A_374 : i32
      %convert_element_type3A_385 = arith.extui %and3A_378 : i1 to i32
      %cond3A_386 = arith.constant 0 : i32
      %cond3A_387 = arith.cmpi ne, %convert_element_type3A_385, %cond3A_386 : i32
      %cond3A_388:3 = scf.if %cond3A_387 -> (vector<16xi32>, vector<16xf32>, vector<16xf32>) {
        %broadcast_in_dim3A_389 = vector.broadcast %select_n3A_381 : i32 to vector<16xi32>
        %shift_right_logical3A_390 = arith.constant 7 : i32
        %shift_right_logical3A_391 = vector.broadcast %shift_right_logical3A_390 : i32 to vector<16xi32>
        %shift_right_logical3A_392 = arith.shrui %broadcast_in_dim3A_389, %shift_right_logical3A_391 : vector<16xi32>
        %shift_left3A_393 = arith.constant 8 : i32
        %shift_left3A_394 = vector.broadcast %shift_left3A_393 : i32 to vector<16xi32>
        %shift_left3A_395 = arith.shli %shift_right_logical3A_392, %shift_left3A_394 : vector<16xi32>
        %and3A_396 = arith.constant 127 : i32
        %and3A_397 = vector.broadcast %and3A_396 : i32 to vector<16xi32>
        %and3A_398 = arith.andi %broadcast_in_dim3A_389, %and3A_397 : vector<16xi32>
        %add3A_399 = arith.addi %shift_left3A_395, %and3A_398 : vector<16xi32>
        %add3A_400 = arith.constant 0 : i32
        %add3A_401 = vector.broadcast %add3A_400 : i32 to vector<16xi32>
        %add3A_402 = arith.addi %add3A_399, %add3A_401 : vector<16xi32>
        %gather3A_403 = tpu.vector_load_idx %arg8[%add3A_402] : memref<2048xf32, #tpu.memory_space<vmem>>[vector<16xi32>], vector<16xf32>,
        %shift_right_logical3A_404 = arith.constant 7 : i32
        %shift_right_logical3A_405 = vector.broadcast %shift_right_logical3A_404 : i32 to vector<16xi32>
        %shift_right_logical3A_406 = arith.shrui %broadcast_in_dim3A_389, %shift_right_logical3A_405 : vector<16xi32>
        %shift_left3A_407 = arith.constant 8 : i32
        %shift_left3A_408 = vector.broadcast %shift_left3A_407 : i32 to vector<16xi32>
        %shift_left3A_409 = arith.shli %shift_right_logical3A_406, %shift_left3A_408 : vector<16xi32>
        %and3A_410 = arith.constant 127 : i32
        %and3A_411 = vector.broadcast %and3A_410 : i32 to vector<16xi32>
        %and3A_412 = arith.andi %broadcast_in_dim3A_389, %and3A_411 : vector<16xi32>
        %add3A_413 = arith.addi %shift_left3A_409, %and3A_412 : vector<16xi32>
        %add3A_414 = arith.constant 128 : i32
        %add3A_415 = vector.broadcast %add3A_414 : i32 to vector<16xi32>
        %add3A_416 = arith.addi %add3A_413, %add3A_415 : vector<16xi32>
        %gather3A_417 = tpu.vector_load_idx %arg8[%add3A_416] : memref<2048xf32, #tpu.memory_space<vmem>>[vector<16xi32>], vector<16xf32>,
        scf.yield %broadcast_in_dim3A_389, %gather3A_403, %gather3A_417 : vector<16xi32>, vector<16xf32>, vector<16xf32>
      } else {
        scf.yield %while3A_313, %while3A_314, %while3A_315 : vector<16xi32>, vector<16xf32>, vector<16xf32>
      }
      scf.yield %add3A_372, %select_n3A_381, %select_n3A_384, %add3A_373, %cond3A_388#0, %cond3A_388#1, %cond3A_388#2 : i32, i32, i32, i32, vector<16xi32>, vector<16xf32>, vector<16xf32>
    }
    %mul3A_195 = arith.constant 512 : i32
    %mul3A_196 = arith.muli %select_n3A, %mul3A_195 : i32
    %add3A_197 = arith.constant 16384 : i32
    %add3A_198 = arith.addi %mul3A_196, %add3A_197 : i32
    %dma_start3A_199 = arith.constant 16384 : i32
    %dma_start3A_200 = tpu.memref_slice %arg9[%dma_start3A_199] : memref<65536xf32, #tpu.memory_space<vmem>> -> memref<16384xf32, #tpu.memory_space<vmem>>
    %dma_start3A_201 = tpu.memref_slice %arg3[%add3A_198] : memref<2095104xf32, #tpu.memory_space<hbm>> -> memref<16384xf32, #tpu.memory_space<hbm>>
    %dma_start3A_202 = tpu.memref_slice %arg3[%add3A_198] : memref<2095104xf32, #tpu.memory_space<hbm>> -> memref<16384xf32, #tpu.memory_space<hbm>>
    %dma_start3A_203 = arith.constant 16384 : i32
    %dma_start3A_204 = tpu.memref_slice %arg9[%dma_start3A_203] : memref<65536xf32, #tpu.memory_space<vmem>> -> memref<16384xf32, #tpu.memory_space<vmem>>
    tpu.enqueue_dma source(%dma_start3A_204 : memref<16384xf32, #tpu.memory_space<vmem>>) target(%dma_start3A_202 : memref<16384xf32, #tpu.memory_space<hbm>>) target_semaphore(%arg14 : memref<!tpu.dma_semaphore, #tpu.memory_space<semaphore_mem>>)
    %mul3A_205 = arith.constant 256 : i32
    %mul3A_206 = arith.muli %select_n3A, %mul3A_205 : i32
    %add3A_207 = arith.constant 8192 : i32
    %add3A_208 = arith.addi %mul3A_206, %add3A_207 : i32
    %dma_start3A_209 = arith.constant 8192 : i32
    %dma_start3A_210 = tpu.memref_slice %arg10[%dma_start3A_209] : memref<32768xi32, #tpu.memory_space<vmem>> -> memref<8192xi32, #tpu.memory_space<vmem>>
    %dma_start3A_211 = tpu.memref_slice %arg4[%add3A_208] : memref<1047552xi32, #tpu.memory_space<hbm>> -> memref<8192xi32, #tpu.memory_space<hbm>>
    %dma_start3A_212 = tpu.memref_slice %arg4[%add3A_208] : memref<1047552xi32, #tpu.memory_space<hbm>> -> memref<8192xi32, #tpu.memory_space<hbm>>
    %dma_start3A_213 = arith.constant 8192 : i32
    %dma_start3A_214 = tpu.memref_slice %arg10[%dma_start3A_213] : memref<32768xi32, #tpu.memory_space<vmem>> -> memref<8192xi32, #tpu.memory_space<vmem>>
    tpu.enqueue_dma source(%dma_start3A_214 : memref<8192xi32, #tpu.memory_space<vmem>>) target(%dma_start3A_212 : memref<8192xi32, #tpu.memory_space<hbm>>) target_semaphore(%arg15 : memref<!tpu.dma_semaphore, #tpu.memory_space<semaphore_mem>>)
    %add3A_215 = arith.constant 12288 : i32
    %add3A_216 = arith.addi %mul3A_9, %add3A_215 : i32
    %min3A_217 = arith.minsi %add3A_12, %add3A_216 : i32
    %sub3A_218 = arith.constant 1 : i32
    %sub3A_219 = arith.subi %min3A_217, %sub3A_218 : i32
    %scan3A_220 = arith.constant 0 : i32
    %scan3A_221 = arith.constant 1023 : i32
    %scan3A_222 = arith.constant 0 : i32
    %scan3A_223 = arith.constant 10 : i32
    %scan3A_224 = arith.addi %scan3A_222, %scan3A_223 : i32
    %scan3A_225 = arith.constant 1 : i32
    %scan3A_226:2 = scf.for %scan3A_308 = %scan3A_222 to %scan3A_224 step %scan3A_225 iter_args(%scan3A_309 = %scan3A_220, %scan3A_310 = %scan3A_221) -> (i32, i32)  : i32 {
      %add3A_311 = arith.addi %scan3A_309, %scan3A_310 : i32
      %add3A_312 = arith.constant 1 : i32
      %add3A_313 = arith.addi %add3A_311, %add3A_312 : i32
      %shift_right_logical3A_314 = arith.constant 1 : i32
      %shift_right_logical3A_315 = arith.shrui %add3A_313, %shift_right_logical3A_314 : i32
      %mul3A_316 = arith.constant 1023 : i32
      %mul3A_317 = arith.muli %shift_right_logical3A_315, %mul3A_316 : i32
      %sub3A_318 = arith.constant 1 : i32
      %sub3A_319 = arith.subi %shift_right_logical3A_315, %sub3A_318 : i32
      %mul3A_320 = arith.muli %shift_right_logical3A_315, %sub3A_319 : i32
      %shift_right_logical3A_321 = arith.constant 1 : i32
      %shift_right_logical3A_322 = arith.shrui %mul3A_320, %shift_right_logical3A_321 : i32
      %sub3A_323 = arith.subi %mul3A_317, %shift_right_logical3A_322 : i32
      %le3A = arith.cmpi sle, %sub3A_323, %sub3A_219 : i32
      %select_n3A_324 = arith.select %le3A, %shift_right_logical3A_315, %scan3A_309 : i32
      %sub3A_325 = arith.constant 1 : i32
      %sub3A_326 = arith.subi %shift_right_logical3A_315, %sub3A_325 : i32
      %select_n3A_327 = arith.select %le3A, %scan3A_310, %sub3A_326 : i32
      scf.yield %select_n3A_324, %select_n3A_327 : i32, i32
    }
    %scan3A_227 = arith.constant 10 : i32
    %sub3A_228 = arith.subi %min3A_217, %while3A_194#0 : i32
    %shift_right_logical3A_229 = arith.constant 4 : i32
    %shift_right_logical3A_230 = arith.shrui %sub3A_228, %shift_right_logical3A_229 : i32
    %sub3A_231 = arith.subi %scan3A_226#0, %while3A_194#1 : i32
    %add3A_232 = arith.addi %shift_right_logical3A_230, %sub3A_231 : i32
    %add3A_233 = arith.constant 2 : i32
    %add3A_234 = arith.addi %add3A_232, %add3A_233 : i32
    %while3A_235 = arith.constant 0 : i32
    %while3A_236 = arith.subi %add3A_234, %while3A_235 : i32
    %while3A_237 = arith.addi %while3A_235, %while3A_236 : i32
    %while3A_238 = arith.constant 1 : i32
    %while3A_239 = arith.divsi %while3A_236, %while3A_238 : i32
    %while3A_240 = arith.muli %while3A_239, %while3A_238 : i32
    %while3A_241 = arith.addi %while3A_235, %while3A_240 : i32
    %while3A_242 = arith.constant 1 : i32
    %while3A_243:7 = scf.for %while3A_308 = %while3A_235 to %while3A_241 step %while3A_242 iter_args(%while3A_309 = %while3A_194#0, %while3A_310 = %while3A_194#1, %while3A_311 = %while3A_194#2, %while3A_312 = %while3A_194#3, %while3A_313 = %while3A_194#4, %while3A_314 = %while3A_194#5, %while3A_315 = %while3A_194#6) -> (i32, i32, i32, i32, vector<16xi32>, vector<16xf32>, vector<16xf32>)  : i32 {
      %sub3A_316 = arith.constant 1024 : i32
      %sub3A_317 = arith.subi %sub3A_316, %while3A_311 : i32
      %min3A_318 = arith.constant 16 : i32
      %min3A_319 = arith.minsi %min3A_318, %sub3A_317 : i32
      %sub3A_320 = arith.subi %min3A_217, %while3A_309 : i32
      %min3A_321 = arith.minsi %min3A_319, %sub3A_320 : i32
      %lt3A_322 = vector.broadcast %min3A_321 : i32 to vector<16xi32>
      %lt3A_323 = arith.cmpi slt, %iota3A, %lt3A_322 : vector<16xi32>
      %add3A_324 = vector.broadcast %while3A_311 : i32 to vector<16xi32>
      %add3A_325 = arith.addi %add3A_324, %iota3A : vector<16xi32>
      %shift_right_logical3A_326 = arith.constant 7 : i32
      %shift_right_logical3A_327 = vector.broadcast %shift_right_logical3A_326 : i32 to vector<16xi32>
      %shift_right_logical3A_328 = arith.shrui %add3A_325, %shift_right_logical3A_327 : vector<16xi32>
      %shift_left3A_329 = arith.constant 8 : i32
      %shift_left3A_330 = vector.broadcast %shift_left3A_329 : i32 to vector<16xi32>
      %shift_left3A_331 = arith.shli %shift_right_logical3A_328, %shift_left3A_330 : vector<16xi32>
      %and3A_332 = arith.constant 127 : i32
      %and3A_333 = vector.broadcast %and3A_332 : i32 to vector<16xi32>
      %and3A_334 = arith.andi %add3A_325, %and3A_333 : vector<16xi32>
      %add3A_335 = arith.addi %shift_left3A_331, %and3A_334 : vector<16xi32>
      %add3A_336 = arith.constant 0 : i32
      %add3A_337 = vector.broadcast %add3A_336 : i32 to vector<16xi32>
      %add3A_338 = arith.addi %add3A_335, %add3A_337 : vector<16xi32>
      %gather3A_339 = tpu.vector_load_idx %arg8[%add3A_338] masked %lt3A_323 : memref<2048xf32, #tpu.memory_space<vmem>>[vector<16xi32>], vector<16xf32>, vector<16xi1>
      %add3A_340 = arith.constant 128 : i32
      %add3A_341 = vector.broadcast %add3A_340 : i32 to vector<16xi32>
      %add3A_342 = arith.addi %add3A_338, %add3A_341 : vector<16xi32>
      %gather3A_343 = tpu.vector_load_idx %arg8[%add3A_342] masked %lt3A_323 : memref<2048xf32, #tpu.memory_space<vmem>>[vector<16xi32>], vector<16xf32>, vector<16xi1>
      %add3A_344 = vector.broadcast %while3A_312 : i32 to vector<16xi32>
      %add3A_345 = arith.addi %add3A_344, %iota3A : vector<16xi32>
      %shift_right_logical3A_346 = arith.constant 7 : i32
      %shift_right_logical3A_347 = vector.broadcast %shift_right_logical3A_346 : i32 to vector<16xi32>
      %shift_right_logical3A_348 = arith.shrui %add3A_345, %shift_right_logical3A_347 : vector<16xi32>
      %and3A_349 = arith.constant 127 : i32
      %and3A_350 = vector.broadcast %and3A_349 : i32 to vector<16xi32>
      %and3A_351 = arith.andi %add3A_345, %and3A_350 : vector<16xi32>
      %shift_left3A_352 = arith.constant 9 : i32
      %shift_left3A_353 = vector.broadcast %shift_left3A_352 : i32 to vector<16xi32>
      %shift_left3A_354 = arith.shli %shift_right_logical3A_348, %shift_left3A_353 : vector<16xi32>
      %add3A_355 = arith.addi %shift_left3A_354, %and3A_351 : vector<16xi32>
      %shift_left3A_356 = arith.constant 8 : i32
      %shift_left3A_357 = vector.broadcast %shift_left3A_356 : i32 to vector<16xi32>
      %shift_left3A_358 = arith.shli %shift_right_logical3A_348, %shift_left3A_357 : vector<16xi32>
      %add3A_359 = arith.addi %shift_left3A_358, %and3A_351 : vector<16xi32>
      tpu.vector_store_idx %arg9[%add3A_355], %while3A_314 masked %lt3A_323 : memref<65536xf32, #tpu.memory_space<vmem>>[vector<16xi32>], vector<16xf32>, vector<16xi1>
      %add3A_360 = arith.constant 128 : i32
      %add3A_361 = vector.broadcast %add3A_360 : i32 to vector<16xi32>
      %add3A_362 = arith.addi %add3A_355, %add3A_361 : vector<16xi32>
      tpu.vector_store_idx %arg9[%add3A_362], %while3A_315 masked %lt3A_323 : memref<65536xf32, #tpu.memory_space<vmem>>[vector<16xi32>], vector<16xf32>, vector<16xi1>
      %add3A_363 = arith.constant 256 : i32
      %add3A_364 = vector.broadcast %add3A_363 : i32 to vector<16xi32>
      %add3A_365 = arith.addi %add3A_355, %add3A_364 : vector<16xi32>
      tpu.vector_store_idx %arg9[%add3A_365], %gather3A_339 masked %lt3A_323 : memref<65536xf32, #tpu.memory_space<vmem>>[vector<16xi32>], vector<16xf32>, vector<16xi1>
      %add3A_366 = arith.constant 384 : i32
      %add3A_367 = vector.broadcast %add3A_366 : i32 to vector<16xi32>
      %add3A_368 = arith.addi %add3A_355, %add3A_367 : vector<16xi32>
      tpu.vector_store_idx %arg9[%add3A_368], %gather3A_343 masked %lt3A_323 : memref<65536xf32, #tpu.memory_space<vmem>>[vector<16xi32>], vector<16xf32>, vector<16xi1>
      tpu.vector_store_idx %arg10[%add3A_359], %while3A_313 masked %lt3A_323 : memref<32768xi32, #tpu.memory_space<vmem>>[vector<16xi32>], vector<16xi32>, vector<16xi1>
      %add3A_369 = arith.constant 128 : i32
      %add3A_370 = vector.broadcast %add3A_369 : i32 to vector<16xi32>
      %add3A_371 = arith.addi %add3A_359, %add3A_370 : vector<16xi32>
      tpu.vector_store_idx %arg10[%add3A_371], %add3A_325 masked %lt3A_323 : memref<32768xi32, #tpu.memory_space<vmem>>[vector<16xi32>], vector<16xi32>, vector<16xi1>
      %add3A_372 = arith.addi %while3A_309, %min3A_321 : i32
      %add3A_373 = arith.addi %while3A_312, %min3A_321 : i32
      %add3A_374 = arith.addi %while3A_311, %min3A_321 : i32
      %ge3A = arith.constant 1024 : i32
      %ge3A_375 = arith.cmpi sge, %add3A_374, %ge3A : i32
      %lt3A_376 = arith.constant 1022 : i32
      %lt3A_377 = arith.cmpi slt, %while3A_310, %lt3A_376 : i32
      %and3A_378 = arith.andi %ge3A_375, %lt3A_377 : i1
      %add3A_379 = arith.constant 1 : i32
      %add3A_380 = arith.addi %while3A_310, %add3A_379 : i32
      %select_n3A_381 = arith.select %and3A_378, %add3A_380, %while3A_310 : i32
      %add3A_382 = arith.constant 1 : i32
      %add3A_383 = arith.addi %select_n3A_381, %add3A_382 : i32
      %select_n3A_384 = arith.select %and3A_378, %add3A_383, %add3A_374 : i32
      %convert_element_type3A_385 = arith.extui %and3A_378 : i1 to i32
      %cond3A_386 = arith.constant 0 : i32
      %cond3A_387 = arith.cmpi ne, %convert_element_type3A_385, %cond3A_386 : i32
      %cond3A_388:3 = scf.if %cond3A_387 -> (vector<16xi32>, vector<16xf32>, vector<16xf32>) {
        %broadcast_in_dim3A_389 = vector.broadcast %select_n3A_381 : i32 to vector<16xi32>
        %shift_right_logical3A_390 = arith.constant 7 : i32
        %shift_right_logical3A_391 = vector.broadcast %shift_right_logical3A_390 : i32 to vector<16xi32>
        %shift_right_logical3A_392 = arith.shrui %broadcast_in_dim3A_389, %shift_right_logical3A_391 : vector<16xi32>
        %shift_left3A_393 = arith.constant 8 : i32
        %shift_left3A_394 = vector.broadcast %shift_left3A_393 : i32 to vector<16xi32>
        %shift_left3A_395 = arith.shli %shift_right_logical3A_392, %shift_left3A_394 : vector<16xi32>
        %and3A_396 = arith.constant 127 : i32
        %and3A_397 = vector.broadcast %and3A_396 : i32 to vector<16xi32>
        %and3A_398 = arith.andi %broadcast_in_dim3A_389, %and3A_397 : vector<16xi32>
        %add3A_399 = arith.addi %shift_left3A_395, %and3A_398 : vector<16xi32>
        %add3A_400 = arith.constant 0 : i32
        %add3A_401 = vector.broadcast %add3A_400 : i32 to vector<16xi32>
        %add3A_402 = arith.addi %add3A_399, %add3A_401 : vector<16xi32>
        %gather3A_403 = tpu.vector_load_idx %arg8[%add3A_402] : memref<2048xf32, #tpu.memory_space<vmem>>[vector<16xi32>], vector<16xf32>,
        %shift_right_logical3A_404 = arith.constant 7 : i32
        %shift_right_logical3A_405 = vector.broadcast %shift_right_logical3A_404 : i32 to vector<16xi32>
        %shift_right_logical3A_406 = arith.shrui %broadcast_in_dim3A_389, %shift_right_logical3A_405 : vector<16xi32>
        %shift_left3A_407 = arith.constant 8 : i32
        %shift_left3A_408 = vector.broadcast %shift_left3A_407 : i32 to vector<16xi32>
        %shift_left3A_409 = arith.shli %shift_right_logical3A_406, %shift_left3A_408 : vector<16xi32>
        %and3A_410 = arith.constant 127 : i32
        %and3A_411 = vector.broadcast %and3A_410 : i32 to vector<16xi32>
        %and3A_412 = arith.andi %broadcast_in_dim3A_389, %and3A_411 : vector<16xi32>
        %add3A_413 = arith.addi %shift_left3A_409, %and3A_412 : vector<16xi32>
        %add3A_414 = arith.constant 128 : i32
        %add3A_415 = vector.broadcast %add3A_414 : i32 to vector<16xi32>
        %add3A_416 = arith.addi %add3A_413, %add3A_415 : vector<16xi32>
        %gather3A_417 = tpu.vector_load_idx %arg8[%add3A_416] : memref<2048xf32, #tpu.memory_space<vmem>>[vector<16xi32>], vector<16xf32>,
        scf.yield %broadcast_in_dim3A_389, %gather3A_403, %gather3A_417 : vector<16xi32>, vector<16xf32>, vector<16xf32>
      } else {
        scf.yield %while3A_313, %while3A_314, %while3A_315 : vector<16xi32>, vector<16xf32>, vector<16xf32>
      }
      scf.yield %add3A_372, %select_n3A_381, %select_n3A_384, %add3A_373, %cond3A_388#0, %cond3A_388#1, %cond3A_388#2 : i32, i32, i32, i32, vector<16xi32>, vector<16xf32>, vector<16xf32>
    }
    %while3A_244 = arith.constant 1 : i32
    %while3A_245:7 = scf.for %while3A_308 = %while3A_241 to %while3A_237 step %while3A_244 iter_args(%while3A_309 = %while3A_243#0, %while3A_310 = %while3A_243#1, %while3A_311 = %while3A_243#2, %while3A_312 = %while3A_243#3, %while3A_313 = %while3A_243#4, %while3A_314 = %while3A_243#5, %while3A_315 = %while3A_243#6) -> (i32, i32, i32, i32, vector<16xi32>, vector<16xf32>, vector<16xf32>)  : i32 {
      %sub3A_316 = arith.constant 1024 : i32
      %sub3A_317 = arith.subi %sub3A_316, %while3A_311 : i32
      %min3A_318 = arith.constant 16 : i32
      %min3A_319 = arith.minsi %min3A_318, %sub3A_317 : i32
      %sub3A_320 = arith.subi %min3A_217, %while3A_309 : i32
      %min3A_321 = arith.minsi %min3A_319, %sub3A_320 : i32
      %lt3A_322 = vector.broadcast %min3A_321 : i32 to vector<16xi32>
      %lt3A_323 = arith.cmpi slt, %iota3A, %lt3A_322 : vector<16xi32>
      %add3A_324 = vector.broadcast %while3A_311 : i32 to vector<16xi32>
      %add3A_325 = arith.addi %add3A_324, %iota3A : vector<16xi32>
      %shift_right_logical3A_326 = arith.constant 7 : i32
      %shift_right_logical3A_327 = vector.broadcast %shift_right_logical3A_326 : i32 to vector<16xi32>
      %shift_right_logical3A_328 = arith.shrui %add3A_325, %shift_right_logical3A_327 : vector<16xi32>
      %shift_left3A_329 = arith.constant 8 : i32
      %shift_left3A_330 = vector.broadcast %shift_left3A_329 : i32 to vector<16xi32>
      %shift_left3A_331 = arith.shli %shift_right_logical3A_328, %shift_left3A_330 : vector<16xi32>
      %and3A_332 = arith.constant 127 : i32
      %and3A_333 = vector.broadcast %and3A_332 : i32 to vector<16xi32>
      %and3A_334 = arith.andi %add3A_325, %and3A_333 : vector<16xi32>
      %add3A_335 = arith.addi %shift_left3A_331, %and3A_334 : vector<16xi32>
      %add3A_336 = arith.constant 0 : i32
      %add3A_337 = vector.broadcast %add3A_336 : i32 to vector<16xi32>
      %add3A_338 = arith.addi %add3A_335, %add3A_337 : vector<16xi32>
      %gather3A_339 = tpu.vector_load_idx %arg8[%add3A_338] masked %lt3A_323 : memref<2048xf32, #tpu.memory_space<vmem>>[vector<16xi32>], vector<16xf32>, vector<16xi1>
      %add3A_340 = arith.constant 128 : i32
      %add3A_341 = vector.broadcast %add3A_340 : i32 to vector<16xi32>
      %add3A_342 = arith.addi %add3A_338, %add3A_341 : vector<16xi32>
      %gather3A_343 = tpu.vector_load_idx %arg8[%add3A_342] masked %lt3A_323 : memref<2048xf32, #tpu.memory_space<vmem>>[vector<16xi32>], vector<16xf32>, vector<16xi1>
      %add3A_344 = vector.broadcast %while3A_312 : i32 to vector<16xi32>
      %add3A_345 = arith.addi %add3A_344, %iota3A : vector<16xi32>
      %shift_right_logical3A_346 = arith.constant 7 : i32
      %shift_right_logical3A_347 = vector.broadcast %shift_right_logical3A_346 : i32 to vector<16xi32>
      %shift_right_logical3A_348 = arith.shrui %add3A_345, %shift_right_logical3A_347 : vector<16xi32>
      %and3A_349 = arith.constant 127 : i32
      %and3A_350 = vector.broadcast %and3A_349 : i32 to vector<16xi32>
      %and3A_351 = arith.andi %add3A_345, %and3A_350 : vector<16xi32>
      %shift_left3A_352 = arith.constant 9 : i32
      %shift_left3A_353 = vector.broadcast %shift_left3A_352 : i32 to vector<16xi32>
      %shift_left3A_354 = arith.shli %shift_right_logical3A_348, %shift_left3A_353 : vector<16xi32>
      %add3A_355 = arith.addi %shift_left3A_354, %and3A_351 : vector<16xi32>
      %shift_left3A_356 = arith.constant 8 : i32
      %shift_left3A_357 = vector.broadcast %shift_left3A_356 : i32 to vector<16xi32>
      %shift_left3A_358 = arith.shli %shift_right_logical3A_348, %shift_left3A_357 : vector<16xi32>
      %add3A_359 = arith.addi %shift_left3A_358, %and3A_351 : vector<16xi32>
      tpu.vector_store_idx %arg9[%add3A_355], %while3A_314 masked %lt3A_323 : memref<65536xf32, #tpu.memory_space<vmem>>[vector<16xi32>], vector<16xf32>, vector<16xi1>
      %add3A_360 = arith.constant 128 : i32
      %add3A_361 = vector.broadcast %add3A_360 : i32 to vector<16xi32>
      %add3A_362 = arith.addi %add3A_355, %add3A_361 : vector<16xi32>
      tpu.vector_store_idx %arg9[%add3A_362], %while3A_315 masked %lt3A_323 : memref<65536xf32, #tpu.memory_space<vmem>>[vector<16xi32>], vector<16xf32>, vector<16xi1>
      %add3A_363 = arith.constant 256 : i32
      %add3A_364 = vector.broadcast %add3A_363 : i32 to vector<16xi32>
      %add3A_365 = arith.addi %add3A_355, %add3A_364 : vector<16xi32>
      tpu.vector_store_idx %arg9[%add3A_365], %gather3A_339 masked %lt3A_323 : memref<65536xf32, #tpu.memory_space<vmem>>[vector<16xi32>], vector<16xf32>, vector<16xi1>
      %add3A_366 = arith.constant 384 : i32
      %add3A_367 = vector.broadcast %add3A_366 : i32 to vector<16xi32>
      %add3A_368 = arith.addi %add3A_355, %add3A_367 : vector<16xi32>
      tpu.vector_store_idx %arg9[%add3A_368], %gather3A_343 masked %lt3A_323 : memref<65536xf32, #tpu.memory_space<vmem>>[vector<16xi32>], vector<16xf32>, vector<16xi1>
      tpu.vector_store_idx %arg10[%add3A_359], %while3A_313 masked %lt3A_323 : memref<32768xi32, #tpu.memory_space<vmem>>[vector<16xi32>], vector<16xi32>, vector<16xi1>
      %add3A_369 = arith.constant 128 : i32
      %add3A_370 = vector.broadcast %add3A_369 : i32 to vector<16xi32>
      %add3A_371 = arith.addi %add3A_359, %add3A_370 : vector<16xi32>
      tpu.vector_store_idx %arg10[%add3A_371], %add3A_325 masked %lt3A_323 : memref<32768xi32, #tpu.memory_space<vmem>>[vector<16xi32>], vector<16xi32>, vector<16xi1>
      %add3A_372 = arith.addi %while3A_309, %min3A_321 : i32
      %add3A_373 = arith.addi %while3A_312, %min3A_321 : i32
      %add3A_374 = arith.addi %while3A_311, %min3A_321 : i32
      %ge3A = arith.constant 1024 : i32
      %ge3A_375 = arith.cmpi sge, %add3A_374, %ge3A : i32
      %lt3A_376 = arith.constant 1022 : i32
      %lt3A_377 = arith.cmpi slt, %while3A_310, %lt3A_376 : i32
      %and3A_378 = arith.andi %ge3A_375, %lt3A_377 : i1
      %add3A_379 = arith.constant 1 : i32
      %add3A_380 = arith.addi %while3A_310, %add3A_379 : i32
      %select_n3A_381 = arith.select %and3A_378, %add3A_380, %while3A_310 : i32
      %add3A_382 = arith.constant 1 : i32
      %add3A_383 = arith.addi %select_n3A_381, %add3A_382 : i32
      %select_n3A_384 = arith.select %and3A_378, %add3A_383, %add3A_374 : i32
      %convert_element_type3A_385 = arith.extui %and3A_378 : i1 to i32
      %cond3A_386 = arith.constant 0 : i32
      %cond3A_387 = arith.cmpi ne, %convert_element_type3A_385, %cond3A_386 : i32
      %cond3A_388:3 = scf.if %cond3A_387 -> (vector<16xi32>, vector<16xf32>, vector<16xf32>) {
        %broadcast_in_dim3A_389 = vector.broadcast %select_n3A_381 : i32 to vector<16xi32>
        %shift_right_logical3A_390 = arith.constant 7 : i32
        %shift_right_logical3A_391 = vector.broadcast %shift_right_logical3A_390 : i32 to vector<16xi32>
        %shift_right_logical3A_392 = arith.shrui %broadcast_in_dim3A_389, %shift_right_logical3A_391 : vector<16xi32>
        %shift_left3A_393 = arith.constant 8 : i32
        %shift_left3A_394 = vector.broadcast %shift_left3A_393 : i32 to vector<16xi32>
        %shift_left3A_395 = arith.shli %shift_right_logical3A_392, %shift_left3A_394 : vector<16xi32>
        %and3A_396 = arith.constant 127 : i32
        %and3A_397 = vector.broadcast %and3A_396 : i32 to vector<16xi32>
        %and3A_398 = arith.andi %broadcast_in_dim3A_389, %and3A_397 : vector<16xi32>
        %add3A_399 = arith.addi %shift_left3A_395, %and3A_398 : vector<16xi32>
        %add3A_400 = arith.constant 0 : i32
        %add3A_401 = vector.broadcast %add3A_400 : i32 to vector<16xi32>
        %add3A_402 = arith.addi %add3A_399, %add3A_401 : vector<16xi32>
        %gather3A_403 = tpu.vector_load_idx %arg8[%add3A_402] : memref<2048xf32, #tpu.memory_space<vmem>>[vector<16xi32>], vector<16xf32>,
        %shift_right_logical3A_404 = arith.constant 7 : i32
        %shift_right_logical3A_405 = vector.broadcast %shift_right_logical3A_404 : i32 to vector<16xi32>
        %shift_right_logical3A_406 = arith.shrui %broadcast_in_dim3A_389, %shift_right_logical3A_405 : vector<16xi32>
        %shift_left3A_407 = arith.constant 8 : i32
        %shift_left3A_408 = vector.broadcast %shift_left3A_407 : i32 to vector<16xi32>
        %shift_left3A_409 = arith.shli %shift_right_logical3A_406, %shift_left3A_408 : vector<16xi32>
        %and3A_410 = arith.constant 127 : i32
        %and3A_411 = vector.broadcast %and3A_410 : i32 to vector<16xi32>
        %and3A_412 = arith.andi %broadcast_in_dim3A_389, %and3A_411 : vector<16xi32>
        %add3A_413 = arith.addi %shift_left3A_409, %and3A_412 : vector<16xi32>
        %add3A_414 = arith.constant 128 : i32
        %add3A_415 = vector.broadcast %add3A_414 : i32 to vector<16xi32>
        %add3A_416 = arith.addi %add3A_413, %add3A_415 : vector<16xi32>
        %gather3A_417 = tpu.vector_load_idx %arg8[%add3A_416] : memref<2048xf32, #tpu.memory_space<vmem>>[vector<16xi32>], vector<16xf32>,
        scf.yield %broadcast_in_dim3A_389, %gather3A_403, %gather3A_417 : vector<16xi32>, vector<16xf32>, vector<16xf32>
      } else {
        scf.yield %while3A_313, %while3A_314, %while3A_315 : vector<16xi32>, vector<16xf32>, vector<16xf32>
      }
      scf.yield %add3A_372, %select_n3A_381, %select_n3A_384, %add3A_373, %cond3A_388#0, %cond3A_388#1, %cond3A_388#2 : i32, i32, i32, i32, vector<16xi32>, vector<16xf32>, vector<16xf32>
    }
    %mul3A_246 = arith.constant 512 : i32
    %mul3A_247 = arith.muli %select_n3A, %mul3A_246 : i32
    %add3A_248 = arith.constant 32768 : i32
    %add3A_249 = arith.addi %mul3A_247, %add3A_248 : i32
    %dma_start3A_250 = arith.constant 32768 : i32
    %dma_start3A_251 = tpu.memref_slice %arg9[%dma_start3A_250] : memref<65536xf32, #tpu.memory_space<vmem>> -> memref<16384xf32, #tpu.memory_space<vmem>>
    %dma_start3A_252 = tpu.memref_slice %arg3[%add3A_249] : memref<2095104xf32, #tpu.memory_space<hbm>> -> memref<16384xf32, #tpu.memory_space<hbm>>
    %dma_start3A_253 = tpu.memref_slice %arg3[%add3A_249] : memref<2095104xf32, #tpu.memory_space<hbm>> -> memref<16384xf32, #tpu.memory_space<hbm>>
    %dma_start3A_254 = arith.constant 32768 : i32
    %dma_start3A_255 = tpu.memref_slice %arg9[%dma_start3A_254] : memref<65536xf32, #tpu.memory_space<vmem>> -> memref<16384xf32, #tpu.memory_space<vmem>>
    tpu.enqueue_dma source(%dma_start3A_255 : memref<16384xf32, #tpu.memory_space<vmem>>) target(%dma_start3A_253 : memref<16384xf32, #tpu.memory_space<hbm>>) target_semaphore(%arg14 : memref<!tpu.dma_semaphore, #tpu.memory_space<semaphore_mem>>)
    %mul3A_256 = arith.constant 256 : i32
    %mul3A_257 = arith.muli %select_n3A, %mul3A_256 : i32
    %add3A_258 = arith.constant 16384 : i32
    %add3A_259 = arith.addi %mul3A_257, %add3A_258 : i32
    %dma_start3A_260 = arith.constant 16384 : i32
    %dma_start3A_261 = tpu.memref_slice %arg10[%dma_start3A_260] : memref<32768xi32, #tpu.memory_space<vmem>> -> memref<8192xi32, #tpu.memory_space<vmem>>
    %dma_start3A_262 = tpu.memref_slice %arg4[%add3A_259] : memref<1047552xi32, #tpu.memory_space<hbm>> -> memref<8192xi32, #tpu.memory_space<hbm>>
    %dma_start3A_263 = tpu.memref_slice %arg4[%add3A_259] : memref<1047552xi32, #tpu.memory_space<hbm>> -> memref<8192xi32, #tpu.memory_space<hbm>>
    %dma_start3A_264 = arith.constant 16384 : i32
    %dma_start3A_265 = tpu.memref_slice %arg10[%dma_start3A_264] : memref<32768xi32, #tpu.memory_space<vmem>> -> memref<8192xi32, #tpu.memory_space<vmem>>
    tpu.enqueue_dma source(%dma_start3A_265 : memref<8192xi32, #tpu.memory_space<vmem>>) target(%dma_start3A_263 : memref<8192xi32, #tpu.memory_space<hbm>>) target_semaphore(%arg15 : memref<!tpu.dma_semaphore, #tpu.memory_space<semaphore_mem>>)
    %add3A_266 = arith.constant 16384 : i32
    %add3A_267 = arith.addi %mul3A_9, %add3A_266 : i32
    %min3A_268 = arith.minsi %add3A_12, %add3A_267 : i32
    %sub3A_269 = arith.constant 1 : i32
    %sub3A_270 = arith.subi %min3A_268, %sub3A_269 : i32
    %scan3A_271 = arith.constant 0 : i32
    %scan3A_272 = arith.constant 1023 : i32
    %scan3A_273 = arith.constant 0 : i32
    %scan3A_274 = arith.constant 10 : i32
    %scan3A_275 = arith.addi %scan3A_273, %scan3A_274 : i32
    %scan3A_276 = arith.constant 1 : i32
    %scan3A_277:2 = scf.for %scan3A_308 = %scan3A_273 to %scan3A_275 step %scan3A_276 iter_args(%scan3A_309 = %scan3A_271, %scan3A_310 = %scan3A_272) -> (i32, i32)  : i32 {
      %add3A_311 = arith.addi %scan3A_309, %scan3A_310 : i32
      %add3A_312 = arith.constant 1 : i32
      %add3A_313 = arith.addi %add3A_311, %add3A_312 : i32
      %shift_right_logical3A_314 = arith.constant 1 : i32
      %shift_right_logical3A_315 = arith.shrui %add3A_313, %shift_right_logical3A_314 : i32
      %mul3A_316 = arith.constant 1023 : i32
      %mul3A_317 = arith.muli %shift_right_logical3A_315, %mul3A_316 : i32
      %sub3A_318 = arith.constant 1 : i32
      %sub3A_319 = arith.subi %shift_right_logical3A_315, %sub3A_318 : i32
      %mul3A_320 = arith.muli %shift_right_logical3A_315, %sub3A_319 : i32
      %shift_right_logical3A_321 = arith.constant 1 : i32
      %shift_right_logical3A_322 = arith.shrui %mul3A_320, %shift_right_logical3A_321 : i32
      %sub3A_323 = arith.subi %mul3A_317, %shift_right_logical3A_322 : i32
      %le3A = arith.cmpi sle, %sub3A_323, %sub3A_270 : i32
      %select_n3A_324 = arith.select %le3A, %shift_right_logical3A_315, %scan3A_309 : i32
      %sub3A_325 = arith.constant 1 : i32
      %sub3A_326 = arith.subi %shift_right_logical3A_315, %sub3A_325 : i32
      %select_n3A_327 = arith.select %le3A, %scan3A_310, %sub3A_326 : i32
      scf.yield %select_n3A_324, %select_n3A_327 : i32, i32
    }
    %scan3A_278 = arith.constant 10 : i32
    %sub3A_279 = arith.subi %min3A_268, %while3A_245#0 : i32
    %shift_right_logical3A_280 = arith.constant 4 : i32
    %shift_right_logical3A_281 = arith.shrui %sub3A_279, %shift_right_logical3A_280 : i32
    %sub3A_282 = arith.subi %scan3A_277#0, %while3A_245#1 : i32
    %add3A_283 = arith.addi %shift_right_logical3A_281, %sub3A_282 : i32
    %add3A_284 = arith.constant 2 : i32
    %add3A_285 = arith.addi %add3A_283, %add3A_284 : i32
    %while3A_286 = arith.constant 0 : i32
    %while3A_287 = arith.subi %add3A_285, %while3A_286 : i32
    %while3A_288 = arith.addi %while3A_286, %while3A_287 : i32
    %while3A_289 = arith.constant 1 : i32
    %while3A_290 = arith.divsi %while3A_287, %while3A_289 : i32
    %while3A_291 = arith.muli %while3A_290, %while3A_289 : i32
    %while3A_292 = arith.addi %while3A_286, %while3A_291 : i32
    %while3A_293 = arith.constant 1 : i32
    %while3A_294:7 = scf.for %while3A_308 = %while3A_286 to %while3A_292 step %while3A_293 iter_args(%while3A_309 = %while3A_245#0, %while3A_310 = %while3A_245#1, %while3A_311 = %while3A_245#2, %while3A_312 = %while3A_245#3, %while3A_313 = %while3A_245#4, %while3A_314 = %while3A_245#5, %while3A_315 = %while3A_245#6) -> (i32, i32, i32, i32, vector<16xi32>, vector<16xf32>, vector<16xf32>)  : i32 {
      %sub3A_316 = arith.constant 1024 : i32
      %sub3A_317 = arith.subi %sub3A_316, %while3A_311 : i32
      %min3A_318 = arith.constant 16 : i32
      %min3A_319 = arith.minsi %min3A_318, %sub3A_317 : i32
      %sub3A_320 = arith.subi %min3A_268, %while3A_309 : i32
      %min3A_321 = arith.minsi %min3A_319, %sub3A_320 : i32
      %lt3A_322 = vector.broadcast %min3A_321 : i32 to vector<16xi32>
      %lt3A_323 = arith.cmpi slt, %iota3A, %lt3A_322 : vector<16xi32>
      %add3A_324 = vector.broadcast %while3A_311 : i32 to vector<16xi32>
      %add3A_325 = arith.addi %add3A_324, %iota3A : vector<16xi32>
      %shift_right_logical3A_326 = arith.constant 7 : i32
      %shift_right_logical3A_327 = vector.broadcast %shift_right_logical3A_326 : i32 to vector<16xi32>
      %shift_right_logical3A_328 = arith.shrui %add3A_325, %shift_right_logical3A_327 : vector<16xi32>
      %shift_left3A_329 = arith.constant 8 : i32
      %shift_left3A_330 = vector.broadcast %shift_left3A_329 : i32 to vector<16xi32>
      %shift_left3A_331 = arith.shli %shift_right_logical3A_328, %shift_left3A_330 : vector<16xi32>
      %and3A_332 = arith.constant 127 : i32
      %and3A_333 = vector.broadcast %and3A_332 : i32 to vector<16xi32>
      %and3A_334 = arith.andi %add3A_325, %and3A_333 : vector<16xi32>
      %add3A_335 = arith.addi %shift_left3A_331, %and3A_334 : vector<16xi32>
      %add3A_336 = arith.constant 0 : i32
      %add3A_337 = vector.broadcast %add3A_336 : i32 to vector<16xi32>
      %add3A_338 = arith.addi %add3A_335, %add3A_337 : vector<16xi32>
      %gather3A_339 = tpu.vector_load_idx %arg8[%add3A_338] masked %lt3A_323 : memref<2048xf32, #tpu.memory_space<vmem>>[vector<16xi32>], vector<16xf32>, vector<16xi1>
      %add3A_340 = arith.constant 128 : i32
      %add3A_341 = vector.broadcast %add3A_340 : i32 to vector<16xi32>
      %add3A_342 = arith.addi %add3A_338, %add3A_341 : vector<16xi32>
      %gather3A_343 = tpu.vector_load_idx %arg8[%add3A_342] masked %lt3A_323 : memref<2048xf32, #tpu.memory_space<vmem>>[vector<16xi32>], vector<16xf32>, vector<16xi1>
      %add3A_344 = vector.broadcast %while3A_312 : i32 to vector<16xi32>
      %add3A_345 = arith.addi %add3A_344, %iota3A : vector<16xi32>
      %shift_right_logical3A_346 = arith.constant 7 : i32
      %shift_right_logical3A_347 = vector.broadcast %shift_right_logical3A_346 : i32 to vector<16xi32>
      %shift_right_logical3A_348 = arith.shrui %add3A_345, %shift_right_logical3A_347 : vector<16xi32>
      %and3A_349 = arith.constant 127 : i32
      %and3A_350 = vector.broadcast %and3A_349 : i32 to vector<16xi32>
      %and3A_351 = arith.andi %add3A_345, %and3A_350 : vector<16xi32>
      %shift_left3A_352 = arith.constant 9 : i32
      %shift_left3A_353 = vector.broadcast %shift_left3A_352 : i32 to vector<16xi32>
      %shift_left3A_354 = arith.shli %shift_right_logical3A_348, %shift_left3A_353 : vector<16xi32>
      %add3A_355 = arith.addi %shift_left3A_354, %and3A_351 : vector<16xi32>
      %shift_left3A_356 = arith.constant 8 : i32
      %shift_left3A_357 = vector.broadcast %shift_left3A_356 : i32 to vector<16xi32>
      %shift_left3A_358 = arith.shli %shift_right_logical3A_348, %shift_left3A_357 : vector<16xi32>
      %add3A_359 = arith.addi %shift_left3A_358, %and3A_351 : vector<16xi32>
      tpu.vector_store_idx %arg9[%add3A_355], %while3A_314 masked %lt3A_323 : memref<65536xf32, #tpu.memory_space<vmem>>[vector<16xi32>], vector<16xf32>, vector<16xi1>
      %add3A_360 = arith.constant 128 : i32
      %add3A_361 = vector.broadcast %add3A_360 : i32 to vector<16xi32>
      %add3A_362 = arith.addi %add3A_355, %add3A_361 : vector<16xi32>
      tpu.vector_store_idx %arg9[%add3A_362], %while3A_315 masked %lt3A_323 : memref<65536xf32, #tpu.memory_space<vmem>>[vector<16xi32>], vector<16xf32>, vector<16xi1>
      %add3A_363 = arith.constant 256 : i32
      %add3A_364 = vector.broadcast %add3A_363 : i32 to vector<16xi32>
      %add3A_365 = arith.addi %add3A_355, %add3A_364 : vector<16xi32>
      tpu.vector_store_idx %arg9[%add3A_365], %gather3A_339 masked %lt3A_323 : memref<65536xf32, #tpu.memory_space<vmem>>[vector<16xi32>], vector<16xf32>, vector<16xi1>
      %add3A_366 = arith.constant 384 : i32
      %add3A_367 = vector.broadcast %add3A_366 : i32 to vector<16xi32>
      %add3A_368 = arith.addi %add3A_355, %add3A_367 : vector<16xi32>
      tpu.vector_store_idx %arg9[%add3A_368], %gather3A_343 masked %lt3A_323 : memref<65536xf32, #tpu.memory_space<vmem>>[vector<16xi32>], vector<16xf32>, vector<16xi1>
      tpu.vector_store_idx %arg10[%add3A_359], %while3A_313 masked %lt3A_323 : memref<32768xi32, #tpu.memory_space<vmem>>[vector<16xi32>], vector<16xi32>, vector<16xi1>
      %add3A_369 = arith.constant 128 : i32
      %add3A_370 = vector.broadcast %add3A_369 : i32 to vector<16xi32>
      %add3A_371 = arith.addi %add3A_359, %add3A_370 : vector<16xi32>
      tpu.vector_store_idx %arg10[%add3A_371], %add3A_325 masked %lt3A_323 : memref<32768xi32, #tpu.memory_space<vmem>>[vector<16xi32>], vector<16xi32>, vector<16xi1>
      %add3A_372 = arith.addi %while3A_309, %min3A_321 : i32
      %add3A_373 = arith.addi %while3A_312, %min3A_321 : i32
      %add3A_374 = arith.addi %while3A_311, %min3A_321 : i32
      %ge3A = arith.constant 1024 : i32
      %ge3A_375 = arith.cmpi sge, %add3A_374, %ge3A : i32
      %lt3A_376 = arith.constant 1022 : i32
      %lt3A_377 = arith.cmpi slt, %while3A_310, %lt3A_376 : i32
      %and3A_378 = arith.andi %ge3A_375, %lt3A_377 : i1
      %add3A_379 = arith.constant 1 : i32
      %add3A_380 = arith.addi %while3A_310, %add3A_379 : i32
      %select_n3A_381 = arith.select %and3A_378, %add3A_380, %while3A_310 : i32
      %add3A_382 = arith.constant 1 : i32
      %add3A_383 = arith.addi %select_n3A_381, %add3A_382 : i32
      %select_n3A_384 = arith.select %and3A_378, %add3A_383, %add3A_374 : i32
      %convert_element_type3A_385 = arith.extui %and3A_378 : i1 to i32
      %cond3A_386 = arith.constant 0 : i32
      %cond3A_387 = arith.cmpi ne, %convert_element_type3A_385, %cond3A_386 : i32
      %cond3A_388:3 = scf.if %cond3A_387 -> (vector<16xi32>, vector<16xf32>, vector<16xf32>) {
        %broadcast_in_dim3A_389 = vector.broadcast %select_n3A_381 : i32 to vector<16xi32>
        %shift_right_logical3A_390 = arith.constant 7 : i32
        %shift_right_logical3A_391 = vector.broadcast %shift_right_logical3A_390 : i32 to vector<16xi32>
        %shift_right_logical3A_392 = arith.shrui %broadcast_in_dim3A_389, %shift_right_logical3A_391 : vector<16xi32>
        %shift_left3A_393 = arith.constant 8 : i32
        %shift_left3A_394 = vector.broadcast %shift_left3A_393 : i32 to vector<16xi32>
        %shift_left3A_395 = arith.shli %shift_right_logical3A_392, %shift_left3A_394 : vector<16xi32>
        %and3A_396 = arith.constant 127 : i32
        %and3A_397 = vector.broadcast %and3A_396 : i32 to vector<16xi32>
        %and3A_398 = arith.andi %broadcast_in_dim3A_389, %and3A_397 : vector<16xi32>
        %add3A_399 = arith.addi %shift_left3A_395, %and3A_398 : vector<16xi32>
        %add3A_400 = arith.constant 0 : i32
        %add3A_401 = vector.broadcast %add3A_400 : i32 to vector<16xi32>
        %add3A_402 = arith.addi %add3A_399, %add3A_401 : vector<16xi32>
        %gather3A_403 = tpu.vector_load_idx %arg8[%add3A_402] : memref<2048xf32, #tpu.memory_space<vmem>>[vector<16xi32>], vector<16xf32>,
        %shift_right_logical3A_404 = arith.constant 7 : i32
        %shift_right_logical3A_405 = vector.broadcast %shift_right_logical3A_404 : i32 to vector<16xi32>
        %shift_right_logical3A_406 = arith.shrui %broadcast_in_dim3A_389, %shift_right_logical3A_405 : vector<16xi32>
        %shift_left3A_407 = arith.constant 8 : i32
        %shift_left3A_408 = vector.broadcast %shift_left3A_407 : i32 to vector<16xi32>
        %shift_left3A_409 = arith.shli %shift_right_logical3A_406, %shift_left3A_408 : vector<16xi32>
        %and3A_410 = arith.constant 127 : i32
        %and3A_411 = vector.broadcast %and3A_410 : i32 to vector<16xi32>
        %and3A_412 = arith.andi %broadcast_in_dim3A_389, %and3A_411 : vector<16xi32>
        %add3A_413 = arith.addi %shift_left3A_409, %and3A_412 : vector<16xi32>
        %add3A_414 = arith.constant 128 : i32
        %add3A_415 = vector.broadcast %add3A_414 : i32 to vector<16xi32>
        %add3A_416 = arith.addi %add3A_413, %add3A_415 : vector<16xi32>
        %gather3A_417 = tpu.vector_load_idx %arg8[%add3A_416] : memref<2048xf32, #tpu.memory_space<vmem>>[vector<16xi32>], vector<16xf32>,
        scf.yield %broadcast_in_dim3A_389, %gather3A_403, %gather3A_417 : vector<16xi32>, vector<16xf32>, vector<16xf32>
      } else {
        scf.yield %while3A_313, %while3A_314, %while3A_315 : vector<16xi32>, vector<16xf32>, vector<16xf32>
      }
      scf.yield %add3A_372, %select_n3A_381, %select_n3A_384, %add3A_373, %cond3A_388#0, %cond3A_388#1, %cond3A_388#2 : i32, i32, i32, i32, vector<16xi32>, vector<16xf32>, vector<16xf32>
    }
    %while3A_295 = arith.constant 1 : i32
    %while3A_296:7 = scf.for %while3A_308 = %while3A_292 to %while3A_288 step %while3A_295 iter_args(%while3A_309 = %while3A_294#0, %while3A_310 = %while3A_294#1, %while3A_311 = %while3A_294#2, %while3A_312 = %while3A_294#3, %while3A_313 = %while3A_294#4, %while3A_314 = %while3A_294#5, %while3A_315 = %while3A_294#6) -> (i32, i32, i32, i32, vector<16xi32>, vector<16xf32>, vector<16xf32>)  : i32 {
      %sub3A_316 = arith.constant 1024 : i32
      %sub3A_317 = arith.subi %sub3A_316, %while3A_311 : i32
      %min3A_318 = arith.constant 16 : i32
      %min3A_319 = arith.minsi %min3A_318, %sub3A_317 : i32
      %sub3A_320 = arith.subi %min3A_268, %while3A_309 : i32
      %min3A_321 = arith.minsi %min3A_319, %sub3A_320 : i32
      %lt3A_322 = vector.broadcast %min3A_321 : i32 to vector<16xi32>
      %lt3A_323 = arith.cmpi slt, %iota3A, %lt3A_322 : vector<16xi32>
      %add3A_324 = vector.broadcast %while3A_311 : i32 to vector<16xi32>
      %add3A_325 = arith.addi %add3A_324, %iota3A : vector<16xi32>
      %shift_right_logical3A_326 = arith.constant 7 : i32
      %shift_right_logical3A_327 = vector.broadcast %shift_right_logical3A_326 : i32 to vector<16xi32>
      %shift_right_logical3A_328 = arith.shrui %add3A_325, %shift_right_logical3A_327 : vector<16xi32>
      %shift_left3A_329 = arith.constant 8 : i32
      %shift_left3A_330 = vector.broadcast %shift_left3A_329 : i32 to vector<16xi32>
      %shift_left3A_331 = arith.shli %shift_right_logical3A_328, %shift_left3A_330 : vector<16xi32>
      %and3A_332 = arith.constant 127 : i32
      %and3A_333 = vector.broadcast %and3A_332 : i32 to vector<16xi32>
      %and3A_334 = arith.andi %add3A_325, %and3A_333 : vector<16xi32>
      %add3A_335 = arith.addi %shift_left3A_331, %and3A_334 : vector<16xi32>
      %add3A_336 = arith.constant 0 : i32
      %add3A_337 = vector.broadcast %add3A_336 : i32 to vector<16xi32>
      %add3A_338 = arith.addi %add3A_335, %add3A_337 : vector<16xi32>
      %gather3A_339 = tpu.vector_load_idx %arg8[%add3A_338] masked %lt3A_323 : memref<2048xf32, #tpu.memory_space<vmem>>[vector<16xi32>], vector<16xf32>, vector<16xi1>
      %add3A_340 = arith.constant 128 : i32
      %add3A_341 = vector.broadcast %add3A_340 : i32 to vector<16xi32>
      %add3A_342 = arith.addi %add3A_338, %add3A_341 : vector<16xi32>
      %gather3A_343 = tpu.vector_load_idx %arg8[%add3A_342] masked %lt3A_323 : memref<2048xf32, #tpu.memory_space<vmem>>[vector<16xi32>], vector<16xf32>, vector<16xi1>
      %add3A_344 = vector.broadcast %while3A_312 : i32 to vector<16xi32>
      %add3A_345 = arith.addi %add3A_344, %iota3A : vector<16xi32>
      %shift_right_logical3A_346 = arith.constant 7 : i32
      %shift_right_logical3A_347 = vector.broadcast %shift_right_logical3A_346 : i32 to vector<16xi32>
      %shift_right_logical3A_348 = arith.shrui %add3A_345, %shift_right_logical3A_347 : vector<16xi32>
      %and3A_349 = arith.constant 127 : i32
      %and3A_350 = vector.broadcast %and3A_349 : i32 to vector<16xi32>
      %and3A_351 = arith.andi %add3A_345, %and3A_350 : vector<16xi32>
      %shift_left3A_352 = arith.constant 9 : i32
      %shift_left3A_353 = vector.broadcast %shift_left3A_352 : i32 to vector<16xi32>
      %shift_left3A_354 = arith.shli %shift_right_logical3A_348, %shift_left3A_353 : vector<16xi32>
      %add3A_355 = arith.addi %shift_left3A_354, %and3A_351 : vector<16xi32>
      %shift_left3A_356 = arith.constant 8 : i32
      %shift_left3A_357 = vector.broadcast %shift_left3A_356 : i32 to vector<16xi32>
      %shift_left3A_358 = arith.shli %shift_right_logical3A_348, %shift_left3A_357 : vector<16xi32>
      %add3A_359 = arith.addi %shift_left3A_358, %and3A_351 : vector<16xi32>
      tpu.vector_store_idx %arg9[%add3A_355], %while3A_314 masked %lt3A_323 : memref<65536xf32, #tpu.memory_space<vmem>>[vector<16xi32>], vector<16xf32>, vector<16xi1>
      %add3A_360 = arith.constant 128 : i32
      %add3A_361 = vector.broadcast %add3A_360 : i32 to vector<16xi32>
      %add3A_362 = arith.addi %add3A_355, %add3A_361 : vector<16xi32>
      tpu.vector_store_idx %arg9[%add3A_362], %while3A_315 masked %lt3A_323 : memref<65536xf32, #tpu.memory_space<vmem>>[vector<16xi32>], vector<16xf32>, vector<16xi1>
      %add3A_363 = arith.constant 256 : i32
      %add3A_364 = vector.broadcast %add3A_363 : i32 to vector<16xi32>
      %add3A_365 = arith.addi %add3A_355, %add3A_364 : vector<16xi32>
      tpu.vector_store_idx %arg9[%add3A_365], %gather3A_339 masked %lt3A_323 : memref<65536xf32, #tpu.memory_space<vmem>>[vector<16xi32>], vector<16xf32>, vector<16xi1>
      %add3A_366 = arith.constant 384 : i32
      %add3A_367 = vector.broadcast %add3A_366 : i32 to vector<16xi32>
      %add3A_368 = arith.addi %add3A_355, %add3A_367 : vector<16xi32>
      tpu.vector_store_idx %arg9[%add3A_368], %gather3A_343 masked %lt3A_323 : memref<65536xf32, #tpu.memory_space<vmem>>[vector<16xi32>], vector<16xf32>, vector<16xi1>
      tpu.vector_store_idx %arg10[%add3A_359], %while3A_313 masked %lt3A_323 : memref<32768xi32, #tpu.memory_space<vmem>>[vector<16xi32>], vector<16xi32>, vector<16xi1>
      %add3A_369 = arith.constant 128 : i32
      %add3A_370 = vector.broadcast %add3A_369 : i32 to vector<16xi32>
      %add3A_371 = arith.addi %add3A_359, %add3A_370 : vector<16xi32>
      tpu.vector_store_idx %arg10[%add3A_371], %add3A_325 masked %lt3A_323 : memref<32768xi32, #tpu.memory_space<vmem>>[vector<16xi32>], vector<16xi32>, vector<16xi1>
      %add3A_372 = arith.addi %while3A_309, %min3A_321 : i32
      %add3A_373 = arith.addi %while3A_312, %min3A_321 : i32
      %add3A_374 = arith.addi %while3A_311, %min3A_321 : i32
      %ge3A = arith.constant 1024 : i32
      %ge3A_375 = arith.cmpi sge, %add3A_374, %ge3A : i32
      %lt3A_376 = arith.constant 1022 : i32
      %lt3A_377 = arith.cmpi slt, %while3A_310, %lt3A_376 : i32
      %and3A_378 = arith.andi %ge3A_375, %lt3A_377 : i1
      %add3A_379 = arith.constant 1 : i32
      %add3A_380 = arith.addi %while3A_310, %add3A_379 : i32
      %select_n3A_381 = arith.select %and3A_378, %add3A_380, %while3A_310 : i32
      %add3A_382 = arith.constant 1 : i32
      %add3A_383 = arith.addi %select_n3A_381, %add3A_382 : i32
      %select_n3A_384 = arith.select %and3A_378, %add3A_383, %add3A_374 : i32
      %convert_element_type3A_385 = arith.extui %and3A_378 : i1 to i32
      %cond3A_386 = arith.constant 0 : i32
      %cond3A_387 = arith.cmpi ne, %convert_element_type3A_385, %cond3A_386 : i32
      %cond3A_388:3 = scf.if %cond3A_387 -> (vector<16xi32>, vector<16xf32>, vector<16xf32>) {
        %broadcast_in_dim3A_389 = vector.broadcast %select_n3A_381 : i32 to vector<16xi32>
        %shift_right_logical3A_390 = arith.constant 7 : i32
        %shift_right_logical3A_391 = vector.broadcast %shift_right_logical3A_390 : i32 to vector<16xi32>
        %shift_right_logical3A_392 = arith.shrui %broadcast_in_dim3A_389, %shift_right_logical3A_391 : vector<16xi32>
        %shift_left3A_393 = arith.constant 8 : i32
        %shift_left3A_394 = vector.broadcast %shift_left3A_393 : i32 to vector<16xi32>
        %shift_left3A_395 = arith.shli %shift_right_logical3A_392, %shift_left3A_394 : vector<16xi32>
        %and3A_396 = arith.constant 127 : i32
        %and3A_397 = vector.broadcast %and3A_396 : i32 to vector<16xi32>
        %and3A_398 = arith.andi %broadcast_in_dim3A_389, %and3A_397 : vector<16xi32>
        %add3A_399 = arith.addi %shift_left3A_395, %and3A_398 : vector<16xi32>
        %add3A_400 = arith.constant 0 : i32
        %add3A_401 = vector.broadcast %add3A_400 : i32 to vector<16xi32>
        %add3A_402 = arith.addi %add3A_399, %add3A_401 : vector<16xi32>
        %gather3A_403 = tpu.vector_load_idx %arg8[%add3A_402] : memref<2048xf32, #tpu.memory_space<vmem>>[vector<16xi32>], vector<16xf32>,
        %shift_right_logical3A_404 = arith.constant 7 : i32
        %shift_right_logical3A_405 = vector.broadcast %shift_right_logical3A_404 : i32 to vector<16xi32>
        %shift_right_logical3A_406 = arith.shrui %broadcast_in_dim3A_389, %shift_right_logical3A_405 : vector<16xi32>
        %shift_left3A_407 = arith.constant 8 : i32
        %shift_left3A_408 = vector.broadcast %shift_left3A_407 : i32 to vector<16xi32>
        %shift_left3A_409 = arith.shli %shift_right_logical3A_406, %shift_left3A_408 : vector<16xi32>
        %and3A_410 = arith.constant 127 : i32
        %and3A_411 = vector.broadcast %and3A_410 : i32 to vector<16xi32>
        %and3A_412 = arith.andi %broadcast_in_dim3A_389, %and3A_411 : vector<16xi32>
        %add3A_413 = arith.addi %shift_left3A_409, %and3A_412 : vector<16xi32>
        %add3A_414 = arith.constant 128 : i32
        %add3A_415 = vector.broadcast %add3A_414 : i32 to vector<16xi32>
        %add3A_416 = arith.addi %add3A_413, %add3A_415 : vector<16xi32>
        %gather3A_417 = tpu.vector_load_idx %arg8[%add3A_416] : memref<2048xf32, #tpu.memory_space<vmem>>[vector<16xi32>], vector<16xf32>,
        scf.yield %broadcast_in_dim3A_389, %gather3A_403, %gather3A_417 : vector<16xi32>, vector<16xf32>, vector<16xf32>
      } else {
        scf.yield %while3A_313, %while3A_314, %while3A_315 : vector<16xi32>, vector<16xf32>, vector<16xf32>
      }
      scf.yield %add3A_372, %select_n3A_381, %select_n3A_384, %add3A_373, %cond3A_388#0, %cond3A_388#1, %cond3A_388#2 : i32, i32, i32, i32, vector<16xi32>, vector<16xf32>, vector<16xf32>
    }
    %convert_element_type3A_297 = arith.extui %lt3A_1 : i1 to i32
    %cond3A_298 = arith.constant 0 : i32
    %cond3A_299 = arith.cmpi ne, %convert_element_type3A_297, %cond3A_298 : i32
    scf.if %cond3A_299 {
      %mul3A_308 = arith.constant 512 : i32
      %mul3A_309 = arith.muli %select_n3A, %mul3A_308 : i32
      %add3A_310 = arith.constant 49152 : i32
      %add3A_311 = arith.addi %mul3A_309, %add3A_310 : i32
      %dma_start3A_312 = arith.constant 49152 : i32
      %dma_start3A_313 = tpu.memref_slice %arg9[%dma_start3A_312] : memref<65536xf32, #tpu.memory_space<vmem>> -> memref<16384xf32, #tpu.memory_space<vmem>>
      %dma_start3A_314 = tpu.memref_slice %arg3[%add3A_311] : memref<2095104xf32, #tpu.memory_space<hbm>> -> memref<16384xf32, #tpu.memory_space<hbm>>
      %dma_start3A_315 = tpu.memref_slice %arg3[%add3A_311] : memref<2095104xf32, #tpu.memory_space<hbm>> -> memref<16384xf32, #tpu.memory_space<hbm>>
      %dma_start3A_316 = arith.constant 49152 : i32
      %dma_start3A_317 = tpu.memref_slice %arg9[%dma_start3A_316] : memref<65536xf32, #tpu.memory_space<vmem>> -> memref<16384xf32, #tpu.memory_space<vmem>>
      tpu.enqueue_dma source(%dma_start3A_317 : memref<16384xf32, #tpu.memory_space<vmem>>) target(%dma_start3A_315 : memref<16384xf32, #tpu.memory_space<hbm>>) target_semaphore(%arg14 : memref<!tpu.dma_semaphore, #tpu.memory_space<semaphore_mem>>)
      %mul3A_318 = arith.constant 256 : i32
      %mul3A_319 = arith.muli %select_n3A, %mul3A_318 : i32
      %add3A_320 = arith.constant 24576 : i32
      %add3A_321 = arith.addi %mul3A_319, %add3A_320 : i32
      %dma_start3A_322 = arith.constant 24576 : i32
      %dma_start3A_323 = tpu.memref_slice %arg10[%dma_start3A_322] : memref<32768xi32, #tpu.memory_space<vmem>> -> memref<8192xi32, #tpu.memory_space<vmem>>
      %dma_start3A_324 = tpu.memref_slice %arg4[%add3A_321] : memref<1047552xi32, #tpu.memory_space<hbm>> -> memref<8192xi32, #tpu.memory_space<hbm>>
      %dma_start3A_325 = tpu.memref_slice %arg4[%add3A_321] : memref<1047552xi32, #tpu.memory_space<hbm>> -> memref<8192xi32, #tpu.memory_space<hbm>>
      %dma_start3A_326 = arith.constant 24576 : i32
      %dma_start3A_327 = tpu.memref_slice %arg10[%dma_start3A_326] : memref<32768xi32, #tpu.memory_space<vmem>> -> memref<8192xi32, #tpu.memory_space<vmem>>
      tpu.enqueue_dma source(%dma_start3A_327 : memref<8192xi32, #tpu.memory_space<vmem>>) target(%dma_start3A_325 : memref<8192xi32, #tpu.memory_space<hbm>>) target_semaphore(%arg15 : memref<!tpu.dma_semaphore, #tpu.memory_space<semaphore_mem>>)
    } else {
    }
    %convert_element_type3A_300 = arith.extui %lt3A_1 : i1 to i32
    %cond3A_301 = arith.constant 0 : i32
    %cond3A_302 = arith.cmpi ne, %convert_element_type3A_300, %cond3A_301 : i32
    scf.if %cond3A_302 {
      %mul3A_308 = arith.constant 512 : i32
      %mul3A_309 = arith.muli %select_n3A, %mul3A_308 : i32
      %add3A_310 = arith.constant 0 : i32
      %add3A_311 = arith.addi %mul3A_309, %add3A_310 : i32
      %dma_wait3A = arith.constant 0 : i32
      %dma_wait3A_312 = tpu.memref_slice %arg9[%dma_wait3A] : memref<65536xf32, #tpu.memory_space<vmem>> -> memref<16384xf32, #tpu.memory_space<vmem>>
      %dma_wait3A_313 = tpu.memref_slice %arg3[%add3A_311] : memref<2095104xf32, #tpu.memory_space<hbm>> -> memref<16384xf32, #tpu.memory_space<hbm>>
      %dma_wait3A_314 = tpu.memref_slice %arg3[%add3A_311] : memref<2095104xf32, #tpu.memory_space<hbm>> -> memref<16384xf32, #tpu.memory_space<hbm>>
      %dma_wait3A_315 = arith.constant 0 : i32
      %dma_wait3A_316 = tpu.memref_slice %arg9[%dma_wait3A_315] : memref<65536xf32, #tpu.memory_space<vmem>> -> memref<16384xf32, #tpu.memory_space<vmem>>
      tpu.wait_dma2 semaphore(%arg14 : memref<!tpu.dma_semaphore, #tpu.memory_space<semaphore_mem>>) src(%dma_wait3A_316 : memref<16384xf32, #tpu.memory_space<vmem>>) dst(%dma_wait3A_314 : memref<16384xf32, #tpu.memory_space<hbm>>)
      %mul3A_317 = arith.constant 256 : i32
      %mul3A_318 = arith.muli %select_n3A, %mul3A_317 : i32
      %add3A_319 = arith.constant 0 : i32
      %add3A_320 = arith.addi %mul3A_318, %add3A_319 : i32
      %dma_wait3A_321 = arith.constant 0 : i32
      %dma_wait3A_322 = tpu.memref_slice %arg10[%dma_wait3A_321] : memref<32768xi32, #tpu.memory_space<vmem>> -> memref<8192xi32, #tpu.memory_space<vmem>>
      %dma_wait3A_323 = tpu.memref_slice %arg4[%add3A_320] : memref<1047552xi32, #tpu.memory_space<hbm>> -> memref<8192xi32, #tpu.memory_space<hbm>>
      %dma_wait3A_324 = tpu.memref_slice %arg4[%add3A_320] : memref<1047552xi32, #tpu.memory_space<hbm>> -> memref<8192xi32, #tpu.memory_space<hbm>>
      %dma_wait3A_325 = arith.constant 0 : i32
      %dma_wait3A_326 = tpu.memref_slice %arg10[%dma_wait3A_325] : memref<32768xi32, #tpu.memory_space<vmem>> -> memref<8192xi32, #tpu.memory_space<vmem>>
      tpu.wait_dma2 semaphore(%arg15 : memref<!tpu.dma_semaphore, #tpu.memory_space<semaphore_mem>>) src(%dma_wait3A_326 : memref<8192xi32, #tpu.memory_space<vmem>>) dst(%dma_wait3A_324 : memref<8192xi32, #tpu.memory_space<hbm>>)
      %mul3A_327 = arith.constant 512 : i32
      %mul3A_328 = arith.muli %select_n3A, %mul3A_327 : i32
      %add3A_329 = arith.constant 16384 : i32
      %add3A_330 = arith.addi %mul3A_328, %add3A_329 : i32
      %dma_wait3A_331 = arith.constant 16384 : i32
      %dma_wait3A_332 = tpu.memref_slice %arg9[%dma_wait3A_331] : memref<65536xf32, #tpu.memory_space<vmem>> -> memref<16384xf32, #tpu.memory_space<vmem>>
      %dma_wait3A_333 = tpu.memref_slice %arg3[%add3A_330] : memref<2095104xf32, #tpu.memory_space<hbm>> -> memref<16384xf32, #tpu.memory_space<hbm>>
      %dma_wait3A_334 = tpu.memref_slice %arg3[%add3A_330] : memref<2095104xf32, #tpu.memory_space<hbm>> -> memref<16384xf32, #tpu.memory_space<hbm>>
      %dma_wait3A_335 = arith.constant 16384 : i32
      %dma_wait3A_336 = tpu.memref_slice %arg9[%dma_wait3A_335] : memref<65536xf32, #tpu.memory_space<vmem>> -> memref<16384xf32, #tpu.memory_space<vmem>>
      tpu.wait_dma2 semaphore(%arg14 : memref<!tpu.dma_semaphore, #tpu.memory_space<semaphore_mem>>) src(%dma_wait3A_336 : memref<16384xf32, #tpu.memory_space<vmem>>) dst(%dma_wait3A_334 : memref<16384xf32, #tpu.memory_space<hbm>>)
      %mul3A_337 = arith.constant 256 : i32
      %mul3A_338 = arith.muli %select_n3A, %mul3A_337 : i32
      %add3A_339 = arith.constant 8192 : i32
      %add3A_340 = arith.addi %mul3A_338, %add3A_339 : i32
      %dma_wait3A_341 = arith.constant 8192 : i32
      %dma_wait3A_342 = tpu.memref_slice %arg10[%dma_wait3A_341] : memref<32768xi32, #tpu.memory_space<vmem>> -> memref<8192xi32, #tpu.memory_space<vmem>>
      %dma_wait3A_343 = tpu.memref_slice %arg4[%add3A_340] : memref<1047552xi32, #tpu.memory_space<hbm>> -> memref<8192xi32, #tpu.memory_space<hbm>>
      %dma_wait3A_344 = tpu.memref_slice %arg4[%add3A_340] : memref<1047552xi32, #tpu.memory_space<hbm>> -> memref<8192xi32, #tpu.memory_space<hbm>>
      %dma_wait3A_345 = arith.constant 8192 : i32
      %dma_wait3A_346 = tpu.memref_slice %arg10[%dma_wait3A_345] : memref<32768xi32, #tpu.memory_space<vmem>> -> memref<8192xi32, #tpu.memory_space<vmem>>
      tpu.wait_dma2 semaphore(%arg15 : memref<!tpu.dma_semaphore, #tpu.memory_space<semaphore_mem>>) src(%dma_wait3A_346 : memref<8192xi32, #tpu.memory_space<vmem>>) dst(%dma_wait3A_344 : memref<8192xi32, #tpu.memory_space<hbm>>)
      %mul3A_347 = arith.constant 512 : i32
      %mul3A_348 = arith.muli %select_n3A, %mul3A_347 : i32
      %add3A_349 = arith.constant 32768 : i32
      %add3A_350 = arith.addi %mul3A_348, %add3A_349 : i32
      %dma_wait3A_351 = arith.constant 32768 : i32
      %dma_wait3A_352 = tpu.memref_slice %arg9[%dma_wait3A_351] : memref<65536xf32, #tpu.memory_space<vmem>> -> memref<16384xf32, #tpu.memory_space<vmem>>
      %dma_wait3A_353 = tpu.memref_slice %arg3[%add3A_350] : memref<2095104xf32, #tpu.memory_space<hbm>> -> memref<16384xf32, #tpu.memory_space<hbm>>
      %dma_wait3A_354 = tpu.memref_slice %arg3[%add3A_350] : memref<2095104xf32, #tpu.memory_space<hbm>> -> memref<16384xf32, #tpu.memory_space<hbm>>
      %dma_wait3A_355 = arith.constant 32768 : i32
      %dma_wait3A_356 = tpu.memref_slice %arg9[%dma_wait3A_355] : memref<65536xf32, #tpu.memory_space<vmem>> -> memref<16384xf32, #tpu.memory_space<vmem>>
      tpu.wait_dma2 semaphore(%arg14 : memref<!tpu.dma_semaphore, #tpu.memory_space<semaphore_mem>>) src(%dma_wait3A_356 : memref<16384xf32, #tpu.memory_space<vmem>>) dst(%dma_wait3A_354 : memref<16384xf32, #tpu.memory_space<hbm>>)
      %mul3A_357 = arith.constant 256 : i32
      %mul3A_358 = arith.muli %select_n3A, %mul3A_357 : i32
      %add3A_359 = arith.constant 16384 : i32
      %add3A_360 = arith.addi %mul3A_358, %add3A_359 : i32
      %dma_wait3A_361 = arith.constant 16384 : i32
      %dma_wait3A_362 = tpu.memref_slice %arg10[%dma_wait3A_361] : memref<32768xi32, #tpu.memory_space<vmem>> -> memref<8192xi32, #tpu.memory_space<vmem>>
      %dma_wait3A_363 = tpu.memref_slice %arg4[%add3A_360] : memref<1047552xi32, #tpu.memory_space<hbm>> -> memref<8192xi32, #tpu.memory_space<hbm>>
      %dma_wait3A_364 = tpu.memref_slice %arg4[%add3A_360] : memref<1047552xi32, #tpu.memory_space<hbm>> -> memref<8192xi32, #tpu.memory_space<hbm>>
      %dma_wait3A_365 = arith.constant 16384 : i32
      %dma_wait3A_366 = tpu.memref_slice %arg10[%dma_wait3A_365] : memref<32768xi32, #tpu.memory_space<vmem>> -> memref<8192xi32, #tpu.memory_space<vmem>>
      tpu.wait_dma2 semaphore(%arg15 : memref<!tpu.dma_semaphore, #tpu.memory_space<semaphore_mem>>) src(%dma_wait3A_366 : memref<8192xi32, #tpu.memory_space<vmem>>) dst(%dma_wait3A_364 : memref<8192xi32, #tpu.memory_space<hbm>>)
      %mul3A_367 = arith.constant 512 : i32
      %mul3A_368 = arith.muli %select_n3A, %mul3A_367 : i32
      %add3A_369 = arith.constant 49152 : i32
      %add3A_370 = arith.addi %mul3A_368, %add3A_369 : i32
      %dma_wait3A_371 = arith.constant 49152 : i32
      %dma_wait3A_372 = tpu.memref_slice %arg9[%dma_wait3A_371] : memref<65536xf32, #tpu.memory_space<vmem>> -> memref<16384xf32, #tpu.memory_space<vmem>>
      %dma_wait3A_373 = tpu.memref_slice %arg3[%add3A_370] : memref<2095104xf32, #tpu.memory_space<hbm>> -> memref<16384xf32, #tpu.memory_space<hbm>>
      %dma_wait3A_374 = tpu.memref_slice %arg3[%add3A_370] : memref<2095104xf32, #tpu.memory_space<hbm>> -> memref<16384xf32, #tpu.memory_space<hbm>>
      %dma_wait3A_375 = arith.constant 49152 : i32
      %dma_wait3A_376 = tpu.memref_slice %arg9[%dma_wait3A_375] : memref<65536xf32, #tpu.memory_space<vmem>> -> memref<16384xf32, #tpu.memory_space<vmem>>
      tpu.wait_dma2 semaphore(%arg14 : memref<!tpu.dma_semaphore, #tpu.memory_space<semaphore_mem>>) src(%dma_wait3A_376 : memref<16384xf32, #tpu.memory_space<vmem>>) dst(%dma_wait3A_374 : memref<16384xf32, #tpu.memory_space<hbm>>)
      %mul3A_377 = arith.constant 256 : i32
      %mul3A_378 = arith.muli %select_n3A, %mul3A_377 : i32
      %add3A_379 = arith.constant 24576 : i32
      %add3A_380 = arith.addi %mul3A_378, %add3A_379 : i32
      %dma_wait3A_381 = arith.constant 24576 : i32
      %dma_wait3A_382 = tpu.memref_slice %arg10[%dma_wait3A_381] : memref<32768xi32, #tpu.memory_space<vmem>> -> memref<8192xi32, #tpu.memory_space<vmem>>
      %dma_wait3A_383 = tpu.memref_slice %arg4[%add3A_380] : memref<1047552xi32, #tpu.memory_space<hbm>> -> memref<8192xi32, #tpu.memory_space<hbm>>
      %dma_wait3A_384 = tpu.memref_slice %arg4[%add3A_380] : memref<1047552xi32, #tpu.memory_space<hbm>> -> memref<8192xi32, #tpu.memory_space<hbm>>
      %dma_wait3A_385 = arith.constant 24576 : i32
      %dma_wait3A_386 = tpu.memref_slice %arg10[%dma_wait3A_385] : memref<32768xi32, #tpu.memory_space<vmem>> -> memref<8192xi32, #tpu.memory_space<vmem>>
      tpu.wait_dma2 semaphore(%arg15 : memref<!tpu.dma_semaphore, #tpu.memory_space<semaphore_mem>>) src(%dma_wait3A_386 : memref<8192xi32, #tpu.memory_space<vmem>>) dst(%dma_wait3A_384 : memref<8192xi32, #tpu.memory_space<hbm>>)
      %dma_wait3A_387 = tpu.memref_slice %arg5[%add3A_23] : memref<523776xi32, #tpu.memory_space<hbm>> -> memref<8192xi32, #tpu.memory_space<hbm>>
      %dma_wait3A_388 = tpu.memref_slice %arg5[%add3A_23] : memref<523776xi32, #tpu.memory_space<hbm>> -> memref<8192xi32, #tpu.memory_space<hbm>>
      tpu.wait_dma2 semaphore(%arg16 : memref<!tpu.dma_semaphore, #tpu.memory_space<semaphore_mem>>) src(%arg11 : memref<8192xi32, #tpu.memory_space<vmem>>) dst(%dma_wait3A_388 : memref<8192xi32, #tpu.memory_space<hbm>>)
      %dma_wait3A_389 = tpu.memref_slice %arg6[%add3A_25] : memref<523776xf32, #tpu.memory_space<hbm>> -> memref<8192xf32, #tpu.memory_space<hbm>>
      %dma_wait3A_390 = tpu.memref_slice %arg6[%add3A_25] : memref<523776xf32, #tpu.memory_space<hbm>> -> memref<8192xf32, #tpu.memory_space<hbm>>
      tpu.wait_dma2 semaphore(%arg16 : memref<!tpu.dma_semaphore, #tpu.memory_space<semaphore_mem>>) src(%arg12 : memref<8192xf32, #tpu.memory_space<vmem>>) dst(%dma_wait3A_390 : memref<8192xf32, #tpu.memory_space<hbm>>)
      %dma_wait3A_391 = tpu.memref_slice %arg5[%add3A_27] : memref<523776xi32, #tpu.memory_space<hbm>> -> memref<8192xi32, #tpu.memory_space<hbm>>
      %dma_wait3A_392 = tpu.memref_slice %arg5[%add3A_27] : memref<523776xi32, #tpu.memory_space<hbm>> -> memref<8192xi32, #tpu.memory_space<hbm>>
      tpu.wait_dma2 semaphore(%arg16 : memref<!tpu.dma_semaphore, #tpu.memory_space<semaphore_mem>>) src(%arg11 : memref<8192xi32, #tpu.memory_space<vmem>>) dst(%dma_wait3A_392 : memref<8192xi32, #tpu.memory_space<hbm>>)
      %dma_wait3A_393 = tpu.memref_slice %arg6[%add3A_29] : memref<523776xf32, #tpu.memory_space<hbm>> -> memref<8192xf32, #tpu.memory_space<hbm>>
      %dma_wait3A_394 = tpu.memref_slice %arg6[%add3A_29] : memref<523776xf32, #tpu.memory_space<hbm>> -> memref<8192xf32, #tpu.memory_space<hbm>>
      tpu.wait_dma2 semaphore(%arg16 : memref<!tpu.dma_semaphore, #tpu.memory_space<semaphore_mem>>) src(%arg12 : memref<8192xf32, #tpu.memory_space<vmem>>) dst(%dma_wait3A_394 : memref<8192xf32, #tpu.memory_space<hbm>>)
      %dma_wait3A_395 = tpu.memref_slice %arg7[%add3A_33] : memref<1047552xf32, #tpu.memory_space<hbm>> -> memref<8192xf32, #tpu.memory_space<hbm>>
      %dma_wait3A_396 = tpu.memref_slice %arg7[%add3A_33] : memref<1047552xf32, #tpu.memory_space<hbm>> -> memref<8192xf32, #tpu.memory_space<hbm>>
      tpu.wait_dma2 semaphore(%arg16 : memref<!tpu.dma_semaphore, #tpu.memory_space<semaphore_mem>>) src(%arg13 : memref<8192xf32, #tpu.memory_space<vmem>>) dst(%dma_wait3A_396 : memref<8192xf32, #tpu.memory_space<hbm>>)
      %dma_wait3A_397 = tpu.memref_slice %arg7[%add3A_37] : memref<1047552xf32, #tpu.memory_space<hbm>> -> memref<8192xf32, #tpu.memory_space<hbm>>
      %dma_wait3A_398 = tpu.memref_slice %arg7[%add3A_37] : memref<1047552xf32, #tpu.memory_space<hbm>> -> memref<8192xf32, #tpu.memory_space<hbm>>
      tpu.wait_dma2 semaphore(%arg16 : memref<!tpu.dma_semaphore, #tpu.memory_space<semaphore_mem>>) src(%arg13 : memref<8192xf32, #tpu.memory_space<vmem>>) dst(%dma_wait3A_398 : memref<8192xf32, #tpu.memory_space<hbm>>)
      %dma_wait3A_399 = tpu.memref_slice %arg7[%add3A_41] : memref<1047552xf32, #tpu.memory_space<hbm>> -> memref<8192xf32, #tpu.memory_space<hbm>>
      %dma_wait3A_400 = tpu.memref_slice %arg7[%add3A_41] : memref<1047552xf32, #tpu.memory_space<hbm>> -> memref<8192xf32, #tpu.memory_space<hbm>>
      tpu.wait_dma2 semaphore(%arg16 : memref<!tpu.dma_semaphore, #tpu.memory_space<semaphore_mem>>) src(%arg13 : memref<8192xf32, #tpu.memory_space<vmem>>) dst(%dma_wait3A_400 : memref<8192xf32, #tpu.memory_space<hbm>>)
      %dma_wait3A_401 = tpu.memref_slice %arg7[%add3A_45] : memref<1047552xf32, #tpu.memory_space<hbm>> -> memref<8192xf32, #tpu.memory_space<hbm>>
      %dma_wait3A_402 = tpu.memref_slice %arg7[%add3A_45] : memref<1047552xf32, #tpu.memory_space<hbm>> -> memref<8192xf32, #tpu.memory_space<hbm>>
      tpu.wait_dma2 semaphore(%arg16 : memref<!tpu.dma_semaphore, #tpu.memory_space<semaphore_mem>>) src(%arg13 : memref<8192xf32, #tpu.memory_space<vmem>>) dst(%dma_wait3A_402 : memref<8192xf32, #tpu.memory_space<hbm>>)
    } else {
    }
    %not3A_303 = arith.constant true
    %not3A_304 = arith.xori %lt3A_1, %not3A_303 : i1
    %convert_element_type3A_305 = arith.extui %not3A_304 : i1 to i32
    %cond3A_306 = arith.constant 0 : i32
    %cond3A_307 = arith.cmpi ne, %convert_element_type3A_305, %cond3A_306 : i32
    scf.if %cond3A_307 {
      %mul3A_308 = arith.constant 512 : i32
      %mul3A_309 = arith.muli %select_n3A, %mul3A_308 : i32
      %add3A_310 = arith.constant 0 : i32
      %add3A_311 = arith.addi %mul3A_309, %add3A_310 : i32
      %dma_wait3A = arith.constant 0 : i32
      %dma_wait3A_312 = tpu.memref_slice %arg9[%dma_wait3A] : memref<65536xf32, #tpu.memory_space<vmem>> -> memref<16384xf32, #tpu.memory_space<vmem>>
      %dma_wait3A_313 = tpu.memref_slice %arg3[%add3A_311] : memref<2095104xf32, #tpu.memory_space<hbm>> -> memref<16384xf32, #tpu.memory_space<hbm>>
      %dma_wait3A_314 = tpu.memref_slice %arg3[%add3A_311] : memref<2095104xf32, #tpu.memory_space<hbm>> -> memref<16384xf32, #tpu.memory_space<hbm>>
      %dma_wait3A_315 = arith.constant 0 : i32
      %dma_wait3A_316 = tpu.memref_slice %arg9[%dma_wait3A_315] : memref<65536xf32, #tpu.memory_space<vmem>> -> memref<16384xf32, #tpu.memory_space<vmem>>
      tpu.wait_dma2 semaphore(%arg14 : memref<!tpu.dma_semaphore, #tpu.memory_space<semaphore_mem>>) src(%dma_wait3A_316 : memref<16384xf32, #tpu.memory_space<vmem>>) dst(%dma_wait3A_314 : memref<16384xf32, #tpu.memory_space<hbm>>)
      %mul3A_317 = arith.constant 256 : i32
      %mul3A_318 = arith.muli %select_n3A, %mul3A_317 : i32
      %add3A_319 = arith.constant 0 : i32
      %add3A_320 = arith.addi %mul3A_318, %add3A_319 : i32
      %dma_wait3A_321 = arith.constant 0 : i32
      %dma_wait3A_322 = tpu.memref_slice %arg10[%dma_wait3A_321] : memref<32768xi32, #tpu.memory_space<vmem>> -> memref<8192xi32, #tpu.memory_space<vmem>>
      %dma_wait3A_323 = tpu.memref_slice %arg4[%add3A_320] : memref<1047552xi32, #tpu.memory_space<hbm>> -> memref<8192xi32, #tpu.memory_space<hbm>>
      %dma_wait3A_324 = tpu.memref_slice %arg4[%add3A_320] : memref<1047552xi32, #tpu.memory_space<hbm>> -> memref<8192xi32, #tpu.memory_space<hbm>>
      %dma_wait3A_325 = arith.constant 0 : i32
      %dma_wait3A_326 = tpu.memref_slice %arg10[%dma_wait3A_325] : memref<32768xi32, #tpu.memory_space<vmem>> -> memref<8192xi32, #tpu.memory_space<vmem>>
      tpu.wait_dma2 semaphore(%arg15 : memref<!tpu.dma_semaphore, #tpu.memory_space<semaphore_mem>>) src(%dma_wait3A_326 : memref<8192xi32, #tpu.memory_space<vmem>>) dst(%dma_wait3A_324 : memref<8192xi32, #tpu.memory_space<hbm>>)
      %mul3A_327 = arith.constant 512 : i32
      %mul3A_328 = arith.muli %select_n3A, %mul3A_327 : i32
      %add3A_329 = arith.constant 16384 : i32
      %add3A_330 = arith.addi %mul3A_328, %add3A_329 : i32
      %dma_wait3A_331 = arith.constant 16384 : i32
      %dma_wait3A_332 = tpu.memref_slice %arg9[%dma_wait3A_331] : memref<65536xf32, #tpu.memory_space<vmem>> -> memref<16384xf32, #tpu.memory_space<vmem>>
      %dma_wait3A_333 = tpu.memref_slice %arg3[%add3A_330] : memref<2095104xf32, #tpu.memory_space<hbm>> -> memref<16384xf32, #tpu.memory_space<hbm>>
      %dma_wait3A_334 = tpu.memref_slice %arg3[%add3A_330] : memref<2095104xf32, #tpu.memory_space<hbm>> -> memref<16384xf32, #tpu.memory_space<hbm>>
      %dma_wait3A_335 = arith.constant 16384 : i32
      %dma_wait3A_336 = tpu.memref_slice %arg9[%dma_wait3A_335] : memref<65536xf32, #tpu.memory_space<vmem>> -> memref<16384xf32, #tpu.memory_space<vmem>>
      tpu.wait_dma2 semaphore(%arg14 : memref<!tpu.dma_semaphore, #tpu.memory_space<semaphore_mem>>) src(%dma_wait3A_336 : memref<16384xf32, #tpu.memory_space<vmem>>) dst(%dma_wait3A_334 : memref<16384xf32, #tpu.memory_space<hbm>>)
      %mul3A_337 = arith.constant 256 : i32
      %mul3A_338 = arith.muli %select_n3A, %mul3A_337 : i32
      %add3A_339 = arith.constant 8192 : i32
      %add3A_340 = arith.addi %mul3A_338, %add3A_339 : i32
      %dma_wait3A_341 = arith.constant 8192 : i32
      %dma_wait3A_342 = tpu.memref_slice %arg10[%dma_wait3A_341] : memref<32768xi32, #tpu.memory_space<vmem>> -> memref<8192xi32, #tpu.memory_space<vmem>>
      %dma_wait3A_343 = tpu.memref_slice %arg4[%add3A_340] : memref<1047552xi32, #tpu.memory_space<hbm>> -> memref<8192xi32, #tpu.memory_space<hbm>>
      %dma_wait3A_344 = tpu.memref_slice %arg4[%add3A_340] : memref<1047552xi32, #tpu.memory_space<hbm>> -> memref<8192xi32, #tpu.memory_space<hbm>>
      %dma_wait3A_345 = arith.constant 8192 : i32
      %dma_wait3A_346 = tpu.memref_slice %arg10[%dma_wait3A_345] : memref<32768xi32, #tpu.memory_space<vmem>> -> memref<8192xi32, #tpu.memory_space<vmem>>
      tpu.wait_dma2 semaphore(%arg15 : memref<!tpu.dma_semaphore, #tpu.memory_space<semaphore_mem>>) src(%dma_wait3A_346 : memref<8192xi32, #tpu.memory_space<vmem>>) dst(%dma_wait3A_344 : memref<8192xi32, #tpu.memory_space<hbm>>)
      %mul3A_347 = arith.constant 512 : i32
      %mul3A_348 = arith.muli %select_n3A, %mul3A_347 : i32
      %add3A_349 = arith.constant 32768 : i32
      %add3A_350 = arith.addi %mul3A_348, %add3A_349 : i32
      %dma_wait3A_351 = arith.constant 32768 : i32
      %dma_wait3A_352 = tpu.memref_slice %arg9[%dma_wait3A_351] : memref<65536xf32, #tpu.memory_space<vmem>> -> memref<16384xf32, #tpu.memory_space<vmem>>
      %dma_wait3A_353 = tpu.memref_slice %arg3[%add3A_350] : memref<2095104xf32, #tpu.memory_space<hbm>> -> memref<16384xf32, #tpu.memory_space<hbm>>
      %dma_wait3A_354 = tpu.memref_slice %arg3[%add3A_350] : memref<2095104xf32, #tpu.memory_space<hbm>> -> memref<16384xf32, #tpu.memory_space<hbm>>
      %dma_wait3A_355 = arith.constant 32768 : i32
      %dma_wait3A_356 = tpu.memref_slice %arg9[%dma_wait3A_355] : memref<65536xf32, #tpu.memory_space<vmem>> -> memref<16384xf32, #tpu.memory_space<vmem>>
      tpu.wait_dma2 semaphore(%arg14 : memref<!tpu.dma_semaphore, #tpu.memory_space<semaphore_mem>>) src(%dma_wait3A_356 : memref<16384xf32, #tpu.memory_space<vmem>>) dst(%dma_wait3A_354 : memref<16384xf32, #tpu.memory_space<hbm>>)
      %mul3A_357 = arith.constant 256 : i32
      %mul3A_358 = arith.muli %select_n3A, %mul3A_357 : i32
      %add3A_359 = arith.constant 16384 : i32
      %add3A_360 = arith.addi %mul3A_358, %add3A_359 : i32
      %dma_wait3A_361 = arith.constant 16384 : i32
      %dma_wait3A_362 = tpu.memref_slice %arg10[%dma_wait3A_361] : memref<32768xi32, #tpu.memory_space<vmem>> -> memref<8192xi32, #tpu.memory_space<vmem>>
      %dma_wait3A_363 = tpu.memref_slice %arg4[%add3A_360] : memref<1047552xi32, #tpu.memory_space<hbm>> -> memref<8192xi32, #tpu.memory_space<hbm>>
      %dma_wait3A_364 = tpu.memref_slice %arg4[%add3A_360] : memref<1047552xi32, #tpu.memory_space<hbm>> -> memref<8192xi32, #tpu.memory_space<hbm>>
      %dma_wait3A_365 = arith.constant 16384 : i32
      %dma_wait3A_366 = tpu.memref_slice %arg10[%dma_wait3A_365] : memref<32768xi32, #tpu.memory_space<vmem>> -> memref<8192xi32, #tpu.memory_space<vmem>>
      tpu.wait_dma2 semaphore(%arg15 : memref<!tpu.dma_semaphore, #tpu.memory_space<semaphore_mem>>) src(%dma_wait3A_366 : memref<8192xi32, #tpu.memory_space<vmem>>) dst(%dma_wait3A_364 : memref<8192xi32, #tpu.memory_space<hbm>>)
      %mul3A_367 = arith.constant 512 : i32
      %mul3A_368 = arith.muli %select_n3A, %mul3A_367 : i32
      %add3A_369 = arith.constant 49152 : i32
      %add3A_370 = arith.addi %mul3A_368, %add3A_369 : i32
      "tpu.region"() ({
        %run_scoped3A = tpu.sem_alloc : memref<!tpu.dma_semaphore, #tpu.memory_space<semaphore_mem>>
        %dma_start3A_403 = arith.constant 49152 : i32
        %dma_start3A_404 = tpu.memref_slice %arg9[%dma_start3A_403] : memref<65536xf32, #tpu.memory_space<vmem>> -> memref<15872xf32, #tpu.memory_space<vmem>>
        %dma_start3A_405 = tpu.memref_slice %arg3[%add3A_370] : memref<2095104xf32, #tpu.memory_space<hbm>> -> memref<15872xf32, #tpu.memory_space<hbm>>
        %dma_start3A_406 = tpu.memref_slice %arg3[%add3A_370] : memref<2095104xf32, #tpu.memory_space<hbm>> -> memref<15872xf32, #tpu.memory_space<hbm>>
        %dma_start3A_407 = arith.constant 49152 : i32
        %dma_start3A_408 = tpu.memref_slice %arg9[%dma_start3A_407] : memref<65536xf32, #tpu.memory_space<vmem>> -> memref<15872xf32, #tpu.memory_space<vmem>>
        tpu.enqueue_dma source(%dma_start3A_408 : memref<15872xf32, #tpu.memory_space<vmem>>) target(%dma_start3A_406 : memref<15872xf32, #tpu.memory_space<hbm>>) target_semaphore(%run_scoped3A : memref<!tpu.dma_semaphore, #tpu.memory_space<semaphore_mem>>)
        %dma_wait3A_409 = arith.constant 49152 : i32
        %dma_wait3A_410 = tpu.memref_slice %arg9[%dma_wait3A_409] : memref<65536xf32, #tpu.memory_space<vmem>> -> memref<15872xf32, #tpu.memory_space<vmem>>
        %dma_wait3A_411 = tpu.memref_slice %arg3[%add3A_370] : memref<2095104xf32, #tpu.memory_space<hbm>> -> memref<15872xf32, #tpu.memory_space<hbm>>
        %dma_wait3A_412 = tpu.memref_slice %arg3[%add3A_370] : memref<2095104xf32, #tpu.memory_space<hbm>> -> memref<15872xf32, #tpu.memory_space<hbm>>
        %dma_wait3A_413 = arith.constant 49152 : i32
        %dma_wait3A_414 = tpu.memref_slice %arg9[%dma_wait3A_413] : memref<65536xf32, #tpu.memory_space<vmem>> -> memref<15872xf32, #tpu.memory_space<vmem>>
        tpu.wait_dma2 semaphore(%run_scoped3A : memref<!tpu.dma_semaphore, #tpu.memory_space<semaphore_mem>>) src(%dma_wait3A_414 : memref<15872xf32, #tpu.memory_space<vmem>>) dst(%dma_wait3A_412 : memref<15872xf32, #tpu.memory_space<hbm>>)
        tpu.yield
      }) : () -> ()
      %mul3A_371 = arith.constant 256 : i32
      %mul3A_372 = arith.muli %select_n3A, %mul3A_371 : i32
      %add3A_373 = arith.constant 24576 : i32
      %add3A_374 = arith.addi %mul3A_372, %add3A_373 : i32
      "tpu.region"() ({
        %run_scoped3A = tpu.sem_alloc : memref<!tpu.dma_semaphore, #tpu.memory_space<semaphore_mem>>
        %dma_start3A_403 = arith.constant 24576 : i32
        %dma_start3A_404 = tpu.memref_slice %arg10[%dma_start3A_403] : memref<32768xi32, #tpu.memory_space<vmem>> -> memref<7936xi32, #tpu.memory_space<vmem>>
        %dma_start3A_405 = tpu.memref_slice %arg4[%add3A_374] : memref<1047552xi32, #tpu.memory_space<hbm>> -> memref<7936xi32, #tpu.memory_space<hbm>>
        %dma_start3A_406 = tpu.memref_slice %arg4[%add3A_374] : memref<1047552xi32, #tpu.memory_space<hbm>> -> memref<7936xi32, #tpu.memory_space<hbm>>
        %dma_start3A_407 = arith.constant 24576 : i32
        %dma_start3A_408 = tpu.memref_slice %arg10[%dma_start3A_407] : memref<32768xi32, #tpu.memory_space<vmem>> -> memref<7936xi32, #tpu.memory_space<vmem>>
        tpu.enqueue_dma source(%dma_start3A_408 : memref<7936xi32, #tpu.memory_space<vmem>>) target(%dma_start3A_406 : memref<7936xi32, #tpu.memory_space<hbm>>) target_semaphore(%run_scoped3A : memref<!tpu.dma_semaphore, #tpu.memory_space<semaphore_mem>>)
        %dma_wait3A_409 = arith.constant 24576 : i32
        %dma_wait3A_410 = tpu.memref_slice %arg10[%dma_wait3A_409] : memref<32768xi32, #tpu.memory_space<vmem>> -> memref<7936xi32, #tpu.memory_space<vmem>>
        %dma_wait3A_411 = tpu.memref_slice %arg4[%add3A_374] : memref<1047552xi32, #tpu.memory_space<hbm>> -> memref<7936xi32, #tpu.memory_space<hbm>>
        %dma_wait3A_412 = tpu.memref_slice %arg4[%add3A_374] : memref<1047552xi32, #tpu.memory_space<hbm>> -> memref<7936xi32, #tpu.memory_space<hbm>>
        %dma_wait3A_413 = arith.constant 24576 : i32
        %dma_wait3A_414 = tpu.memref_slice %arg10[%dma_wait3A_413] : memref<32768xi32, #tpu.memory_space<vmem>> -> memref<7936xi32, #tpu.memory_space<vmem>>
        tpu.wait_dma2 semaphore(%run_scoped3A : memref<!tpu.dma_semaphore, #tpu.memory_space<semaphore_mem>>) src(%dma_wait3A_414 : memref<7936xi32, #tpu.memory_space<vmem>>) dst(%dma_wait3A_412 : memref<7936xi32, #tpu.memory_space<hbm>>)
        tpu.yield
      }) : () -> ()
      %dma_wait3A_375 = tpu.memref_slice %arg5[%mul3A_9] : memref<523776xi32, #tpu.memory_space<hbm>> -> memref<8192xi32, #tpu.memory_space<hbm>>
      %dma_wait3A_376 = tpu.memref_slice %arg5[%mul3A_9] : memref<523776xi32, #tpu.memory_space<hbm>> -> memref<8192xi32, #tpu.memory_space<hbm>>
      tpu.wait_dma2 semaphore(%arg16 : memref<!tpu.dma_semaphore, #tpu.memory_space<semaphore_mem>>) src(%arg11 : memref<8192xi32, #tpu.memory_space<vmem>>) dst(%dma_wait3A_376 : memref<8192xi32, #tpu.memory_space<hbm>>)
      %dma_wait3A_377 = arith.constant 0 : i32
      %dma_wait3A_378 = tpu.memref_slice %arg11[%dma_wait3A_377] : memref<8192xi32, #tpu.memory_space<vmem>> -> memref<8064xi32, #tpu.memory_space<vmem>>
      %dma_wait3A_379 = tpu.memref_slice %arg5[%add3A_47] : memref<523776xi32, #tpu.memory_space<hbm>> -> memref<8064xi32, #tpu.memory_space<hbm>>
      %dma_wait3A_380 = tpu.memref_slice %arg5[%add3A_47] : memref<523776xi32, #tpu.memory_space<hbm>> -> memref<8064xi32, #tpu.memory_space<hbm>>
      %dma_wait3A_381 = arith.constant 0 : i32
      %dma_wait3A_382 = tpu.memref_slice %arg11[%dma_wait3A_381] : memref<8192xi32, #tpu.memory_space<vmem>> -> memref<8064xi32, #tpu.memory_space<vmem>>
      tpu.wait_dma2 semaphore(%arg16 : memref<!tpu.dma_semaphore, #tpu.memory_space<semaphore_mem>>) src(%dma_wait3A_382 : memref<8064xi32, #tpu.memory_space<vmem>>) dst(%dma_wait3A_380 : memref<8064xi32, #tpu.memory_space<hbm>>)
      %dma_wait3A_383 = tpu.memref_slice %arg6[%mul3A_9] : memref<523776xf32, #tpu.memory_space<hbm>> -> memref<8192xf32, #tpu.memory_space<hbm>>
      %dma_wait3A_384 = tpu.memref_slice %arg6[%mul3A_9] : memref<523776xf32, #tpu.memory_space<hbm>> -> memref<8192xf32, #tpu.memory_space<hbm>>
      tpu.wait_dma2 semaphore(%arg16 : memref<!tpu.dma_semaphore, #tpu.memory_space<semaphore_mem>>) src(%arg12 : memref<8192xf32, #tpu.memory_space<vmem>>) dst(%dma_wait3A_384 : memref<8192xf32, #tpu.memory_space<hbm>>)
      %dma_wait3A_385 = arith.constant 0 : i32
      %dma_wait3A_386 = tpu.memref_slice %arg12[%dma_wait3A_385] : memref<8192xf32, #tpu.memory_space<vmem>> -> memref<8064xf32, #tpu.memory_space<vmem>>
      %dma_wait3A_387 = tpu.memref_slice %arg6[%add3A_49] : memref<523776xf32, #tpu.memory_space<hbm>> -> memref<8064xf32, #tpu.memory_space<hbm>>
      %dma_wait3A_388 = tpu.memref_slice %arg6[%add3A_49] : memref<523776xf32, #tpu.memory_space<hbm>> -> memref<8064xf32, #tpu.memory_space<hbm>>
      %dma_wait3A_389 = arith.constant 0 : i32
      %dma_wait3A_390 = tpu.memref_slice %arg12[%dma_wait3A_389] : memref<8192xf32, #tpu.memory_space<vmem>> -> memref<8064xf32, #tpu.memory_space<vmem>>
      tpu.wait_dma2 semaphore(%arg16 : memref<!tpu.dma_semaphore, #tpu.memory_space<semaphore_mem>>) src(%dma_wait3A_390 : memref<8064xf32, #tpu.memory_space<vmem>>) dst(%dma_wait3A_388 : memref<8064xf32, #tpu.memory_space<hbm>>)
      %dma_wait3A_391 = tpu.memref_slice %arg7[%add3A_53] : memref<1047552xf32, #tpu.memory_space<hbm>> -> memref<8192xf32, #tpu.memory_space<hbm>>
      %dma_wait3A_392 = tpu.memref_slice %arg7[%add3A_53] : memref<1047552xf32, #tpu.memory_space<hbm>> -> memref<8192xf32, #tpu.memory_space<hbm>>
      tpu.wait_dma2 semaphore(%arg16 : memref<!tpu.dma_semaphore, #tpu.memory_space<semaphore_mem>>) src(%arg13 : memref<8192xf32, #tpu.memory_space<vmem>>) dst(%dma_wait3A_392 : memref<8192xf32, #tpu.memory_space<hbm>>)
      %dma_wait3A_393 = tpu.memref_slice %arg7[%add3A_57] : memref<1047552xf32, #tpu.memory_space<hbm>> -> memref<8192xf32, #tpu.memory_space<hbm>>
      %dma_wait3A_394 = tpu.memref_slice %arg7[%add3A_57] : memref<1047552xf32, #tpu.memory_space<hbm>> -> memref<8192xf32, #tpu.memory_space<hbm>>
      tpu.wait_dma2 semaphore(%arg16 : memref<!tpu.dma_semaphore, #tpu.memory_space<semaphore_mem>>) src(%arg13 : memref<8192xf32, #tpu.memory_space<vmem>>) dst(%dma_wait3A_394 : memref<8192xf32, #tpu.memory_space<hbm>>)
      %dma_wait3A_395 = tpu.memref_slice %arg7[%add3A_61] : memref<1047552xf32, #tpu.memory_space<hbm>> -> memref<8192xf32, #tpu.memory_space<hbm>>
      %dma_wait3A_396 = tpu.memref_slice %arg7[%add3A_61] : memref<1047552xf32, #tpu.memory_space<hbm>> -> memref<8192xf32, #tpu.memory_space<hbm>>
      tpu.wait_dma2 semaphore(%arg16 : memref<!tpu.dma_semaphore, #tpu.memory_space<semaphore_mem>>) src(%arg13 : memref<8192xf32, #tpu.memory_space<vmem>>) dst(%dma_wait3A_396 : memref<8192xf32, #tpu.memory_space<hbm>>)
      %dma_wait3A_397 = arith.constant 0 : i32
      %dma_wait3A_398 = tpu.memref_slice %arg13[%dma_wait3A_397] : memref<8192xf32, #tpu.memory_space<vmem>> -> memref<7936xf32, #tpu.memory_space<vmem>>
      %dma_wait3A_399 = tpu.memref_slice %arg7[%add3A_65] : memref<1047552xf32, #tpu.memory_space<hbm>> -> memref<7936xf32, #tpu.memory_space<hbm>>
      %dma_wait3A_400 = tpu.memref_slice %arg7[%add3A_65] : memref<1047552xf32, #tpu.memory_space<hbm>> -> memref<7936xf32, #tpu.memory_space<hbm>>
      %dma_wait3A_401 = arith.constant 0 : i32
      %dma_wait3A_402 = tpu.memref_slice %arg13[%dma_wait3A_401] : memref<8192xf32, #tpu.memory_space<vmem>> -> memref<7936xf32, #tpu.memory_space<vmem>>
      tpu.wait_dma2 semaphore(%arg16 : memref<!tpu.dma_semaphore, #tpu.memory_space<semaphore_mem>>) src(%dma_wait3A_402 : memref<7936xf32, #tpu.memory_space<vmem>>) dst(%dma_wait3A_400 : memref<7936xf32, #tpu.memory_space<hbm>>)
    } else {
    }
    return
  }
}

</mosaic_0001>

<sc_bundles>
// kernel: _pairs.3.cloned.1.call-start
scs
__scs_entry_jumppad:
0x0: {  	(pc) =	sbr.rel $0x88, $3  }
0x1: {  	(tag) =	ssettag $0x0;
	lr =	simm.s32 $0x1  }
0x2: {  	[smem:$0x3FA0] =	sst lr;
	_ =	strace $0xD0000000  }
0x3: {  	_ = 	snop  }
0x4: {  	_ = 	snop  }
0x5: {  	_ = 	snop  }
0x6: {  	_ = 	snop  }
0x7: {  	_ = 	snop  }
__scs_overlays_trampoline_lowered:
0x8: {  	[smem:$0x3FAF] =	sst s0  }
0x9: {  	[smem:$0x3FB0] =	sst s1  }
0xa: {  	[smem:$0x3FB1] =	sst s2  }
0xb: {  	[smem:$0x3FB2] =	sst s3  }
0xc: {  	[smem:$0x3FB3] =	sst s4  }
0xd: {  	[smem:$0x3FB4] =	sst s5  }
0xe: {  	[smem:$0x3FB5] =	sst s6  }
0xf: {  	[smem:$0x3FB6] =	sst s7  }
0x10: {  	[smem:$0x3FB7] =	sst s8  }
0x11: {  	[smem:$0x3FB8] =	sst s9;
	s0 =	simm.s32 @!p0 $0x0  }
0x12: {  	s1 =	sld [smem:$0x3F9E];
	s0 =	simm.s32 @p0 $0x1  }
0x13: {  	[smem:$0x3FB9] =	sst s0;
	s0 =	simm.s32 @!p1 $0x0  }
0x14: {  	s2 =	sld [smem:$0x3F9D];
	s0 =	simm.s32 @p1 $0x1  }
0x15: {  	[smem:$0x3FBA] =	sst s0;
	s0 =	simm.s32 @!p2 $0x0  }
0x16: {  	s3 =	sld [smem:$0x3FDB];
	s0 =	simm.s32 @p2 $0x1  }
0x17: {  	s4 =	simm.s32 $0x1BF5;
	[smem:$0x3FBC] =	sst s0  }
0x18: {  	s0 =	sld [smem:$0x3F9F];
	_ =	swait.ge [sflag:s4], $0x0  }
0x19: {  	s7 =	sld [smem:$0x3FA0]  }
0x1a: {  	s8 =	sadd.s32 $0xFFFFE003, lr  }
0x1b: {  	s9 =	sadd.s32 $0xFFFFFEF7, lr;
	s5 =	simm.s32 $0xFFFFFFFF;
	p2 =	slt.u32 s8, $0xFFFFF086  }
0x1c: {  	p1 =	slt.u32 s9, $0xF7A;
	s5 =	simm.s32 @!p2 $0x0  }
0x1d: {  	s5 =	simm.s32 @p1 $0x1;
	p0 =	seq.s32 s7, s2  }
0x1e: {  	s7 =	smul.u32 @!p0 $0xF7A, s2;
	p2 =	seq.s32 @!p0 s5, $0x0  }
0x1f: {  	s9 =	smul.u32 $0xF7A, s1;
	s8 =	simm.s32 @!p0 $0x1BF5;
	p2 =	por !p2, p0  }
0x20: {  	[sflag:s8] =	ssyncset.s32 @!p0 $0xFFFFF086;
	s6 =	sadd.s32 @!p0 s3, s7;
	s7 =	simm.s32 @!p0 $0x108  }
0x21: {  	s3 =	sadd.s32 s3, s9;
	s6 =	sadd.s32 @!p0 $0x88, s6;
	s7 =	simm.s32 @p2 $0x1082  }
0x22: {  	[simem:s7], [sflag:s8] =	dma.local @!p0 [hbm:s6], $0xF7A  }
0x23: {  	s9 =	sor.u32 $0xD0000000, s2;
	s6 =	simm.s32 $0x108;
	_ =	swait.ge @!p0 [sflag:s8], $0x0  }
0x24: {  	s3 =	sadd.s32 $0x88, s3;
	s6 =	simm.s32 @!p1 $0x1082;
	[sflag:s4] =	ssyncset.s32 $0xFFFFF086  }
0x25: {  	[simem:s6], [sflag:s4] =	dma.local [hbm:s3], $0xF7A  }
0x26: {  	[smem:$0x3FA0] =	sst s1;
	(tag) =	ssettag s2;
	_ =	strace s9  }
0x27: {  	s1 =	sld [smem:$0x3FB0]  }
0x28: {  	s2 =	sld [smem:$0x3FB1]  }
0x29: {  	s4 =	sld [smem:$0x3FB3]  }
0x2a: {  	p0 =	seq.s32 s5, $0x0;
	s5 =	sld [smem:$0x3FB4]  }
0x2b: {  	s6 =	sld [smem:$0x3FB5]  }
0x2c: {  	s7 =	sld [smem:$0x3FB6]  }
0x2d: {  	s3 =	simm.s32 $0x108;
	s8 =	sld [smem:$0x3FB7]  }
0x2e: {  	s3 =	simm.s32 @!p0 $0x1082;
	s9 =	sld [smem:$0x3FB8]  }
0x2f: {  	lr =	sadd.s32 s0, s3;
	s0 =	sld [smem:$0x3FAF]  }
0x30: {  	s3 =	sld [smem:$0x3FB2]  }
0x31: {  	[smem:$0x3FBB] =	sst s10  }
0x32: {  	s10 =	sld [smem:$0x3FB9];
	_ =	sdelay $0x3  }
0x33: {  	p0 =	seq.s32 s10, $0x1;
	s10 =	sld [smem:$0x3FBB];
	_ =	sdelay $0x3  }
0x34: {  	[smem:$0x3FBB] =	sst s10  }
0x35: {  	s10 =	sld [smem:$0x3FBA];
	_ =	sdelay $0x3  }
0x36: {  	p1 =	seq.s32 s10, $0x1;
	s10 =	sld [smem:$0x3FBB];
	_ =	sdelay $0x3  }
0x37: {  	[smem:$0x3FBB] =	sst s10  }
0x38: {  	s10 =	sld [smem:$0x3FBC]  }
0x39: {  	_ = 	snop;
	(pc) =	sbr.ind lr, $3  }
0x3a: {  	_ = 	snop  }
0x3b: {  	_ = 	snop  }
0x3c: {  	p2 =	seq.s32 s10, $0x1;
	s10 =	sld [smem:$0x3FBB]  }
0x3d: {  	_ =	shalt  }
0x3e: {  	_ =	shalt  }
0x3f: {  	_ =	shalt  }
0x40: {  	_ =	shalt  }
0x41: {  	_ =	shalt  }
0x42: {  	_ =	shalt  }
0x43: {  	_ =	shalt  }
0x44: {  	_ =	shalt  }
0x45: {  	_ =	shalt  }
0x46: {  	_ =	shalt  }
0x47: {  	_ =	shalt  }
0x48: {  	_ =	shalt  }
0x49: {  	_ =	shalt  }
0x4a: {  	_ =	shalt  }
0x4b: {  	_ =	shalt  }
0x4c: {  	_ =	shalt  }
0x4d: {  	_ =	shalt  }
0x4e: {  	_ =	shalt  }
0x4f: {  	_ =	shalt  }
0x50: {  	_ =	shalt  }
0x51: {  	_ =	shalt  }
0x52: {  	_ =	shalt  }
0x53: {  	_ =	shalt  }
0x54: {  	_ =	shalt  }
0x55: {  	_ =	shalt  }
0x56: {  	_ =	shalt  }
0x57: {  	_ =	shalt  }
0x58: {  	_ =	shalt  }
0x59: {  	_ =	shalt  }
0x5a: {  	_ =	shalt  }
0x5b: {  	_ =	shalt  }
0x5c: {  	_ =	shalt  }
0x5d: {  	_ =	shalt  }
0x5e: {  	_ =	shalt  }
0x5f: {  	_ =	shalt  }
0x60: {  	_ =	shalt  }
0x61: {  	_ =	shalt  }
0x62: {  	_ =	shalt  }
0x63: {  	_ =	shalt  }
0x64: {  	_ =	shalt  }
0x65: {  	_ =	shalt  }
0x66: {  	_ =	shalt  }
0x67: {  	_ =	shalt  }
0x68: {  	_ =	shalt  }
0x69: {  	_ =	shalt  }
0x6a: {  	_ =	shalt  }
0x6b: {  	_ =	shalt  }
0x6c: {  	_ =	shalt  }
0x6d: {  	_ =	shalt  }
0x6e: {  	_ =	shalt  }
0x6f: {  	_ =	shalt  }
0x70: {  	_ =	shalt  }
0x71: {  	_ =	shalt  }
0x72: {  	_ =	shalt  }
0x73: {  	_ =	shalt  }
0x74: {  	_ =	shalt  }
0x75: {  	_ =	shalt  }
0x76: {  	_ =	shalt  }
0x77: {  	_ =	shalt  }
0x78: {  	_ =	shalt  }
0x79: {  	_ =	shalt  }
0x7a: {  	_ =	shalt  }
0x7b: {  	_ =	shalt  }
0x7c: {  	_ =	shalt  }
0x7d: {  	_ =	shalt  }
0x7e: {  	_ =	shalt  }
0x7f: {  	_ =	shalt  }
0x80: {  	_ =	shalt  }
0x81: {  	_ =	shalt  }
0x82: {  	_ =	shalt  }
0x83: {  	_ =	shalt  }
0x84: {  	_ =	shalt  }
0x85: {  	_ =	shalt  }
0x86: {  	_ =	shalt  }
0x87: {  	_ =	shalt  }
.Lfunc_end0:
.L_simem_size_0:
called_computation_lowered:
.L_overlay_start_0:
0x88: {  	s2 =	sld [smem:$0x3FD9]  }
0x89: {  	s3 =	sld [smem:$0x3FFE];
	_ =	sdelay $0x1  }
0x8a: {  	s1 =	srdreg.scid  }
0x8b: {  	s0 =	sand.u32 $0x1, s1  }
0x8c: {  	s15 =	sshll.u32 s0, $0xA;
	s2 =	sadd.s32 s3, s2  }
0x8d: {  	s2 =	sadd.s32 s2, s15  }
0x8e: {  	[smem:$0x3FC7] =	sst s2  }
0x8f: {  	_ = 	snop  }
0x90: {  	s2 =	sld [smem:$0x3FD0];
	_ =	sdelay $0x2  }
0x91: {  	s4 =	simm.s32 $0xA;
	s5 =	simm.s32 $0x10;
	s16 =	sld [smem:$0x3FC9]  }
0x92: {  	[smem:s5], [sflag:s4] =	dma.local [hbm:s2], $0x1  }
0x93: {  	_ =	swait.eq [sflag:s4], $0x1  }
0x94: {  	s17 =	sld [smem:$0x10]  }
0x95: {  	s18 =	sld [smem:$0x11]  }
0x96: {  	s6 =	sld [smem:$0x12];
	[sflag:s4] =	ssyncset.done $0x0  }
0x97: {  	s7 =	sld [smem:$0x13];
	[sflag:s4] =	ssyncadd.s32 $0xFFFFFFFF  }
0x98: {  	s19 =	sld [smem:$0x14];
	(tm) =	ssettm $0x1  }
0x99: {  	s8 =	sld [smem:$0x3FFB];
	_ =	sdelay $0x3  }
0x9a: {  	_ =	strace s8  }
0x9b: {  	s8 =	sld [smem:$0x3FFC];
	_ =	sdelay $0x3  }
0x9c: {  	_ =	strace s8  }
0x9d: {  	s8 =	sld [smem:$0x3FFD];
	_ =	sdelay $0x3  }
0x9e: {  	_ =	strace s8  }
0x9f: {  	_ =	strace $0x8FFFFFFF  }
0xa0: {  	s20 =	sld [smem:$0x3FDB];
	_ =	sdelay $0x1  }
0xa1: {  	s9 =	simm.s32 $_scs_section_size  }
0xa2: {  	s10 =	simm.s32 $_size__tile_overlayer_lowered;
	s11 =	simm.s32 $_tile_overlayer_lowered  }
0xa3: {  	s23 =	simm.s32 $0x1BFF;
	s22 =	sshll.u32 s11, $0x1;
	s8 =	sadd.s32 s9, s20  }
0xa4: {  	s12 =	simm.s32 $0x0;
	s21 =	sshll.u32 s10, $0x1;
	s10 =	sadd.s32 s22, s8  }
0xa5: {  	[timem:s12], [sflag:s23] =	dma.local [hbm:s10], s21  }
0xa6: {  	_ =	swait.ge [sflag:s23], s21  }
0xa7: {  	s9 =	ssub.s32 $0x0, s21;
	[sflag:s23] =	ssyncset.done $0x0  }
0xa8: {  	[sflag:s23] =	ssyncadd.s32 s9;
	_ =	sdelay $0x1  }
0xa9: {  	s24 =	simm.s32 $0x1B8B  }
0xaa: {  	_ =	swait.ge [sflag:s24], $0x1  }
0xab: {  	[sflag:s24] =	ssyncset.done $0x0  }
0xac: {  	s25 =	simm.s32 $0x1B8E;
	[sflag:s24] =	ssyncadd.s32 $0xFFFFFFFF  }
0xad: {  	s26 =	simm.s32 $execute0_lowered;
	[smem:$0x3FD2] =	sst s25  }
0xae: {  	s9 =	sshll.u32 s26, $0x1;
	_ =	strace $0x80000046;
	[dreg:$0x1] =	wrdreg $0xFFFFFFFF  }
0xaf: {  	s28 =	simm.s32 $_size_execute0_lowered;
	s8 =	sadd.s32 s8, s9;
	[dreg:$0x0] =	wrdreg $0x0  }
0xb0: {  	s9 =	sshll.u32 s28, $0x1;
	[dreg:$0x2] =	wrdreg s8  }
0xb1: {  	[dreg:$0x3] =	wrdreg s9  }
0xb2: {  	[dreg:$0x4] =	wrdreg $0xC0  }
0xb3: {  	_ =	task [dreg:s12], $0x5FFFF  }
0xb4: {  	[dreg:$0x1] =	wrdreg $0xFFFFFFFF  }
0xb5: {  	[dreg:$0x0] =	wrdreg $0x60  }
0xb6: {  	[dreg:$0x2] =	wrdreg s16  }
0xb7: {  	[dreg:$0x3] =	wrdreg s17  }
0xb8: {  	[dreg:$0x4] =	wrdreg s18  }
0xb9: {  	[dreg:$0x5] =	wrdreg s6  }
0xba: {  	[dreg:$0x6] =	wrdreg s7  }
0xbb: {  	[dreg:$0x7] =	wrdreg s19  }
0xbc: {  	[dreg:$0x8] =	wrdreg $0x9  }
0xbd: {  	_ =	task.clear_ibuf [dreg:s12], $0x9FFFF;
	_ =	strace $0x90000046  }
0xbe: {  	s29 =	simm.s32 $0x9;
	_ =	strace $0x80000048  }
0xbf: {  	_ =	swait.ge [sflag:s29], $0x1  }
0xc0: {  	[sflag:s29] =	ssyncadd.s32 $0xFFFFFFFF  }
0xc1: {  	_ =	strace $0x90000048  }
0xc2: {  	_ =	sfence  }
0xc3: {  	s30 =	sld [smem:$0x0];
	_ =	sdelay $0x2  }
0xc4: {  	s31 =	sshll.u32 s1, $0xD;
	s1 =	sshrl.u32 s1, $0x2  }
0xc5: {  	s3 =	sand.u32 $0x4000, s31;
	s1 =	sadd.s32 s1, s30  }
0xc6: {  	s0 =	sor.u32 s3, s0;
	s1 =	sshll.u32 s1, $0x11  }
0xc7: {  	s0 =	sor.u32 s1, s0  }
0xc8: {  	s0 =	sadd.s32 $0x8F2B, s0  }
0xc9: {  	[sflag:s0] =	ssyncadd.remote.s32 $0x1  }
0xca: {  	_ =	sfence.sel $0xFFFF  }
0xcb: {  	[dreg:$0x0] =	wrdreg $0xFFFFFFFF;
	(pc) =	sbr.abs _section_cstart, $3  }
0xcc: {  	[dreg:$0x1] =	wrdreg $0xFFFFFFFF  }
0xcd: {  	_ =	task.clear_ibuf [dreg:s12], $0x2FFFF;
	_ =	strace $0x9FFFFFFF  }
0xce: {  	(tm) =	ssettm $0x7FFFFFFF  }
0xcf: {  	_ =	shalt  }
tec
execute0_lowered:
.L_overlay_start_1:
0x0: {  	(tag) =	ssettag $0x1  }
0x1: {  	s0 =	srdreg.scid;
	s1 =	stileid.u32  }
0x2: {  	s4 =	sand.u32 $0x1, s0;
	s15 =	sshll.u32 s1, $0x1  }
0x3: {  	s2 =	sor.u32 s4, s15  }
0x4: {  	s0 =	smul.u32 $0x7F, s2;
	_ =	sdelay $0x1  }
0x5: {  	p0 =	sgt.u32 s1, $0xD;
	s1 =	sshll.u32 s2, $0x7;
	s0 =	sadd.s32 $0x1C, s0  }
0x6: {  	s1 =	smov.u32 @p0 s0  }
0x7: {  	s3 =	simm.s32 $0x0;
	s6 =	simm.s32 $0x1FF;
	p1 =	slt.u32 s1, $0xBFE  }
0x8: {  	s3 =	simm.s32 @!p1 $0x200;
	s6 =	simm.s32 @!p1 $0x3FF  }
0x9: {  	s5 =	sadd.s32 s3, s6  }
0xa: {  	s5 =	sadd.s32 $0x1, s5  }
0xb: {  	s5 =	sshrl.u32 s5, $0x1  }
0xc: {  	s7 =	sadd.s32 $0xFFFFFFFF, s5  }
0xd: {  	s8 =	smul.u32 s5, s7  }
0xe: {  	s9 =	smul.u32 $0x3FF, s5  }
0xf: {  	s8 =	sshrl.u32 s8, $0x1  }
0x10: {  	s18 =	sshll.u32 s1, $0x7;
	s8 =	ssub.s32 s9, s8  }
0x11: {  	p1 =	sgt.s32 s8, s18  }
0x12: {  	s5 =	smov.u32 @p1 s3;
	s6 =	smov.u32 @p1 s7  }
0x13: {  	s3 =	sadd.s32 s5, s6  }
0x14: {  	s3 =	sadd.s32 $0x1, s3  }
0x15: {  	s7 =	sshrl.u32 s3, $0x1  }
0x16: {  	s8 =	sadd.s32 $0xFFFFFFFF, s7  }
0x17: {  	s11 =	simm.s32 $0x0;
	s10 =	smul.u32 s7, s8  }
0x18: {  	s9 =	simm.s32 $0x1FF;
	p1 =	slt.u32 s1, $0xBDF;
	s3 =	smul.u32 $0x3FF, s7  }
0x19: {  	s11 =	simm.s32 @!p1 $0x200;
	s9 =	simm.s32 @!p1 $0x3FF;
	s10 =	sshrl.u32 s10, $0x1  }
0x1a: {  	s12 =	sadd.s32 s11, s9;
	s3 =	ssub.s32 s3, s10  }
0x1b: {  	s16 =	sadd.s32 $0x1, s12;
	p1 =	sgt.s32 s3, s18  }
0x1c: {  	s10 =	sshrl.u32 s16, $0x1;
	s7 =	smov.u32 @p1 s5;
	s6 =	smov.u32 @p1 s8  }
0x1d: {  	s5 =	sadd.s32 $0xFFFFFFFF, s10;
	s17 =	sadd.s32 s6, s7  }
0x1e: {  	s19 =	smul.u32 s10, s5;
	s20 =	sadd.s32 $0x1, s17  }
0x1f: {  	s13 =	smul.u32 $0x3FF, s10;
	s12 =	sshrl.u32 s20, $0x1  }
0x20: {  	s8 =	sshrl.u32 s19, $0x1;
	s15 =	sadd.s32 $0xFFFFFFFF, s12  }
0x21: {  	s3 =	sadd.s32 $0xFFF, s18;
	s8 =	ssub.s32 s13, s8;
	s21 =	smul.u32 s12, s15  }
0x22: {  	s14 =	smul.u32 $0x3FF, s12;
	p1 =	sgt.s32 s8, s3  }
0x23: {  	s10 =	smov.u32 @p1 s11;
	s9 =	smov.u32 @p1 s5;
	s22 =	sshrl.u32 s21, $0x1  }
0x24: {  	s23 =	sadd.s32 s10, s9;
	s5 =	ssub.s32 s14, s22  }
0x25: {  	s8 =	sadd.s32 $0x1, s23;
	p1 =	sgt.s32 s5, s18  }
0x26: {  	s5 =	sshrl.u32 s8, $0x1;
	s12 =	smov.u32 @p1 s7;
	s6 =	smov.u32 @p1 s15  }
0x27: {  	s7 =	sadd.s32 $0xFFFFFFFF, s5;
	s24 =	sadd.s32 s6, s12  }
0x28: {  	s25 =	smul.u32 s5, s7;
	s8 =	sadd.s32 $0x1, s24  }
0x29: {  	s26 =	smul.u32 $0x3FF, s5;
	s8 =	sshrl.u32 s8, $0x1  }
0x2a: {  	s11 =	sshrl.u32 s25, $0x1;
	s15 =	sadd.s32 $0xFFFFFFFF, s8  }
0x2b: {  	s11 =	ssub.s32 s26, s11;
	s29 =	smul.u32 s8, s15  }
0x2c: {  	s28 =	smul.u32 $0x3FF, s8;
	p1 =	sgt.s32 s11, s3  }
0x2d: {  	s5 =	smov.u32 @p1 s10;
	s9 =	smov.u32 @p1 s7;
	s11 =	sshrl.u32 s29, $0x1  }
0x2e: {  	s10 =	sadd.s32 s9, s5;
	s7 =	ssub.s32 s28, s11  }
0x2f: {  	s10 =	sadd.s32 $0x1, s10;
	p1 =	sgt.s32 s7, s18  }
0x30: {  	s7 =	sshrl.u32 s10, $0x1;
	s8 =	smov.u32 @p1 s12;
	s6 =	smov.u32 @p1 s15  }
0x31: {  	s10 =	sadd.s32 $0xFFFFFFFF, s7;
	s12 =	sadd.s32 s6, s8  }
0x32: {  	s13 =	smul.u32 s7, s10;
	s11 =	sadd.s32 $0x1, s12  }
0x33: {  	s14 =	smul.u32 $0x3FF, s7;
	s11 =	sshrl.u32 s11, $0x1  }
0x34: {  	s12 =	sshrl.u32 s13, $0x1;
	s15 =	sadd.s32 $0xFFFFFFFF, s11  }
0x35: {  	s12 =	ssub.s32 s14, s12;
	s17 =	smul.u32 s11, s15  }
0x36: {  	s16 =	smul.u32 $0x3FF, s11;
	p1 =	sgt.s32 s12, s3  }
0x37: {  	s7 =	smov.u32 @p1 s5;
	s9 =	smov.u32 @p1 s10;
	s19 =	sshrl.u32 s17, $0x1  }
0x38: {  	s10 =	sadd.s32 s9, s7;
	s5 =	ssub.s32 s16, s19  }
0x39: {  	s10 =	sadd.s32 $0x1, s10;
	p1 =	sgt.s32 s5, s18  }
0x3a: {  	s5 =	sshrl.u32 s10, $0x1;
	s11 =	smov.u32 @p1 s8;
	s6 =	smov.u32 @p1 s15  }
0x3b: {  	s8 =	sadd.s32 $0xFFFFFFFF, s5;
	s20 =	sadd.s32 s6, s11  }
0x3c: {  	s21 =	smul.u32 s5, s8;
	s10 =	sadd.s32 $0x1, s20  }
0x3d: {  	s22 =	smul.u32 $0x3FF, s5;
	s10 =	sshrl.u32 s10, $0x1  }
0x3e: {  	s12 =	sshrl.u32 s21, $0x1;
	s15 =	sadd.s32 $0xFFFFFFFF, s10  }
0x3f: {  	s12 =	ssub.s32 s22, s12;
	s24 =	smul.u32 s10, s15  }
0x40: {  	s23 =	smul.u32 $0x3FF, s10;
	p1 =	sgt.s32 s12, s3  }
0x41: {  	s5 =	smov.u32 @p1 s7;
	s9 =	smov.u32 @p1 s8;
	s25 =	sshrl.u32 s24, $0x1  }
0x42: {  	s8 =	sadd.s32 s9, s5;
	s7 =	ssub.s32 s23, s25  }
0x43: {  	s8 =	sadd.s32 $0x1, s8;
	p1 =	sgt.s32 s7, s18  }
0x44: {  	s7 =	sshrl.u32 s8, $0x1;
	s10 =	smov.u32 @p1 s11;
	s6 =	smov.u32 @p1 s15  }
0x45: {  	s8 =	sadd.s32 $0xFFFFFFFF, s7;
	s11 =	sadd.s32 s6, s10  }
0x46: {  	s26 =	smul.u32 s7, s8;
	s11 =	sadd.s32 $0x1, s11  }
0x47: {  	s28 =	smul.u32 $0x3FF, s7;
	s11 =	sshrl.u32 s11, $0x1  }
0x48: {  	s12 =	sshrl.u32 s26, $0x1;
	s15 =	sadd.s32 $0xFFFFFFFF, s11  }
0x49: {  	s12 =	ssub.s32 s28, s12;
	s16 =	smul.u32 s11, s15  }
0x4a: {  	s29 =	smul.u32 $0x3FF, s11;
	p1 =	sgt.s32 s12, s3  }
0x4b: {  	s7 =	smov.u32 @p1 s5;
	s9 =	smov.u32 @p1 s8;
	s17 =	sshrl.u32 s16, $0x1  }
0x4c: {  	s8 =	sadd.s32 s9, s7;
	s5 =	ssub.s32 s29, s17  }
0x4d: {  	s8 =	sadd.s32 $0x1, s8;
	p1 =	sgt.s32 s5, s18  }
0x4e: {  	s8 =	sshrl.u32 s8, $0x1;
	s11 =	smov.u32 @p1 s10;
	s6 =	smov.u32 @p1 s15  }
0x4f: {  	s5 =	sadd.s32 $0xFFFFFFFF, s8;
	s10 =	sadd.s32 s6, s11  }
0x50: {  	s19 =	smul.u32 s8, s5;
	s10 =	sadd.s32 $0x1, s10  }
0x51: {  	s20 =	smul.u32 $0x3FF, s8;
	s14 =	sshrl.u32 s10, $0x1  }
0x52: {  	s21 =	sshrl.u32 s19, $0x1;
	s15 =	sadd.s32 $0xFFFFFFFF, s14  }
0x53: {  	s10 =	ssub.s32 s20, s21;
	s23 =	smul.u32 s14, s15  }
0x54: {  	s22 =	smul.u32 $0x3FF, s14;
	p1 =	sgt.s32 s10, s3  }
0x55: {  	s8 =	smov.u32 @p1 s7;
	s9 =	smov.u32 @p1 s5;
	s24 =	sshrl.u32 s23, $0x1  }
0x56: {  	s17 =	simm.s32 $0x0;
	s25 =	sadd.s32 s9, s8;
	s7 =	ssub.s32 s22, s24  }
0x57: {  	s10 =	simm.s32 $0x3F80;
	s26 =	sadd.s32 $0x1, s25;
	p1 =	sgt.s32 s7, s18  }
0x58: {  	s10 =	simm.s32 @!p0 $0x4000;
	s13 =	sshrl.u32 s26, $0x1;
	s14 =	smov.u32 @p1 s11  }
0x59: {  	s6 =	smov.u32 @p1 s15;
	s12 =	sadd.s32 $0xFFFFFFFF, s13;
	s16 =	smul.u32 $0x3FF, s13  }
0x5a: {  	s7 =	sadd.s32 $0x1FFF, s18;
	s11 =	sadd.s32 s6, s14;
	s28 =	smul.u32 s13, s12  }
0x5b: {  	p1 =	slt.u32 s1, $0xBBF;
	s6 =	sadd.s32 $0x2FFF, s18;
	s11 =	sadd.s32 $0x1, s11  }
0x5c: {  	s24 =	sshrl.u32 s11, $0x1;
	s15 =	sshrl.u32 s28, $0x1;
	s11 =	simm.s32 $0x1FF  }
0x5d: {  	s17 =	simm.s32 @!p1 $0x200;
	s15 =	ssub.s32 s16, s15;
	s11 =	simm.s32 @!p1 $0x3FF  }
0x5e: {  	s29 =	smul.u32 $0x3FF, s24;
	s23 =	sadd.s32 $0xFFFFFFFF, s24;
	s21 =	sadd.s32 s17, s11  }
0x5f: {  	p1 =	sgt.s32 s15, s3;
	s20 =	smul.u32 s24, s23;
	s22 =	sadd.s32 $0x1, s21  }
0x60: {  	s13 =	smov.u32 @p1 s8;
	s9 =	smov.u32 @p1 s12;
	s19 =	sshrl.u32 s22, $0x1  }
0x61: {  	s8 =	simm.s32 $0x1FF;
	s25 =	sadd.s32 s9, s13;
	s15 =	sadd.s32 $0xFFFFFFFF, s19  }
0x62: {  	s20 =	sshrl.u32 s20, $0x1;
	s26 =	sadd.s32 $0x1, s25;
	s21 =	smul.u32 s19, s15  }
0x63: {  	s23 =	smul.u32 $0x3FF, s19;
	s16 =	ssub.s32 s29, s20;
	s12 =	sshrl.u32 s26, $0x1  }
0x64: {  	p1 =	sgt.s32 s16, s18;
	s22 =	sadd.s32 $0xFFFFFFFF, s12;
	s21 =	sshrl.u32 s21, $0x1  }
0x65: {  	s16 =	simm.s32 $0x0;
	s28 =	smul.u32 s12, s22;
	s21 =	ssub.s32 s23, s21  }
0x66: {  	s29 =	smul.u32 $0x3FF, s12;
	s24 =	smov.u32 @p1 s14;
	p1 =	sgt.s32 s21, s7  }
0x67: {  	s23 =	sshrl.u32 s28, $0x1;
	s19 =	smov.u32 @p1 s17;
	s11 =	smov.u32 @p1 s15  }
0x68: {  	s14 =	ssub.s32 s29, s23;
	p1 =	slt.u32 s1, $0xB9F;
	s15 =	sadd.s32 s19, s11  }
0x69: {  	s16 =	simm.s32 @!p1 $0x200;
	s8 =	simm.s32 @!p1 $0x3FF;
	s15 =	sadd.s32 $0x1, s15  }
0x6a: {  	p1 =	sgt.s32 s14, s3;
	s25 =	sadd.s32 s16, s8;
	s14 =	sshrl.u32 s15, $0x1  }
0x6b: {  	s12 =	smov.u32 @p1 s13;
	s15 =	sadd.s32 $0x1, s25;
	s13 =	sadd.s32 $0xFFFFFFFF, s14  }
0x6c: {  	s9 =	smov.u32 @p1 s22;
	s15 =	sshrl.u32 s15, $0x1;
	s26 =	smul.u32 s14, s13  }
0x6d: {  	s9 =	sadd.s32 s9, s12;
	s28 =	smul.u32 $0x3FF, s14;
	s21 =	sadd.s32 $0xFFFFFFFF, s15  }
0x6e: {  	s9 =	sadd.s32 $0x1, s9;
	s29 =	smul.u32 s15, s21;
	s17 =	sshrl.u32 s26, $0x1  }
0x6f: {  	s9 =	sshrl.u32 s9, $0x1;
	s23 =	smul.u32 $0x3FF, s15;
	s17 =	ssub.s32 s28, s17  }
0x70: {  	s25 =	sadd.s32 $0xFFFFFFFF, s9;
	s26 =	sshrl.u32 s29, $0x1;
	p1 =	sgt.s32 s17, s7  }
0x71: {  	s28 =	ssub.s32 s23, s26;
	s14 =	smov.u32 @p1 s19;
	s11 =	smov.u32 @p1 s13  }
0x72: {  	s29 =	smul.u32 s9, s25;
	p1 =	sgt.s32 s28, s6;
	s19 =	sadd.s32 s11, s14  }
0x73: {  	s15 =	smov.u32 @p1 s16;
	s8 =	smov.u32 @p1 s21;
	s21 =	smul.u32 $0x3FF, s9  }
0x74: {  	s17 =	sshrl.u32 s29, $0x1;
	s20 =	sadd.s32 $0x1, s19;
	s22 =	sadd.s32 s15, s8  }
0x75: {  	s13 =	sshrl.u32 s20, $0x1;
	s19 =	sadd.s32 $0x1, s22;
	s16 =	ssub.s32 s21, s17  }
0x76: {  	s22 =	simm.s32 $0x3FF;
	s20 =	sadd.s32 $0xFFFFFFFF, s13;
	s19 =	sshrl.u32 s19, $0x1  }
0x77: {  	p1 =	sgt.s32 s16, s3;
	s23 =	smul.u32 s13, s20;
	s21 =	sadd.s32 $0xFFFFFFFF, s19  }
0x78: {  	s3 =	sadd.s32 s10, s18;
	s10 =	simm.s32 $0x200;
	s26 =	smul.u32 s19, s21  }
0x79: {  	s25 =	smul.u32 $0x3FF, s19;
	s9 =	smov.u32 @p1 s12;
	p1 =	sgt.u32 s3, $0x5FF00  }
0x7a: {  	s10 =	simm.s32 @!p1 $0x0;
	s22 =	simm.s32 @!p1 $0x1FF;
	s12 =	sshrl.u32 s26, $0x1  }
0x7b: {  	s28 =	smul.u32 $0x3FF, s13;
	s29 =	sadd.s32 s10, s22;
	s12 =	ssub.s32 s25, s12  }
0x7c: {  	s17 =	sshrl.u32 s23, $0x1;
	s16 =	sadd.s32 $0x1, s29;
	p1 =	sgt.s32 s12, s6  }
0x7d: {  	s17 =	ssub.s32 s28, s17;
	s12 =	sshrl.u32 s16, $0x1;
	s19 =	smov.u32 @p1 s15  }
0x7e: {  	s8 =	smov.u32 @p1 s21;
	s15 =	sadd.s32 $0xFFFFFFFF, s12;
	s26 =	smul.u32 $0x3FF, s12  }
0x7f: {  	p1 =	sgt.s32 s17, s7;
	s23 =	sadd.s32 s8, s19;
	s25 =	smul.u32 s12, s15  }
0x80: {  	s13 =	smov.u32 @p1 s14;
	s11 =	smov.u32 @p1 s20;
	s14 =	sadd.s32 $0x1, s23  }
0x81: {  	s20 =	sadd.s32 s11, s13;
	s14 =	sshrl.u32 s14, $0x1;
	s16 =	sshrl.u32 s25, $0x1  }
0x82: {  	s20 =	sadd.s32 $0x1, s20;
	s21 =	sadd.s32 $0xFFFFFFFF, s14;
	s16 =	ssub.s32 s26, s16  }
0x83: {  	s17 =	sshrl.u32 s20, $0x1;
	s28 =	smul.u32 s14, s21;
	p1 =	slt.s32 s16, s3  }
0x84: {  	s29 =	smul.u32 $0x3FF, s14;
	s16 =	sadd.s32 $0xFFFFFFFF, s17;
	s10 =	smov.u32 @p1 s12  }
0x85: {  	s25 =	smul.u32 s17, s16;
	s15 =	smov.u32 @p1 s22;
	s20 =	sshrl.u32 s28, $0x1  }
0x86: {  	s26 =	smul.u32 $0x3FF, s17;
	s28 =	sadd.s32 s10, s15;
	s20 =	ssub.s32 s29, s20  }
0x87: {  	s12 =	sshrl.u32 s25, $0x1;
	s29 =	sadd.s32 $0x1, s28;
	p1 =	sgt.s32 s20, s6  }
0x88: {  	s12 =	ssub.s32 s26, s12;
	s14 =	smov.u32 @p1 s19;
	s19 =	sshrl.u32 s29, $0x1  }
0x89: {  	s8 =	smov.u32 @p1 s21;
	p1 =	sgt.s32 s12, s7;
	s12 =	sadd.s32 $0xFFFFFFFF, s19  }
0x8a: {  	s17 =	smov.u32 @p1 s13;
	s23 =	sadd.s32 s8, s14;
	s11 =	smov.u32 @p1 s16  }
0x8b: {  	s20 =	smul.u32 s19, s12;
	s13 =	sadd.s32 $0x1, s23;
	s26 =	sadd.s32 s11, s17  }
0x8c: {  	s25 =	smul.u32 $0x3FF, s19;
	s13 =	sshrl.u32 s13, $0x1;
	s21 =	sadd.s32 $0x1, s26  }
0x8d: {  	s20 =	sshrl.u32 s20, $0x1;
	s22 =	sadd.s32 $0xFFFFFFFF, s13;
	s29 =	smul.u32 $0x3FF, s13  }
0x8e: {  	s16 =	ssub.s32 s25, s20;
	s20 =	sshrl.u32 s21, $0x1;
	s28 =	smul.u32 s13, s22  }
0x8f: {  	p1 =	slt.s32 s16, s3;
	s16 =	sadd.s32 $0xFFFFFFFF, s20;
	s26 =	smul.u32 $0x3FF, s20  }
0x90: {  	s25 =	smul.u32 s20, s16  }
0x91: {  	s10 =	smov.u32 @p1 s19;
	s21 =	sshrl.u32 s28, $0x1;
	s12 =	smov.u32 @p1 s15  }
0x92: {  	s21 =	ssub.s32 s29, s21;
	s28 =	sadd.s32 s12, s10;
	s19 =	sshrl.u32 s25, $0x1  }
0x93: {  	p1 =	sgt.s32 s21, s6;
	s29 =	sadd.s32 $0x1, s28;
	s15 =	ssub.s32 s26, s19  }
0x94: {  	s13 =	smov.u32 @p1 s14;
	s14 =	sshrl.u32 s29, $0x1;
	s8 =	smov.u32 @p1 s22  }
0x95: {  	p1 =	sgt.s32 s15, s7;
	s15 =	sadd.s32 $0xFFFFFFFF, s14;
	s28 =	smul.u32 $0x3FF, s14  }
0x96: {  	s4 =	ssub.s32 $0x2, s4;
	s23 =	sadd.s32 s8, s13;
	s25 =	smul.u32 s14, s15  }
0x97: {  	s20 =	smov.u32 @p1 s17;
	s11 =	smov.u32 @p1 s16;
	s26 =	sadd.s32 $0x1, s23  }
0x98: {  	s29 =	sadd.s32 s11, s20;
	s22 =	sshrl.u32 s26, $0x1;
	s19 =	sshrl.u32 s25, $0x1  }
0x99: {  	s23 =	sadd.s32 $0x1, s29;
	s21 =	sadd.s32 $0xFFFFFFFF, s22;
	s26 =	smul.u32 $0x3FF, s22  }
0x9a: {  	s16 =	ssub.s32 s28, s19;
	s17 =	sshrl.u32 s23, $0x1;
	s25 =	smul.u32 s22, s21  }
0x9b: {  	p1 =	slt.s32 s16, s3;
	s16 =	sadd.s32 $0xFFFFFFFF, s17;
	s29 =	smul.u32 $0x3FF, s17  }
0x9c: {  	s5 =	rddreg [dreg:$0x1];
	s30 =	ssub.s32 s9, s24;
	s28 =	smul.u32 s17, s16  }
0x9d: {  	s10 =	smov.u32 @p1 s14;
	s19 =	sshrl.u32 s25, $0x1;
	s15 =	smov.u32 @p1 s12  }
0x9e: {  	s19 =	ssub.s32 s26, s19;
	s25 =	sadd.s32 s15, s10;
	s14 =	sshrl.u32 s28, $0x1  }
0x9f: {  	s23 =	sadd.s32 $0x1, s25;
	p1 =	sgt.s32 s19, s6;
	s12 =	ssub.s32 s29, s14  }
0xa0: {  	s14 =	sshrl.u32 s23, $0x1;
	s22 =	smov.u32 @p1 s13;
	s8 =	smov.u32 @p1 s21  }
0xa1: {  	s13 =	sadd.s32 $0xFFFFFFFF, s14;
	s26 =	sadd.s32 s8, s22;
	s29 =	smul.u32 $0x3FF, s14  }
0xa2: {  	p1 =	sgt.s32 s12, s7;
	s28 =	smul.u32 s14, s13;
	s12 =	sadd.s32 $0x1, s26  }
0xa3: {  	s17 =	smov.u32 @p1 s20;
	s11 =	smov.u32 @p1 s16;
	s21 =	sshrl.u32 s12, $0x1  }
0xa4: {  	s16 =	sadd.s32 s11, s17;
	s23 =	sshrl.u32 s28, $0x1;
	s19 =	sadd.s32 $0xFFFFFFFF, s21  }
0xa5: {  	s16 =	sadd.s32 $0x1, s16;
	s26 =	smul.u32 $0x3FF, s21;
	s12 =	ssub.s32 s29, s23  }
0xa6: {  	s25 =	smul.u32 s21, s19;
	s16 =	sshrl.u32 s16, $0x1;
	p1 =	slt.s32 s12, s3  }
0xa7: {  	s12 =	sadd.s32 $0xFFFFFFFF, s16;
	s10 =	smov.u32 @p1 s14;
	s13 =	smov.u32 @p1 s15  }
0xa8: {  	s9 =	simm.s32 $0x800;
	s28 =	smul.u32 s16, s12;
	s15 =	sadd.s32 s13, s10  }
0xa9: {  	s29 =	smul.u32 $0x3FF, s16;
	s20 =	sshrl.u32 s25, $0x1;
	s15 =	sadd.s32 $0x1, s15  }
0xaa: {  	s14 =	ssub.s32 s26, s20;
	s23 =	sshrl.u32 s28, $0x1;
	s15 =	sshrl.u32 s15, $0x1  }
0xab: {  	p1 =	sgt.s32 s14, s6;
	s20 =	ssub.s32 s29, s23;
	s25 =	sadd.s32 $0xFFFFFFFF, s15  }
0xac: {  	s21 =	smov.u32 @p1 s22;
	s8 =	smov.u32 @p1 s19;
	s23 =	smul.u32 s15, s25  }
0xad: {  	p1 =	sgt.s32 s20, s7;
	s26 =	smul.u32 $0x3FF, s15;
	s28 =	sadd.s32 s8, s21  }
0xae: {  	s16 =	smov.u32 @p1 s17;
	s11 =	smov.u32 @p1 s12;
	s29 =	sshrl.u32 s23, $0x1  }
0xaf: {  	s20 =	sadd.s32 $0x1, s28;
	s22 =	sadd.s32 s11, s16;
	s14 =	ssub.s32 s26, s29  }
0xb0: {  	s19 =	sshrl.u32 s20, $0x1;
	s23 =	sadd.s32 $0x1, s22;
	p1 =	slt.s32 s14, s3  }
0xb1: {  	s14 =	sadd.s32 $0xFFFFFFFF, s19;
	s10 =	smov.u32 @p1 s15;
	s25 =	smov.u32 @p1 s13  }
0xb2: {  	s26 =	smul.u32 s19, s14;
	s15 =	sshrl.u32 s23, $0x1;
	s28 =	sadd.s32 s25, s10  }
0xb3: {  	s29 =	smul.u32 $0x3FF, s19;
	s20 =	sadd.s32 $0xFFFFFFFF, s15;
	s17 =	sadd.s32 $0x1, s28  }
0xb4: {  	s13 =	sshrl.u32 s26, $0x1;
	s22 =	smul.u32 s15, s20;
	s17 =	sshrl.u32 s17, $0x1  }
0xb5: {  	s12 =	ssub.s32 s29, s13;
	s29 =	smul.u32 $0x3FF, s15;
	s23 =	sadd.s32 $0xFFFFFFFF, s17  }
0xb6: {  	s13 =	sshrl.u32 s4, $0x1;
	p1 =	sgt.s32 s12, s6;
	s26 =	smul.u32 s17, s23  }
0xb7: {  	s12 =	ssub.s32 s4, s13;
	s28 =	smul.u32 $0x3FF, s17;
	s19 =	smov.u32 @p1 s21  }
0xb8: {  	s8 =	smov.u32 @p1 s14;
	s14 =	rddreg [dreg:$0x3];
	s13 =	sshrl.u32 s26, $0x1  }
0xb9: {  	s26 =	sshrl.u32 s22, $0x1;
	s4 =	ssub.s32 s28, s13;
	s28 =	sadd.s32 s8, s19  }
0xba: {  	s13 =	ssub.s32 s29, s26;
	p1 =	slt.s32 s4, s3;
	s29 =	sadd.s32 $0x1, s28  }
0xbb: {  	s10 =	smov.u32 @p1 s17;
	s23 =	smov.u32 @p1 s25;
	p1 =	sgt.s32 s13, s7  }
0xbc: {  	s13 =	sshrl.u32 s29, $0x1;
	s21 =	sadd.s32 s23, s10;
	s15 =	smov.u32 @p1 s16  }
0xbd: {  	s16 =	sadd.s32 $0xFFFFFFFF, s13;
	s11 =	smov.u32 @p1 s20;
	s4 =	sadd.s32 $0x1, s21  }
0xbe: {  	s22 =	smul.u32 s13, s16;
	s11 =	sadd.s32 s11, s15;
	s4 =	sshrl.u32 s4, $0x1  }
0xbf: {  	s25 =	smul.u32 $0x3FF, s13;
	s11 =	sadd.s32 $0x1, s11;
	s21 =	sadd.s32 $0xFFFFFFFF, s4  }
0xc0: {  	s17 =	sshrl.u32 s22, $0x1;
	s11 =	sshrl.u32 s11, $0x1;
	s26 =	smul.u32 s4, s21  }
0xc1: {  	s28 =	smul.u32 $0x3FF, s4;
	s17 =	ssub.s32 s25, s17;
	s29 =	sadd.s32 $0xFFFFFFFF, s11  }
0xc2: {  	p1 =	sgt.s32 s17, s6;
	s17 =	smul.u32 s11, s29;
	s22 =	sshrl.u32 s26, $0x1  }
0xc3: {  	s13 =	smov.u32 @p1 s19;
	s8 =	smov.u32 @p1 s16;
	s20 =	ssub.s32 s28, s22  }
0xc4: {  	s19 =	smul.u32 $0x3FF, s11;
	s8 =	sadd.s32 s8, s13;
	p1 =	slt.s32 s20, s3  }
0xc5: {  	s22 =	rddreg [dreg:$0x4];
	s8 =	sadd.s32 $0x1, s8;
	s10 =	smov.u32 @p1 s4  }
0xc6: {  	s21 =	smov.u32 @p1 s23;
	s23 =	sshrl.u32 s17, $0x1;
	s17 =	sshrl.u32 s8, $0x1  }
0xc7: {  	s20 =	sadd.s32 s21, s10;
	s16 =	smul.u32 $0x3FF, s17;
	s26 =	sadd.s32 $0xFFFFFFFF, s17  }
0xc8: {  	s4 =	ssub.s32 s19, s23;
	s23 =	rddreg [dreg:$0x5];
	s25 =	sadd.s32 $0x1, s20  }
0xc9: {  	s28 =	smul.u32 s17, s26;
	p1 =	sgt.s32 s4, s7;
	s26 =	sshll.u32 s2, $0xB  }
0xca: {  	s4 =	sadd.s32 $0x2000, s18;
	s2 =	sshll.u32 s2, $0xC;
	s8 =	sshrl.u32 s25, $0x1  }
0xcb: {  	s11 =	smov.u32 @p1 s15;
	s2 =	sadd.s32 s23, s2;
	s20 =	sadd.s32 $0xFFFFFFFF, s8  }
0xcc: {  	s19 =	sshrl.u32 s28, $0x1;
	s25 =	smul.u32 $0x3FF, s8;
	[dreg:$0x9] =	wrdreg s2  }
0xcd: {  	s2 =	sshll.u32 s1, $0x5;
	s1 =	sshll.u32 s1, $0x6;
	s29 =	smul.u32 s8, s20  }
0xce: {  	s31 =	sadd.s32 $0x2, s11;
	s16 =	ssub.s32 s16, s19;
	s19 =	sadd.s32 s22, s26  }
0xcf: {  	s11 =	simm.s32 $0x0;
	[dreg:$0x8] =	wrdreg s19;
	s28 =	sshrl.u32 s29, $0x1  }
0xd0: {  	s29 =	sadd.s32 s14, s26;
	s26 =	sshll.u32 s0, $0x4;
	s0 =	sshll.u32 s0, $0x5  }
0xd1: {  	s7 =	ssub.s32 s25, s28;
	[dreg:$0x7] =	wrdreg s29;
	s25 =	sshrl.u32 s4, $0x3  }
0xd2: {  	s28 =	sand.u32 $0x1FFFFFE0, s2;
	s29 =	sadd.s32 s5, s1;
	s1 =	sand.u32 $0x1FFFFFC0, s1  }
0xd3: {  	s0 =	sadd.s32 s23, s0;
	p1 =	slt.s32 s7, s3;
	s7 =	sadd.s32 s14, s25  }
0xd4: {  	s14 =	sadd.s32 s14, s26;
	[dreg:$0xc] =	wrdreg s29;
	s1 =	sadd.s32 s5, s1  }
0xd5: {  	s19 =	sadd.s32 $0x800, s28;
	[dreg:$0xd] =	wrdreg s0;
	s29 =	smul.u32 $0xFFFFFC01, s24  }
0xd6: {  	s10 =	smov.u32 @p1 s8;
	s8 =	sadd.s32 s22, s25;
	s20 =	smov.u32 @p1 s21  }
0xd7: {  	p1 =	sgt.s32 s16, s6;
	[dreg:$0xa] =	wrdreg s14;
	s6 =	sadd.s32 s22, s26  }
0xd8: {  	s21 =	sadd.s32 $0xC00, s28;
	s15 =	sadd.s32 s23, s19;
	s25 =	rddreg [dreg:$0x2]  }
0xd9: {  	[dreg:$0xb] =	wrdreg s6;
	s6 =	sadd.s32 $0x400, s28;
	s22 =	sadd.s32 s20, s10  }
0xda: {  	s16 =	sadd.s32 s23, s21;
	s2 =	sadd.s32 s25, s2;
	s28 =	sadd.s32 s25, s19  }
0xdb: {  	s20 =	sadd.s32 s25, s21;
	s19 =	sadd.s32 s18, s24;
	s21 =	sadd.s32 $0xFFFFFFFF, s24  }
0xdc: {  	s17 =	smov.u32 @p1 s13;
	s14 =	sadd.s32 s23, s6;
	s0 =	sadd.s32 $0x1, s22  }
0xdd: {  	[dreg:$0xe] =	wrdreg s2;
	s26 =	sadd.s32 s25, s6;
	s0 =	sshrl.u32 s0, $0x1  }
0xde: {  	[dreg:$0x10] =	wrdreg s28;
	s2 =	sadd.s32 s29, s19;
	s6 =	sadd.s32 $0xFFFFFFFF, s0  }
0xdf: {  	s25 =	sadd.s32 $0x800, s1;
	s28 =	smax.u32 s12, $0x1;
	s5 =	smul.u32 s0, s6  }
0xe0: {  	[dreg:$0xf] =	wrdreg s26;
	s6 =	smul.u32 s24, s21;
	s21 =	simm.s32 $0x0  }
0xe1: {  	s29 =	sadd.s32 $0x102, s30;
	s26 =	sadd.s32 $0x1000, s1;
	[smem:$0x7FF] =	sst s21  }
0xe2: {  	s22 =	smul.u32 $0x3FF, s0;
	_ =	strace $0x80000047;
	[dreg:$0x11] =	wrdreg s25  }
0xe3: {  	s5 =	sshrl.u32 s5, $0x1;
	s23 =	sshrl.u32 s6, $0x1;
	[dreg:$0x12] =	wrdreg s26  }
.Ltmp0:
0xe4: {  	v0 =	vmov s24;
	s26 =	sadd.s32 $0x1800, s1;
	[dreg:$0x13] =	wrdreg s28;
	(pc) =	sbr.rel .LBB2_1-.Ltmp0, $4  }
0xe5: {  	v1 =	vshll.u32 v0, $0x1;
	[dreg:$0x14] =	wrdreg s29;
	s6 =	simm.s32 $0x4;
	s5 =	ssub.s32 s22, s5  }
0xe6: {  	v2 =	vand.u32 $0x7F, v0;
	v1 =	vand.u32 $0xFFFFFF00, v1;
	s2 =	sadd.s32 s23, s2;
	s22 =	sadd.s32 $0x2, s17;
	p1 =	slt.s32 s5, s3  }
0xe7: {  	v3 =	vimm.s32 $0x1;
	v1 =	vor.u32 v2, v1;
	s23 =	sadd.s32 $0x1000, s18;
	s13 =	sadd.s32 $0x1, s2;
	s10 =	smov.u32 @p1 s0  }
0xe8: {  	v4 =	vimm.f32 $1.000000000e+00;
	v5 =	vlaneseq.u32;
	v2 =	vor.u32 $0x80, v1;
	s5 =	sadd.s32 $0x3000, s18;
	s0 =	sadd.s32 $0x2, s10;
	s10 =	simm.s32 $0x10800  }
.LBB2_36:
0xe9: {  	v19 =	vmov v7;
	v22 =	vmov v6  }
.LBB2_43:
0xea: {  	_ =	sdelay $0x1  }
0xeb: {  	p3 =	por !p3, !p2  }
0xec: {  	v13 =	vpsel p3, v19, v25  }
0xed: {  	v15 =	vpsel p3, v22, v26;
	v13 =	vpsel p2, v13, v7  }
0xee: {  	p3 =	por @p1 p4, p4;
	v15 =	vpsel p2, v15, v6;
	[tilespmem:v16+s9+$0x0] =	vst.idx.msk @p1 vm0, v13;
	v16 =	vor.u32 @p1 $0x80, v12  }
0xef: {  	s17 =	smov.u32 @p6 s25;
	p2 =	por !p3, !p1;
	[tilespmem:v21+s9+$0x0] =	vst.idx.msk @p1 vm0, v15  }
0xf0: {  	p4 =	slt.s32 s17, $0x10;
	v19 =	vor.u32 @!p2 $0x80, v14;
	[tilespmem:v23+s9+$0x0] =	vst.idx.msk @p1 vm0, v17  }
0xf1: {  	v54 =	vadd.s32 s29, v5;
	s17 =	simm.s32 @!p4 $0x10;
	[tilespmem:v24+s9+$0x0] =	vst.idx.msk @p1 vm0, v18  }
0xf2: {  	v56 =	vshll.u32 v54, $0x1;
	v55 =	vmov s17;
	[tilespmem:v12+s10+$0x0] =	vst.idx.msk @p1 vm0, v30  }
0xf3: {  	v58 =	vand.u32 $0x7F, v54;
	v57 =	vand.u32 $0xFFFFFF00, v56;
	s1 =	simm.s32 @!p2 $0x0;
	vm1 =	vgt.s32 v55, v5;
	[tilespmem:v16+s10+$0x0] =	vst.idx.msk @p1 vm0, v20  }
0xf4: {  	v12 =	vor.u32 v58, v57;
	v14 =	vld.idx.msk @!p2 [tilespmem:v14+s1+$0x0], $0xffff  }
0xf5: {  	v59 =	vor.u32 $0x80, v12;
	v18 =	vld.idx.msk @!p2 [tilespmem:v19+s1+$0x0], $0xffff  }
0xf6: {  	v9 =	vand.u32 $0x7F, v9  }
0xf7: {  	v11 =	vor.u32 v9, v11  }
0xf8: {  	v60 =	vor.u32 $0x80, v11;
	p3 =	por @!p1 p0, p0  }
0xf9: {  	v10 =	vshll.u32 v10, $0x8;
	v61 =	vor.u32 $0x100, v11;
	p6 =	por !p3, !p1;
	v12 =	vld.idx.msk [tilespmem:v12+s21+$0x0], vm1;
	v14 =	vpsel p1, v14, v0  }
0xfa: {  	v62 =	vor.u32 $0x180, v11;
	v16 =	vld.idx.msk [tilespmem:v59+s21+$0x0], vm1;
	v18 =	vpsel p1, v18, v0;
	v13 =	vpsel p6, v13, v14  }
0xfb: {  	v9 =	vor.u32 v9, v10;
	v63 =	vpsel p6, v15, v18;
	v7 =	vpsel p1, v13, v7  }
0xfc: {  	v6 =	vpsel p1, v63, v6;
	[tilespmem:v11+s9+$0x0] =	vst.idx.msk vm1, v7;
	v7 =	vor.u32 $0x80, v9  }
0xfd: {  	[tilespmem:v60+s9+$0x0] =	vst.idx.msk vm1, v6  }
0xfe: {  	[tilespmem:v61+s9+$0x0] =	vst.idx.msk vm1, v12  }
0xff: {  	[tilespmem:v62+s9+$0x0] =	vst.idx.msk vm1, v16  }
0x100: {  	[tilespmem:v9+s10+$0x0] =	vst.idx.msk vm1, v8  }
0x101: {  	vm15 =	vmmov vm1;
	[tilespmem:v7+s10+$0x0] =	vst.idx.msk vm1, v54  }
.LBB2_44:
0x102: {  	s1 =	simm.s32 @p0 $0x1  }
0x103: {  	_ =	swait.ge @p0 [sflag:s1], $0x4000  }
0x104: {  	[sflag:s1] =	ssyncset.done @p0 $0x0  }
0x105: {  	s2 =	simm.s32 @p0 $0x2;
	[sflag:s1] =	ssyncadd.s32 @p0 $0xFFFFC000  }
0x106: {  	_ =	swait.ge @p0 [sflag:s2], $0x2000  }
0x107: {  	[sflag:s2] =	ssyncset.done @p0 $0x0  }
0x108: {  	[sflag:s2] =	ssyncadd.s32 @p0 $0xFFFFE000  }
0x109: {  	_ =	swait.ge @p0 [sflag:s1], $0x4000  }
0x10a: {  	[sflag:s1] =	ssyncset.done @p0 $0x0  }
0x10b: {  	[sflag:s1] =	ssyncadd.s32 @p0 $0xFFFFC000  }
0x10c: {  	_ =	swait.ge @p0 [sflag:s2], $0x2000  }
0x10d: {  	[sflag:s2] =	ssyncset.done @p0 $0x0  }
0x10e: {  	[sflag:s2] =	ssyncadd.s32 @p0 $0xFFFFE000  }
0x10f: {  	_ =	swait.ge @p0 [sflag:s1], $0x4000  }
0x110: {  	[sflag:s1] =	ssyncset.done @p0 $0x0  }
0x111: {  	[sflag:s1] =	ssyncadd.s32 @p0 $0xFFFFC000  }
0x112: {  	_ =	swait.ge @p0 [sflag:s2], $0x2000  }
0x113: {  	[sflag:s2] =	ssyncset.done @p0 $0x0  }
0x114: {  	s1 =	simm.s32 @p0 $0x0;
	[sflag:s2] =	ssyncadd.s32 @p0 $0xFFFFE000;
	s2 =	simm.s32 @p0 $0xC800  }
0x115: {  	[hbm4b:s26+s1] =	stream.linear.scatter @p0 [tilespmem:s2], [sflag:$0x4], $0x3E00, $0x38;
	[tilespmem:$0x1E800] =	vst v63  }
0x116: {  	s2 =	simm.s32 @p0 $0x4  }
0x117: {  	_ =	swait.ge @p0 [sflag:s2], $0x3E00  }
0x118: {  	[sflag:s2] =	ssyncset.done @p0 $0x0  }
0x119: {  	s12 =	simm.s32 @p0 $0x16800;
	[sflag:s2] =	ssyncadd.s32 @p0 $0xFFFFC200  }
0x11a: {  	[hbm4b:s20+s1] =	stream.linear.scatter @p0 [tilespmem:s12], [sflag:$0x4], $0x1F00, $0x38;
	[tilespmem:$0x1E800] =	vst v63  }
0x11b: {  	_ =	swait.ge @p0 [sflag:s2], $0x1F00  }
0x11c: {  	[sflag:s2] =	ssyncset.done @p0 $0x0  }
0x11d: {  	s1 =	simm.s32 @p0 $0x3;
	[sflag:s2] =	ssyncadd.s32 @p0 $0xFFFFE100  }
0x11e: {  	_ =	swait.ge @p0 [sflag:s1], $0x2000  }
0x11f: {  	[sflag:s1] =	ssyncset.done @p0 $0x0  }
0x120: {  	[sflag:s1] =	ssyncadd.s32 @p0 $0xFFFFE000  }
0x121: {  	_ =	swait.ge @p0 [sflag:s1], $0x1F80  }
0x122: {  	[sflag:s1] =	ssyncset.done @p0 $0x0  }
0x123: {  	[sflag:s1] =	ssyncadd.s32 @p0 $0xFFFFE080  }
0x124: {  	_ =	swait.ge @p0 [sflag:s1], $0x2000  }
0x125: {  	[sflag:s1] =	ssyncset.done @p0 $0x0  }
0x126: {  	[sflag:s1] =	ssyncadd.s32 @p0 $0xFFFFE000  }
0x127: {  	_ =	swait.ge @p0 [sflag:s1], $0x1F80  }
0x128: {  	[sflag:s1] =	ssyncset.done @p0 $0x0  }
0x129: {  	[sflag:s1] =	ssyncadd.s32 @p0 $0xFFFFE080  }
0x12a: {  	_ =	swait.ge @p0 [sflag:s1], $0x2000  }
0x12b: {  	[sflag:s1] =	ssyncset.done @p0 $0x0  }
0x12c: {  	[sflag:s1] =	ssyncadd.s32 @p0 $0xFFFFE000  }
0x12d: {  	_ =	swait.ge @p0 [sflag:s1], $0x2000  }
0x12e: {  	[sflag:s1] =	ssyncset.done @p0 $0x0  }
0x12f: {  	[sflag:s1] =	ssyncadd.s32 @p0 $0xFFFFE000  }
0x130: {  	_ =	swait.ge @p0 [sflag:s1], $0x2000  }
0x131: {  	[sflag:s1] =	ssyncset.done @p0 $0x0  }
0x132: {  	[sflag:s1] =	ssyncadd.s32 @p0 $0xFFFFE000  }
0x133: {  	_ =	swait.ge @p0 [sflag:s1], $0x1F00  }
0x134: {  	[sflag:s1] =	ssyncset.done @p0 $0x0  }
0x135: {  	s2 =	simm.s32 @!p0 $0xC800;
	[sflag:s1] =	ssyncadd.s32 @p0 $0xFFFFE100;
	s1 =	simm.s32 @!p0 $0x0  }
0x136: {  	[hbm4b:s26+s1] =	stream.linear.scatter @!p0 [tilespmem:s2], [sflag:$0x1], $0x4000, $0x38;
	[tilespmem:$0x1E800] =	vst v63  }
0x137: {  	s2 =	simm.s32 @!p0 $0x16800  }
0x138: {  	[hbm4b:s20+s1] =	stream.linear.scatter @!p0 [tilespmem:s2], [sflag:$0x2], $0x2000, $0x38;
	[tilespmem:$0x1E800] =	vst v63  }
0x139: {  	s1 =	simm.s32 @!p0 $0x1  }
0x13a: {  	_ =	swait.ge @!p0 [sflag:s1], $0x4000  }
0x13b: {  	[sflag:s1] =	ssyncset.done @!p0 $0x0  }
0x13c: {  	s2 =	simm.s32 @!p0 $0x2;
	[sflag:s1] =	ssyncadd.s32 @!p0 $0xFFFFC000  }
0x13d: {  	_ =	swait.ge @!p0 [sflag:s2], $0x2000  }
0x13e: {  	[sflag:s2] =	ssyncset.done @!p0 $0x0  }
0x13f: {  	[sflag:s2] =	ssyncadd.s32 @!p0 $0xFFFFE000  }
0x140: {  	_ =	swait.ge @!p0 [sflag:s1], $0x4000  }
0x141: {  	[sflag:s1] =	ssyncset.done @!p0 $0x0  }
0x142: {  	[sflag:s1] =	ssyncadd.s32 @!p0 $0xFFFFC000  }
0x143: {  	_ =	swait.ge @!p0 [sflag:s2], $0x2000  }
0x144: {  	[sflag:s2] =	ssyncset.done @!p0 $0x0  }
0x145: {  	[sflag:s2] =	ssyncadd.s32 @!p0 $0xFFFFE000  }
0x146: {  	_ =	swait.ge @!p0 [sflag:s1], $0x4000  }
0x147: {  	[sflag:s1] =	ssyncset.done @!p0 $0x0  }
0x148: {  	[sflag:s1] =	ssyncadd.s32 @!p0 $0xFFFFC000  }
0x149: {  	_ =	swait.ge @!p0 [sflag:s2], $0x2000  }
0x14a: {  	[sflag:s2] =	ssyncset.done @!p0 $0x0  }
0x14b: {  	[sflag:s2] =	ssyncadd.s32 @!p0 $0xFFFFE000  }
0x14c: {  	_ =	swait.ge @!p0 [sflag:s1], $0x4000  }
0x14d: {  	[sflag:s1] =	ssyncset.done @!p0 $0x0  }
0x14e: {  	[sflag:s1] =	ssyncadd.s32 @!p0 $0xFFFFC000  }
0x14f: {  	_ =	swait.ge @!p0 [sflag:s2], $0x2000  }
0x150: {  	[sflag:s2] =	ssyncset.done @!p0 $0x0  }
0x151: {  	s1 =	simm.s32 @!p0 $0x3;
	[sflag:s2] =	ssyncadd.s32 @!p0 $0xFFFFE000  }
0x152: {  	_ =	swait.ge @!p0 [sflag:s1], $0x2000  }
0x153: {  	[sflag:s1] =	ssyncset.done @!p0 $0x0  }
0x154: {  	[sflag:s1] =	ssyncadd.s32 @!p0 $0xFFFFE000  }
0x155: {  	_ =	swait.ge @!p0 [sflag:s1], $0x2000  }
0x156: {  	[sflag:s1] =	ssyncset.done @!p0 $0x0  }
0x157: {  	[sflag:s1] =	ssyncadd.s32 @!p0 $0xFFFFE000  }
0x158: {  	_ =	swait.ge @!p0 [sflag:s1], $0x2000  }
0x159: {  	[sflag:s1] =	ssyncset.done @!p0 $0x0  }
0x15a: {  	[sflag:s1] =	ssyncadd.s32 @!p0 $0xFFFFE000  }
0x15b: {  	_ =	swait.ge @!p0 [sflag:s1], $0x2000  }
0x15c: {  	[sflag:s1] =	ssyncset.done @!p0 $0x0  }
0x15d: {  	[sflag:s1] =	ssyncadd.s32 @!p0 $0xFFFFE000  }
0x15e: {  	_ =	swait.ge @!p0 [sflag:s1], $0x2000  }
0x15f: {  	[sflag:s1] =	ssyncset.done @!p0 $0x0  }
0x160: {  	[sflag:s1] =	ssyncadd.s32 @!p0 $0xFFFFE000  }
0x161: {  	_ =	swait.ge @!p0 [sflag:s1], $0x2000  }
0x162: {  	[sflag:s1] =	ssyncset.done @!p0 $0x0  }
0x163: {  	[sflag:s1] =	ssyncadd.s32 @!p0 $0xFFFFE000  }
0x164: {  	_ =	swait.ge @!p0 [sflag:s1], $0x2000  }
0x165: {  	[sflag:s1] =	ssyncset.done @!p0 $0x0  }
0x166: {  	[sflag:s1] =	ssyncadd.s32 @!p0 $0xFFFFE000  }
0x167: {  	_ =	swait.ge @!p0 [sflag:s1], $0x2000  }
0x168: {  	s11 =	sadd.s32 $0x1, s11;
	s29 =	rddreg [dreg:$0x13]  }
0x169: {  	p1 =	sne.s32 s11, s29  }
.Ltmp1:
0x16a: {  	_ = 	snop;
	(pc) =	sbr.rel @!p1 .LBB2_45-.Ltmp1, $3  }
0x16b: {  	_ =	sdelay $0x1  }
0x16c: {  	[sflag:s1] =	ssyncset.done @!p0 $0x0  }
0x16d: {  	[sflag:s1] =	ssyncadd.s32 @!p0 $0xFFFFE000  }
.LBB2_1:
0x16e: {  	s1 =	rddreg [dreg:$0x0]  }
0x16f: {  	[tilespmem:s21], [sflag:$0x4] =	stream.linear.gather [hbm4b:s1+s21], $0x800, $0x38;
	[tilespmem:$0x1E800] =	vst v63  }
0x170: {  	s29 =	simm.s32 $0x0;
	_ =	swait.ge [sflag:s6], $0x800  }
0x171: {  	s2 =	sand.u32 $0x1, s29;
	[sflag:s6] =	ssyncset.done $0x0  }
0x172: {  	s1 =	simm.s32 $0x18800;
	s17 =	scvt.s32.f32 s2;
	[sflag:s6] =	ssyncadd.s32 $0xFFFFF800  }
0x173: {  	s2 =	simm.s32 $0x1A800;
	[tilespmem:s1+$0x0] =	vst v3  }
0x174: {  	s12 =	simm.s32 $0x1C800;
	v6 =	vmov s17;
	[tilespmem:s2+$0x0] =	vst v4  }
0x175: {  	s17 =	simm.s32 $0x1;
	[tilespmem:s12+$0x0] =	vst v6  }
.LBB2_2:
0x176: {  	s19 =	sshrl.u32 s17, $0x3;
	p1 =	sne.s32 s17, $0x1FF;
	s17 =	sadd.s32 $0x1, s17  }
.Ltmp2:
0x177: {  	s19 =	sand.u32 $0x1, s19;
	(pc) =	sbr.rel @p1 .LBB2_2-.Ltmp2, $4  }
0x178: {  	s1 =	sadd.s32 $0x10, s1;
	s19 =	scvt.s32.f32 s19  }
0x179: {  	s2 =	sadd.s32 $0x10, s2;
	[tilespmem:s1+$0x0] =	vst v3  }
0x17a: {  	s12 =	sadd.s32 $0x10, s12;
	[tilespmem:s2+$0x0] =	vst v4;
	v6 =	vmov s19  }
0x17b: {  	[tilespmem:s12+$0x0] =	vst v6  }
0x17c: {  	s1 =	simm.s32 @p0 $0x0;
	s2 =	simm.s32 @p0 $0x18800;
	s12 =	rddreg [dreg:$0xa]  }
0x17d: {  	[hbm4b:s12+s1] =	stream.linear.scatter @p0 [tilespmem:s2], [sflag:$0x3], $0x2000, $0x38;
	[tilespmem:$0x1E800] =	vst v63  }
0x17e: {  	_ = 	snop  }
0x17f: {  	[hbm4b:s7+s1] =	stream.linear.scatter @p0 [tilespmem:s2], [sflag:$0x3], $0x1F80, $0x38;
	[tilespmem:$0x1E800] =	vst v63  }
0x180: {  	s12 =	rddreg [dreg:$0xb];
	s2 =	simm.s32 @p0 $0x1A800  }
0x181: {  	[hbm4b:s12+s1] =	stream.linear.scatter @p0 [tilespmem:s2], [sflag:$0x3], $0x2000, $0x38;
	[tilespmem:$0x1E800] =	vst v63  }
0x182: {  	_ = 	snop  }
0x183: {  	[hbm4b:s8+s1] =	stream.linear.scatter @p0 [tilespmem:s2], [sflag:$0x3], $0x1F80, $0x38;
	[tilespmem:$0x1E800] =	vst v63  }
0x184: {  	s12 =	rddreg [dreg:$0xd];
	s2 =	simm.s32 @p0 $0x1C800  }
0x185: {  	[hbm4b:s12+s1] =	stream.linear.scatter @p0 [tilespmem:s2], [sflag:$0x3], $0x2000, $0x38;
	[tilespmem:$0x1E800] =	vst v63  }
0x186: {  	_ = 	snop  }
0x187: {  	[hbm4b:s14+s1] =	stream.linear.scatter @p0 [tilespmem:s2], [sflag:$0x3], $0x2000, $0x38;
	[tilespmem:$0x1E800] =	vst v63  }
0x188: {  	_ = 	snop  }
0x189: {  	[hbm4b:s15+s1] =	stream.linear.scatter @p0 [tilespmem:s2], [sflag:$0x3], $0x2000, $0x38;
	[tilespmem:$0x1E800] =	vst v63  }
0x18a: {  	_ = 	snop  }
0x18b: {  	[hbm4b:s16+s1] =	stream.linear.scatter @p0 [tilespmem:s2], [sflag:$0x3], $0x1F00, $0x38;
	[tilespmem:$0x1E800] =	vst v63  }
0x18c: {  	s12 =	rddreg [dreg:$0x7];
	s1 =	simm.s32 @!p0 $0x0;
	s2 =	simm.s32 @!p0 $0x18800  }
0x18d: {  	[hbm4b:s12+s1] =	stream.linear.scatter @!p0 [tilespmem:s2], [sflag:$0x3], $0x2000, $0x38;
	[tilespmem:$0x1E800] =	vst v63  }
0x18e: {  	s17 =	rddreg [dreg:$0x8];
	s12 =	simm.s32 @!p0 $0x1A800  }
0x18f: {  	[hbm4b:s17+s1] =	stream.linear.scatter @!p0 [tilespmem:s12], [sflag:$0x3], $0x2000, $0x38;
	[tilespmem:$0x1E800] =	vst v63  }
0x190: {  	_ = 	snop  }
0x191: {  	[hbm4b:s7+s1] =	stream.linear.scatter @!p0 [tilespmem:s2], [sflag:$0x3], $0x2000, $0x38;
	[tilespmem:$0x1E800] =	vst v63  }
0x192: {  	_ = 	snop  }
0x193: {  	[hbm4b:s8+s1] =	stream.linear.scatter @!p0 [tilespmem:s12], [sflag:$0x3], $0x2000, $0x38;
	[tilespmem:$0x1E800] =	vst v63  }
0x194: {  	s2 =	simm.s32 @!p0 $0x1C800;
	s12 =	rddreg [dreg:$0x9]  }
0x195: {  	[hbm4b:s12+s1] =	stream.linear.scatter @!p0 [tilespmem:s2], [sflag:$0x3], $0x2000, $0x38;
	[tilespmem:$0x1E800] =	vst v63  }
0x196: {  	_ = 	snop  }
0x197: {  	[hbm4b:s14+s1] =	stream.linear.scatter @!p0 [tilespmem:s2], [sflag:$0x3], $0x2000, $0x38;
	[tilespmem:$0x1E800] =	vst v63  }
0x198: {  	_ = 	snop  }
0x199: {  	[hbm4b:s15+s1] =	stream.linear.scatter @!p0 [tilespmem:s2], [sflag:$0x3], $0x2000, $0x38;
	[tilespmem:$0x1E800] =	vst v63  }
0x19a: {  	s12 =	simm.s32 $0x0  }
0x19b: {  	[hbm4b:s16+s1] =	stream.linear.scatter @!p0 [tilespmem:s2], [sflag:$0x3], $0x2000, $0x38;
	[tilespmem:$0x1E800] =	vst v63  }
0x19c: {  	p1 =	slt.s32 s30, $0xFFFFFEFF;
	v7 =	vld.idx.msk [tilespmem:v1+s12+$0x0], $0xffff  }
.Ltmp3:
0x19d: {  	v6 =	vld.idx.msk [tilespmem:v2+s12+$0x0], $0xffff;
	(pc) =	sbr.rel @p1 .LBB2_4-.Ltmp3, $1  }
0x19e: {  	_ =	sdelay $0x3  }
0x19f: {  	s1 =	rddreg [dreg:$0x14]  }
0x1a0: {  	s1 =	sadd.s32 $0xFFFFFFFF, s1  }
0x1a1: {  	p3 =	sne.s32 s1, $0x0  }
.Ltmp4:
0x1a2: {  	_ = 	snop;
	(pc) =	sbr.rel @!p3 .LBB2_6-.Ltmp4, $4  }
0x1a3: {  	_ = 	snop  }
0x1a4: {  	v9 =	vadd.s32 s12, v5  }
0x1a5: {  	s25 =	ssub.s32 $0x400, s13;
	s19 =	ssub.s32 s23, s18;
	v10 =	vshrl.u32 v9, $0x7  }
0x1a6: {  	p1 =	por $0x0, $0x0;
	p2 =	por $0x0, $0x0;
	p5 =	slt.s32 s25, s19;
	v11 =	vshll.u32 v10, $0x9  }
0x1a7: {  	s19 =	smov.u32 @p5 s25  }
0x1a8: {  	p1 =	slt.s32 s19, $0x10  }
0x1a9: {  	s19 =	simm.s32 @!p1 $0x10  }
0x1aa: {  	v20 =	vadd.s32 s13, v5;
	s2 =	sadd.s32 s13, s19  }
0x1ab: {  	p3 =	slt.s32 s24, $0x3FE;
	v12 =	vshll.u32 v20, $0x1;
	v8 =	vmov s19;
	p6 =	sgt.s32 s2, $0x3FF  }
0x1ac: {  	vm1 =	vgt.s32 v8, v5;
	v8 =	vand.u32 $0xFFFFFF00, v12;
	v12 =	vand.u32 $0x7F, v20;
	p1 =	por !p3, !p6  }
0x1ad: {  	s17 =	simm.s32 $0x1;
	v9 =	vand.u32 $0x7F, v9;
	s29 =	sadd.s32 $0xFFFFFFFF, s1;
	v8 =	vor.u32 v12, v8;
	p4 =	por !p1, !p1  }
0x1ae: {  	v15 =	vor.u32 v9, v11;
	p3 =	sne.s32 s29, $0x0;
	v13 =	vor.u32 $0x80, v8;
	s17 =	simm.s32 @!p4 $0x0  }
.Ltmp5:
0x1af: {  	v10 =	vshll.u32 v10, $0x8;
	v19 =	vor.u32 $0x80, v15;
	v22 =	vor.u32 $0x100, v15;
	s12 =	sadd.s32 $0x0, s19;
	s17 =	sadd.s32 s17, s24;
	(pc) =	sbr.rel @!p3 .LBB2_8-.Ltmp5, $4  }
0x1b0: {  	v23 =	vor.u32 $0x180, v15;
	v26 =	vadd.s32 s12, v5;
	s25 =	sadd.s32 $0x1, s17;
	v11 =	vmov @p4 s17  }
0x1b1: {  	s1 =	sadd.s32 s18, s19;
	v27 =	vshrl.u32 v26, $0x7;
	v12 =	vor.u32 v9, v10;
	s2 =	smov.u32 @p4 s25;
	v9 =	vshll.u32 @p4 v11, $0x1  }
0x1b2: {  	s19 =	ssub.s32 s23, s1;
	vm0 =	vmmov vm1;
	v16 =	vld.idx.msk [tilespmem:v8+s21+$0x0], vm1;
	v10 =	vand.u32 @p4 $0x7F, v11;
	s25 =	ssub.s32 $0x400, s2;
	v9 =	vand.u32 @p4 $0xFFFFFF00, v9  }
0x1b3: {  	v28 =	vshll.u32 v27, $0x9;
	p1 =	por $0x1, $0x1;
	v8 =	vpsel p4, v11, v0;
	v18 =	vld.idx.msk [tilespmem:v13+s21+$0x0], vm1;
	p5 =	slt.s32 s25, s19;
	v13 =	vor.u32 @p4 v10, v9  }
0x1b4: {  	_ =	sdelay $0x1  }
0x1b5: {  	s19 =	smov.u32 @p5 s25  }
0x1b6: {  	p2 =	slt.s32 s19, $0x10  }
0x1b7: {  	s19 =	simm.s32 @!p2 $0x10  }
0x1b8: {  	[tilespmem:v15+s9+$0x0] =	vst.idx.msk vm0, v7;
	v11 =	vor.u32 $0x80, v12;
	v14 =	vadd.s32 s2, v5;
	s2 =	sadd.s32 s2, s19  }
0x1b9: {  	p3 =	por p4, p4;
	p6 =	slt.s32 s17, $0x3FE;
	[tilespmem:v19+s9+$0x0] =	vst.idx.msk vm0, v6;
	p5 =	sgt.s32 s2, $0x3FF  }
0x1ba: {  	v17 =	vor.u32 @p3 $0x80, v13;
	v10 =	vshll.u32 v14, $0x1;
	v9 =	vmov s19;
	[tilespmem:v22+s9+$0x0] =	vst.idx.msk vm0, v16;
	p2 =	por !p6, !p5  }
0x1bb: {  	s25 =	simm.s32 $0x1;
	v15 =	vand.u32 $0x7F, v14;
	v10 =	vand.u32 $0xFFFFFF00, v10;
	s12 =	sadd.s32 s12, s19;
	vm1 =	vgt.s32 v9, v5;
	[tilespmem:v23+s9+$0x0] =	vst.idx.msk vm0, v18;
	p4 =	por !p2, !p2  }
0x1bc: {  	s29 =	sadd.s32 $0xFFFFFFFF, s29;
	v16 =	vor.u32 v15, v10;
	v9 =	vadd.s32 s12, v5;
	[tilespmem:v12+s10+$0x0] =	vst.idx.msk vm0, v0;
	s25 =	simm.s32 @!p4 $0x0  }
0x1bd: {  	s28 =	simm.s32 @p3 $0x0;
	v18 =	vor.u32 $0x80, v16;
	v10 =	vshrl.u32 v9, $0x7;
	p6 =	sne.s32 s29, $0x0;
	[tilespmem:v11+s10+$0x0] =	vst.idx.msk vm0, v20;
	s17 =	sadd.s32 s25, s17  }
.Ltmp6:
0x1be: {  	v12 =	vand.u32 $0x7F, v26;
	vm0 =	vmmov vm1;
	v24 =	vld.idx.msk @p3 [tilespmem:v13+s28+$0x0], $0xffff;
	v20 =	vmov @p4 s17;
	(pc) =	sbr.rel @!p6 .LBB2_10-.Ltmp6, $4  }
0x1bf: {  	v15 =	vor.u32 v12, v28;
	v13 =	vshll.u32 v27, $0x8;
	v25 =	vld.idx.msk @p3 [tilespmem:v17+s28+$0x0], $0xffff;
	s25 =	sadd.s32 $0x1, s17;
	v17 =	vand.u32 @p4 $0x7F, v20  }
0x1c0: {  	s1 =	sadd.s32 s1, s19;
	v19 =	vor.u32 $0x80, v15;
	v12 =	vor.u32 v12, v13;
	s2 =	smov.u32 @p4 s25;
	v13 =	vshll.u32 @p4 v20, $0x1  }
0x1c1: {  	v21 =	vmovc v6;
	s19 =	ssub.s32 s23, s1;
	v11 =	vshll.u32 v10, $0x9;
	v22 =	vor.u32 $0x100, v15;
	v16 =	vld.idx.msk [tilespmem:v16+s21+$0x0], vm1;
	s25 =	ssub.s32 $0x400, s2;
	v13 =	vand.u32 @p4 $0xFFFFFF00, v13  }
0x1c2: {  	p2 =	por $0x1, $0x1;
	v23 =	vor.u32 $0x180, v15;
	v18 =	vld.idx.msk [tilespmem:v18+s21+$0x0], vm1;
	v20 =	vpsel p4, v20, v8;
	p5 =	slt.s32 s25, s19;
	v13 =	vor.u32 @p4 v17, v13;
	v17 =	vmovc v7  }
.LBB2_11:
0x1c3: {  	s29 =	sadd.s32 $0xFFFFFFFF, s29;
	s19 =	smov.u32 @p5 s25;
	v17 =	vpsel p3, v24, v17  }
0x1c4: {  	v21 =	vpsel p3, v25, v21;
	p3 =	por p4, p4;
	p6 =	sne.s32 s29, $0x0;
	p5 =	slt.s32 s19, $0x10;
	[tilespmem:v15+s9+$0x0] =	vst.idx.msk vm0, v17;
	v15 =	vor.u32 $0x80, v12  }
0x1c5: {  	v24 =	vadd.s32 s2, v5;
	s19 =	simm.s32 @!p5 $0x10;
	[tilespmem:v19+s9+$0x0] =	vst.idx.msk vm0, v21;
	v19 =	vor.u32 @p3 $0x80, v13  }
0x1c6: {  	v26 =	vshll.u32 v24, $0x1;
	v25 =	vmov s19;
	s1 =	sadd.s32 s1, s19;
	s12 =	sadd.s32 s12, s19;
	s2 =	sadd.s32 s2, s19;
	[tilespmem:v22+s9+$0x0] =	vst.idx.msk vm0, v16  }
0x1c7: {  	p5 =	slt.s32 s17, $0x3FE;
	v16 =	vand.u32 $0xFFFFFF00, v26;
	v22 =	vand.u32 $0x7F, v24;
	vm1 =	vgt.s32 v25, v5;
	p4 =	sgt.s32 s2, $0x3FF;
	[tilespmem:v23+s9+$0x0] =	vst.idx.msk vm0, v18  }
0x1c8: {  	v18 =	vadd.s32 s12, v5;
	v16 =	vor.u32 v22, v16;
	p4 =	por !p5, !p4;
	[tilespmem:v12+s10+$0x0] =	vst.idx.msk vm0, v8;
	v8 =	vmov v20  }
0x1c9: {  	s25 =	simm.s32 $0x1;
	s19 =	simm.s32 @p3 $0x0;
	v12 =	vshrl.u32 v18, $0x7;
	v22 =	vor.u32 $0x80, v16;
	p4 =	por !p4, !p4;
	[tilespmem:v15+s10+$0x0] =	vst.idx.msk vm0, v14;
	v14 =	vmovc v24;
	vm0 =	vmmov vm1  }
0x1ca: {  	v23 =	vshll.u32 v12, $0x9;
	s25 =	simm.s32 @!p4 $0x0;
	v24 =	vld.idx.msk @p3 [tilespmem:v13+s19+$0x0], $0xffff  }
.Ltmp7:
0x1cb: {  	v26 =	vshll.u32 v10, $0x8;
	v10 =	vmovc v12;
	v13 =	vand.u32 $0x7F, v9;
	v9 =	vmov v18;
	s17 =	sadd.s32 s25, s17;
	v25 =	vld.idx.msk @p3 [tilespmem:v19+s19+$0x0], $0xffff;
	(pc) =	sbr.rel @p6 .LBB2_11-.Ltmp7, $4  }
0x1cc: {  	v15 =	vor.u32 v13, v11;
	v12 =	vor.u32 v13, v26;
	v11 =	vmovc v23;
	s19 =	sadd.s32 $0x1, s17;
	v13 =	vmov @p4 s17  }
0x1cd: {  	v19 =	vor.u32 $0x80, v15;
	v16 =	vld.idx.msk [tilespmem:v16+s21+$0x0], vm1;
	s2 =	smov.u32 @p4 s19;
	v23 =	vshll.u32 @p4 v13, $0x1;
	v26 =	vand.u32 @p4 $0x7F, v13  }
0x1ce: {  	s19 =	ssub.s32 s23, s1;
	v20 =	vpsel p4, v13, v20;
	s25 =	ssub.s32 $0x400, s2;
	v18 =	vld.idx.msk [tilespmem:v22+s21+$0x0], vm1;
	v22 =	vor.u32 $0x100, v15;
	v27 =	vand.u32 @p4 $0xFFFFFF00, v23  }
0x1cf: {  	v23 =	vor.u32 $0x180, v15;
	p5 =	slt.s32 s25, s19;
	v13 =	vor.u32 @p4 v26, v27  }
0x1d0: {  	v29 =	vmov v8;
	v8 =	vmov v20;
	v20 =	vmov v14  }
.LBB2_13:
0x1d1: {  	_ =	sdelay $0x1  }
0x1d2: {  	p3 =	por !p3, !p2  }
0x1d3: {  	v14 =	vpsel p3, v17, v24  }
0x1d4: {  	v53 =	vpsel p3, v21, v25;
	v14 =	vpsel p2, v14, v7  }
0x1d5: {  	p3 =	por @p1 p4, p4;
	v17 =	vpsel p2, v53, v6;
	[tilespmem:v15+s9+$0x0] =	vst.idx.msk @p1 vm0, v14;
	v15 =	vor.u32 @p1 $0x80, v12  }
0x1d6: {  	s19 =	smov.u32 @p5 s25;
	p4 =	por !p3, !p1;
	[tilespmem:v19+s9+$0x0] =	vst.idx.msk @p1 vm0, v17  }
0x1d7: {  	p2 =	slt.s32 s19, $0x10;
	v19 =	vor.u32 @!p4 $0x80, v13;
	[tilespmem:v22+s9+$0x0] =	vst.idx.msk @p1 vm0, v16  }
0x1d8: {  	v54 =	vadd.s32 s2, v5;
	s19 =	simm.s32 @!p2 $0x10;
	[tilespmem:v23+s9+$0x0] =	vst.idx.msk @p1 vm0, v18  }
0x1d9: {  	v56 =	vshll.u32 v54, $0x1;
	v55 =	vmov s19;
	[tilespmem:v12+s10+$0x0] =	vst.idx.msk @p1 vm0, v29  }
0x1da: {  	v58 =	vand.u32 $0x7F, v54;
	v57 =	vand.u32 $0xFFFFFF00, v56;
	s29 =	sadd.s32 s2, s19;
	s2 =	simm.s32 @!p4 $0x0;
	vm1 =	vgt.s32 v55, v5;
	[tilespmem:v15+s10+$0x0] =	vst.idx.msk @p1 vm0, v20  }
0x1db: {  	p6 =	slt.s32 s17, $0x3FE;
	p5 =	sgt.s32 s29, $0x3FF;
	v12 =	vor.u32 v58, v57;
	v13 =	vld.idx.msk @!p4 [tilespmem:v13+s2+$0x0], $0xffff  }
0x1dc: {  	p2 =	por !p6, !p5;
	v59 =	vor.u32 $0x80, v12;
	v18 =	vld.idx.msk @!p4 [tilespmem:v19+s2+$0x0], $0xffff  }
0x1dd: {  	v9 =	vand.u32 $0x7F, v9;
	p2 =	por !p2, !p2;
	s2 =	simm.s32 $0x1  }
0x1de: {  	v10 =	vshll.u32 v10, $0x8;
	v11 =	vor.u32 v9, v11;
	s2 =	simm.s32 @!p2 $0x0  }
0x1df: {  	v9 =	vor.u32 v9, v10;
	v60 =	vor.u32 $0x80, v11;
	p3 =	por @!p1 p0, p0;
	v61 =	vor.u32 $0x100, v11;
	s2 =	sadd.s32 s2, s17  }
0x1e0: {  	v62 =	vor.u32 $0x180, v11;
	p3 =	por !p3, !p1;
	v10 =	vmov @p2 s2;
	v12 =	vld.idx.msk [tilespmem:v12+s21+$0x0], vm1;
	v13 =	vpsel p1, v13, v0  }
0x1e1: {  	v20 =	vshll.u32 @p2 v10, $0x1;
	v15 =	vld.idx.msk [tilespmem:v59+s21+$0x0], vm1;
	v18 =	vpsel p1, v18, v0;
	v13 =	vpsel p3, v14, v13  }
0x1e2: {  	v14 =	vand.u32 @p2 $0x7F, v10;
	v63 =	vpsel p3, v17, v18;
	v7 =	vpsel p1, v13, v7  }
0x1e3: {  	v17 =	vand.u32 @p2 $0xFFFFFF00, v20;
	v6 =	vpsel p1, v63, v6;
	[tilespmem:v11+s9+$0x0] =	vst.idx.msk vm1, v7;
	v11 =	vor.u32 $0x80, v9  }
0x1e4: {  	v13 =	vor.u32 @p2 v14, v17;
	p1 =	por p2, p2;
	[tilespmem:v60+s9+$0x0] =	vst.idx.msk vm1, v6  }
0x1e5: {  	v14 =	vor.u32 @p1 $0x80, v13;
	[tilespmem:v61+s9+$0x0] =	vst.idx.msk vm1, v12  }
0x1e6: {  	[tilespmem:v62+s9+$0x0] =	vst.idx.msk vm1, v15  }
0x1e7: {  	[tilespmem:v9+s10+$0x0] =	vst.idx.msk vm1, v8  }
0x1e8: {  	s17 =	simm.s32 @p1 $0x0;
	[tilespmem:v11+s10+$0x0] =	vst.idx.msk vm1, v54  }
0x1e9: {  	v9 =	vld.idx.msk @p1 [tilespmem:v13+s17+$0x0], $0xffff  }
0x1ea: {  	v11 =	vld.idx.msk @p1 [tilespmem:v14+s17+$0x0], $0xffff  }
.Ltmp8:
0x1eb: {  	_ = 	snop;
	(pc) =	sbr.rel .LBB2_14-.Ltmp8, $3  }
0x1ec: {  	_ =	sdelay $0x1  }
0x1ed: {  	vm15 =	vmmov vm1;
	s17 =	sadd.s32 $0x1, s2  }
0x1ee: {  	s1 =	sadd.s32 s1, s19;
	s12 =	sadd.s32 s12, s19;
	v8 =	vpsel p2, v10, v8;
	s29 =	smov.u32 @p2 s17;
	v7 =	vpsel p1, v9, v7;
	v6 =	vpsel p1, v11, v6  }
.LBB2_4:
0x1ef: {  	s1 =	smov.u32 s18;
	s2 =	smov.u32 s24;
	s29 =	smov.u32 s13;
	v8 =	vmov v0  }
.LBB2_14:
0x1f0: {  	s17 =	rddreg [dreg:$0xc];
	s19 =	ssub.s32 s4, s1  }
0x1f1: {  	[hbm4b:s17+s21] =	stream.linear.scatter [tilespmem:s9], [sflag:$0x1], $0x4000, $0x38;
	[tilespmem:$0x1E800] =	vst v63  }
0x1f2: {  	s28 =	sshrl.u32 s19, $0x4  }
0x1f3: {  	s17 =	ssub.s32 s28, s2  }
0x1f4: {  	s17 =	sadd.s32 s31, s17  }
0x1f5: {  	p1 =	slt.s32 s17, $0x1  }
.Ltmp9:
0x1f6: {  	_ = 	snop;
	(pc) =	sbr.rel @p1 .LBB2_24-.Ltmp9, $3  }
0x1f7: {  	_ =	sdelay $0x1  }
0x1f8: {  	s25 =	rddreg [dreg:$0xe]  }
0x1f9: {  	[hbm4b:s25+s21] =	stream.linear.scatter [tilespmem:s10], [sflag:$0x2], $0x2000, $0x38;
	[tilespmem:$0x1E800] =	vst v63  }
0x1fa: {  	s17 =	sadd.s32 $0xFFFFFFFF, s17  }
0x1fb: {  	p3 =	sne.s32 s17, $0x0  }
.Ltmp10:
0x1fc: {  	_ = 	snop;
	(pc) =	sbr.rel @!p3 .LBB2_16-.Ltmp10, $4  }
0x1fd: {  	_ = 	snop  }
0x1fe: {  	v9 =	vadd.s32 s12, v5  }
0x1ff: {  	s25 =	ssub.s32 $0x400, s29;
	v10 =	vshrl.u32 v9, $0x7  }
0x200: {  	p1 =	por $0x0, $0x0;
	p2 =	por $0x0, $0x0;
	p6 =	slt.s32 s25, s19;
	v11 =	vshll.u32 v10, $0x9  }
0x201: {  	s19 =	smov.u32 @p6 s25  }
0x202: {  	p1 =	slt.s32 s19, $0x10  }
0x203: {  	s19 =	simm.s32 @!p1 $0x10  }
0x204: {  	v18 =	vadd.s32 s29, v5;
	s29 =	sadd.s32 s29, s19  }
0x205: {  	p3 =	slt.s32 s2, $0x3FE;
	v13 =	vshll.u32 v18, $0x1;
	v12 =	vmov s19;
	p6 =	sgt.s32 s29, $0x3FF  }
0x206: {  	vm1 =	vgt.s32 v12, v5;
	v12 =	vand.u32 $0xFFFFFF00, v13;
	v13 =	vand.u32 $0x7F, v18;
	p1 =	por !p3, !p6  }
0x207: {  	s25 =	simm.s32 $0x1;
	v9 =	vand.u32 $0x7F, v9;
	s17 =	sadd.s32 $0xFFFFFFFF, s17;
	v13 =	vor.u32 v13, v12;
	p4 =	por !p1, !p1  }
0x208: {  	v16 =	vor.u32 v9, v11;
	p3 =	sne.s32 s17, $0x0;
	v14 =	vor.u32 $0x80, v13;
	s25 =	simm.s32 @!p4 $0x0  }
.Ltmp11:
0x209: {  	v10 =	vshll.u32 v10, $0x8;
	v21 =	vor.u32 $0x80, v16;
	v23 =	vor.u32 $0x100, v16;
	s12 =	sadd.s32 s12, s19;
	s2 =	sadd.s32 s25, s2;
	(pc) =	sbr.rel @!p3 .LBB2_18-.Ltmp11, $4  }
0x20a: {  	v24 =	vor.u32 $0x180, v16;
	v27 =	vadd.s32 s12, v5;
	s25 =	sadd.s32 $0x1, s2;
	v11 =	vmov @p4 s2  }
0x20b: {  	s1 =	sadd.s32 s1, s19;
	v28 =	vshrl.u32 v27, $0x7;
	v12 =	vor.u32 v9, v10;
	s29 =	smov.u32 @p4 s25;
	v9 =	vshll.u32 @p4 v11, $0x1  }
0x20c: {  	s19 =	ssub.s32 s4, s1;
	vm0 =	vmmov vm1;
	v17 =	vld.idx.msk [tilespmem:v13+s21+$0x0], vm1;
	v10 =	vand.u32 @p4 $0x7F, v11;
	s25 =	ssub.s32 $0x400, s29;
	v9 =	vand.u32 @p4 $0xFFFFFF00, v9  }
0x20d: {  	v29 =	vshll.u32 v28, $0x9;
	p1 =	por $0x1, $0x1;
	v13 =	vpsel p4, v11, v8;
	v19 =	vld.idx.msk [tilespmem:v14+s21+$0x0], vm1;
	p6 =	slt.s32 s25, s19;
	v14 =	vor.u32 @p4 v10, v9  }
0x20e: {  	_ =	sdelay $0x1  }
0x20f: {  	s19 =	smov.u32 @p6 s25  }
0x210: {  	p2 =	slt.s32 s19, $0x10  }
0x211: {  	s19 =	simm.s32 @!p2 $0x10  }
0x212: {  	[tilespmem:v16+s9+$0x0] =	vst.idx.msk vm0, v7;
	v11 =	vor.u32 $0x80, v12;
	v15 =	vadd.s32 s29, v5;
	s29 =	sadd.s32 s29, s19  }
0x213: {  	p3 =	por p4, p4;
	p6 =	slt.s32 s2, $0x3FE;
	[tilespmem:v21+s9+$0x0] =	vst.idx.msk vm0, v6;
	p5 =	sgt.s32 s29, $0x3FF  }
0x214: {  	v20 =	vor.u32 @p3 $0x80, v14;
	v10 =	vshll.u32 v15, $0x1;
	v9 =	vmov s19;
	[tilespmem:v23+s9+$0x0] =	vst.idx.msk vm0, v17;
	p2 =	por !p6, !p5  }
0x215: {  	s25 =	simm.s32 $0x1;
	v16 =	vand.u32 $0x7F, v15;
	v10 =	vand.u32 $0xFFFFFF00, v10;
	s12 =	sadd.s32 s12, s19;
	vm1 =	vgt.s32 v9, v5;
	[tilespmem:v24+s9+$0x0] =	vst.idx.msk vm0, v19;
	p4 =	por !p2, !p2  }
0x216: {  	s17 =	sadd.s32 $0xFFFFFFFF, s17;
	v17 =	vor.u32 v16, v10;
	v9 =	vadd.s32 s12, v5;
	[tilespmem:v12+s10+$0x0] =	vst.idx.msk vm0, v8;
	s25 =	simm.s32 @!p4 $0x0  }
0x217: {  	s28 =	simm.s32 @p3 $0x0;
	v10 =	vshrl.u32 v9, $0x7;
	v8 =	vor.u32 $0x80, v17;
	p5 =	sne.s32 s17, $0x0;
	[tilespmem:v11+s10+$0x0] =	vst.idx.msk vm0, v18;
	s2 =	sadd.s32 s25, s2  }
.Ltmp12:
0x218: {  	v12 =	vand.u32 $0x7F, v27;
	vm0 =	vmmov vm1;
	v25 =	vld.idx.msk @p3 [tilespmem:v14+s28+$0x0], $0xffff;
	v18 =	vmov @p4 s2;
	(pc) =	sbr.rel @!p5 .LBB2_20-.Ltmp12, $4  }
0x219: {  	v16 =	vor.u32 v12, v29;
	v14 =	vshll.u32 v28, $0x8;
	v26 =	vld.idx.msk @p3 [tilespmem:v20+s28+$0x0], $0xffff;
	s25 =	sadd.s32 $0x1, s2;
	v20 =	vand.u32 @p4 $0x7F, v18  }
0x21a: {  	s1 =	sadd.s32 s1, s19;
	v21 =	vor.u32 $0x80, v16;
	v12 =	vor.u32 v12, v14;
	s29 =	smov.u32 @p4 s25;
	v14 =	vshll.u32 @p4 v18, $0x1  }
0x21b: {  	v22 =	vmovc v6;
	s19 =	ssub.s32 s4, s1;
	v11 =	vshll.u32 v10, $0x9;
	v23 =	vor.u32 $0x100, v16;
	v17 =	vld.idx.msk [tilespmem:v17+s21+$0x0], vm1;
	s25 =	ssub.s32 $0x400, s29;
	v14 =	vand.u32 @p4 $0xFFFFFF00, v14  }
0x21c: {  	p2 =	por $0x1, $0x1;
	v24 =	vor.u32 $0x180, v16;
	v19 =	vld.idx.msk [tilespmem:v8+s21+$0x0], vm1;
	v8 =	vpsel p4, v18, v13;
	p6 =	slt.s32 s25, s19;
	v14 =	vor.u32 @p4 v20, v14;
	v20 =	vmovc v7  }
.LBB2_21:
0x21d: {  	s17 =	sadd.s32 $0xFFFFFFFF, s17;
	s19 =	smov.u32 @p6 s25;
	v20 =	vpsel p3, v25, v20  }
0x21e: {  	v22 =	vpsel p3, v26, v22;
	p3 =	por p4, p4;
	p5 =	sne.s32 s17, $0x0;
	p6 =	slt.s32 s19, $0x10;
	[tilespmem:v16+s9+$0x0] =	vst.idx.msk vm0, v20;
	v16 =	vor.u32 $0x80, v12  }
0x21f: {  	v18 =	vadd.s32 s29, v5;
	s19 =	simm.s32 @!p6 $0x10;
	[tilespmem:v21+s9+$0x0] =	vst.idx.msk vm0, v22;
	v21 =	vor.u32 @p3 $0x80, v14  }
0x220: {  	v26 =	vshll.u32 v18, $0x1;
	v25 =	vmov s19;
	s1 =	sadd.s32 s1, s19;
	s12 =	sadd.s32 s12, s19;
	s29 =	sadd.s32 s29, s19;
	[tilespmem:v23+s9+$0x0] =	vst.idx.msk vm0, v17  }
0x221: {  	p6 =	slt.s32 s2, $0x3FE;
	v17 =	vand.u32 $0xFFFFFF00, v26;
	v23 =	vand.u32 $0x7F, v18;
	vm1 =	vgt.s32 v25, v5;
	p4 =	sgt.s32 s29, $0x3FF;
	[tilespmem:v24+s9+$0x0] =	vst.idx.msk vm0, v19  }
0x222: {  	v19 =	vadd.s32 s12, v5;
	v17 =	vor.u32 v23, v17;
	p4 =	por !p6, !p4;
	[tilespmem:v12+s10+$0x0] =	vst.idx.msk vm0, v13;
	v13 =	vmov v8  }
0x223: {  	s25 =	simm.s32 $0x1;
	s19 =	simm.s32 @p3 $0x0;
	v12 =	vshrl.u32 v19, $0x7;
	v23 =	vor.u32 $0x80, v17;
	p4 =	por !p4, !p4;
	[tilespmem:v16+s10+$0x0] =	vst.idx.msk vm0, v15;
	v15 =	vmovc v18;
	vm0 =	vmmov vm1  }
0x224: {  	v18 =	vshll.u32 v12, $0x9;
	s25 =	simm.s32 @!p4 $0x0;
	v25 =	vld.idx.msk @p3 [tilespmem:v14+s19+$0x0], $0xffff  }
.Ltmp13:
0x225: {  	v24 =	vshll.u32 v10, $0x8;
	v10 =	vmovc v12;
	v14 =	vand.u32 $0x7F, v9;
	v9 =	vmov v19;
	s2 =	sadd.s32 s25, s2;
	v26 =	vld.idx.msk @p3 [tilespmem:v21+s19+$0x0], $0xffff;
	(pc) =	sbr.rel @p5 .LBB2_21-.Ltmp13, $4  }
0x226: {  	v16 =	vor.u32 v14, v11;
	v12 =	vor.u32 v14, v24;
	v11 =	vmovc v18;
	s19 =	sadd.s32 $0x1, s2;
	v14 =	vmov @p4 s2  }
0x227: {  	v21 =	vor.u32 $0x80, v16;
	v17 =	vld.idx.msk [tilespmem:v17+s21+$0x0], vm1;
	s29 =	smov.u32 @p4 s19;
	v18 =	vshll.u32 @p4 v14, $0x1;
	v27 =	vand.u32 @p4 $0x7F, v14  }
0x228: {  	s19 =	ssub.s32 s4, s1;
	v8 =	vpsel p4, v14, v8;
	s25 =	ssub.s32 $0x400, s29;
	v19 =	vld.idx.msk [tilespmem:v23+s21+$0x0], vm1;
	v23 =	vor.u32 $0x100, v16;
	v18 =	vand.u32 @p4 $0xFFFFFF00, v18  }
0x229: {  	v24 =	vor.u32 $0x180, v16;
	p6 =	slt.s32 s25, s19;
	v14 =	vor.u32 @p4 v27, v18  }
0x22a: {  	v30 =	vmov v13;
	v18 =	vmov v15  }
.LBB2_23:
0x22b: {  	_ =	sdelay $0x1  }
0x22c: {  	p3 =	por !p3, !p2  }
0x22d: {  	v13 =	vpsel p3, v20, v25  }
0x22e: {  	v15 =	vpsel p3, v22, v26;
	v13 =	vpsel p2, v13, v7  }
0x22f: {  	p3 =	por @p1 p4, p4;
	v15 =	vpsel p2, v15, v6;
	[tilespmem:v16+s9+$0x0] =	vst.idx.msk @p1 vm0, v13;
	v16 =	vor.u32 @p1 $0x80, v12  }
0x230: {  	s19 =	smov.u32 @p6 s25;
	p4 =	por !p3, !p1;
	[tilespmem:v21+s9+$0x0] =	vst.idx.msk @p1 vm0, v15  }
0x231: {  	p2 =	slt.s32 s19, $0x10;
	v20 =	vor.u32 @!p4 $0x80, v14;
	[tilespmem:v23+s9+$0x0] =	vst.idx.msk @p1 vm0, v17  }
0x232: {  	v54 =	vadd.s32 s29, v5;
	s19 =	simm.s32 @!p2 $0x10;
	[tilespmem:v24+s9+$0x0] =	vst.idx.msk @p1 vm0, v19  }
0x233: {  	v56 =	vshll.u32 v54, $0x1;
	v55 =	vmov s19;
	[tilespmem:v12+s10+$0x0] =	vst.idx.msk @p1 vm0, v30  }
0x234: {  	v58 =	vand.u32 $0x7F, v54;
	v57 =	vand.u32 $0xFFFFFF00, v56;
	s17 =	simm.s32 @!p4 $0x0;
	s29 =	sadd.s32 s29, s19;
	vm1 =	vgt.s32 v55, v5;
	[tilespmem:v16+s10+$0x0] =	vst.idx.msk @p1 vm0, v18  }
0x235: {  	p5 =	slt.s32 s2, $0x3FE;
	p6 =	sgt.s32 s29, $0x3FF;
	v12 =	vor.u32 v58, v57;
	v14 =	vld.idx.msk @!p4 [tilespmem:v14+s17+$0x0], $0xffff  }
0x236: {  	p2 =	por !p5, !p6;
	v59 =	vor.u32 $0x80, v12;
	v18 =	vld.idx.msk @!p4 [tilespmem:v20+s17+$0x0], $0xffff  }
0x237: {  	v9 =	vand.u32 $0x7F, v9;
	p2 =	por !p2, !p2;
	s17 =	simm.s32 $0x1  }
0x238: {  	v10 =	vshll.u32 v10, $0x8;
	v11 =	vor.u32 v9, v11;
	s17 =	simm.s32 @!p2 $0x0  }
0x239: {  	v9 =	vor.u32 v9, v10;
	v60 =	vor.u32 $0x80, v11;
	p3 =	por @!p1 p0, p0;
	v61 =	vor.u32 $0x100, v11;
	s2 =	sadd.s32 s17, s2  }
0x23a: {  	v62 =	vor.u32 $0x180, v11;
	p3 =	por !p3, !p1;
	v10 =	vmov @p2 s2;
	v12 =	vld.idx.msk [tilespmem:v12+s21+$0x0], vm1;
	v14 =	vpsel p1, v14, v0  }
0x23b: {  	v20 =	vshll.u32 @p2 v10, $0x1;
	v16 =	vld.idx.msk [tilespmem:v59+s21+$0x0], vm1;
	v18 =	vpsel p1, v18, v0;
	v13 =	vpsel p3, v13, v14  }
0x23c: {  	v14 =	vand.u32 @p2 $0x7F, v10;
	v63 =	vpsel p3, v15, v18;
	v7 =	vpsel p1, v13, v7  }
0x23d: {  	v15 =	vand.u32 @p2 $0xFFFFFF00, v20;
	v6 =	vpsel p1, v63, v6;
	[tilespmem:v11+s9+$0x0] =	vst.idx.msk vm1, v7;
	v11 =	vor.u32 $0x80, v9  }
0x23e: {  	v13 =	vor.u32 @p2 v14, v15;
	p1 =	por p2, p2;
	[tilespmem:v60+s9+$0x0] =	vst.idx.msk vm1, v6  }
0x23f: {  	v14 =	vor.u32 @p1 $0x80, v13;
	[tilespmem:v61+s9+$0x0] =	vst.idx.msk vm1, v12  }
0x240: {  	[tilespmem:v62+s9+$0x0] =	vst.idx.msk vm1, v16  }
0x241: {  	[tilespmem:v9+s10+$0x0] =	vst.idx.msk vm1, v8  }
0x242: {  	s17 =	simm.s32 @p1 $0x0;
	[tilespmem:v11+s10+$0x0] =	vst.idx.msk vm1, v54  }
0x243: {  	v9 =	vld.idx.msk @p1 [tilespmem:v13+s17+$0x0], $0xffff  }
0x244: {  	v11 =	vld.idx.msk @p1 [tilespmem:v14+s17+$0x0], $0xffff;
	_ =	sdelay $0x3  }
0x245: {  	vm15 =	vmmov vm1;
	s17 =	sadd.s32 $0x1, s2  }
0x246: {  	s1 =	sadd.s32 s1, s19;
	s12 =	sadd.s32 s12, s19;
	v8 =	vpsel p2, v10, v8;
	s29 =	smov.u32 @p2 s17;
	v7 =	vpsel p1, v9, v7;
	v6 =	vpsel p1, v11, v6  }
.LBB2_24:
0x247: {  	s17 =	rddreg [dreg:$0x11];
	s19 =	simm.s32 $0x4800  }
0x248: {  	[hbm4b:s17+s21] =	stream.linear.scatter [tilespmem:s19], [sflag:$0x1], $0x4000, $0x38;
	[tilespmem:$0x1E800] =	vst v63  }
0x249: {  	s25 =	simm.s32 $0x12800;
	s19 =	rddreg [dreg:$0xf]  }
0x24a: {  	[hbm4b:s19+s21] =	stream.linear.scatter [tilespmem:s25], [sflag:$0x2], $0x2000, $0x38;
	[tilespmem:$0x1E800] =	vst v63  }
0x24b: {  	s19 =	ssub.s32 s5, s1  }
0x24c: {  	s28 =	sshrl.u32 s19, $0x4  }
0x24d: {  	s17 =	ssub.s32 s28, s2  }
0x24e: {  	s17 =	sadd.s32 s22, s17  }
0x24f: {  	p1 =	slt.s32 s17, $0x1  }
.Ltmp14:
0x250: {  	_ = 	snop;
	(pc) =	sbr.rel @p1 .LBB2_34-.Ltmp14, $1  }
0x251: {  	_ =	sdelay $0x3  }
0x252: {  	s17 =	sadd.s32 $0xFFFFFFFF, s17  }
0x253: {  	p3 =	sne.s32 s17, $0x0  }
.Ltmp15:
0x254: {  	_ = 	snop;
	(pc) =	sbr.rel @!p3 .LBB2_26-.Ltmp15, $4  }
0x255: {  	_ = 	snop  }
0x256: {  	v9 =	vadd.s32 s12, v5  }
0x257: {  	s25 =	ssub.s32 $0x400, s29;
	v10 =	vshrl.u32 v9, $0x7  }
0x258: {  	p1 =	por $0x0, $0x0;
	p2 =	por $0x0, $0x0;
	p6 =	slt.s32 s25, s19;
	v11 =	vshll.u32 v10, $0x9  }
0x259: {  	s19 =	smov.u32 @p6 s25  }
0x25a: {  	p1 =	slt.s32 s19, $0x10  }
0x25b: {  	s19 =	simm.s32 @!p1 $0x10  }
0x25c: {  	v18 =	vadd.s32 s29, v5;
	s29 =	sadd.s32 s29, s19  }
0x25d: {  	p3 =	slt.s32 s2, $0x3FE;
	v13 =	vshll.u32 v18, $0x1;
	v12 =	vmov s19;
	p6 =	sgt.s32 s29, $0x3FF  }
0x25e: {  	vm1 =	vgt.s32 v12, v5;
	v12 =	vand.u32 $0xFFFFFF00, v13;
	v13 =	vand.u32 $0x7F, v18;
	p1 =	por !p3, !p6  }
0x25f: {  	s25 =	simm.s32 $0x1;
	v9 =	vand.u32 $0x7F, v9;
	s17 =	sadd.s32 $0xFFFFFFFF, s17;
	v13 =	vor.u32 v13, v12;
	p4 =	por !p1, !p1  }
0x260: {  	v16 =	vor.u32 v9, v11;
	p3 =	sne.s32 s17, $0x0;
	v14 =	vor.u32 $0x80, v13;
	s25 =	simm.s32 @!p4 $0x0  }
.Ltmp16:
0x261: {  	v10 =	vshll.u32 v10, $0x8;
	v21 =	vor.u32 $0x80, v16;
	v23 =	vor.u32 $0x100, v16;
	s12 =	sadd.s32 s12, s19;
	s2 =	sadd.s32 s25, s2;
	(pc) =	sbr.rel @!p3 .LBB2_28-.Ltmp16, $4  }
0x262: {  	v24 =	vor.u32 $0x180, v16;
	v27 =	vadd.s32 s12, v5;
	s25 =	sadd.s32 $0x1, s2;
	v11 =	vmov @p4 s2  }
0x263: {  	s1 =	sadd.s32 s1, s19;
	v28 =	vshrl.u32 v27, $0x7;
	v12 =	vor.u32 v9, v10;
	s29 =	smov.u32 @p4 s25;
	v9 =	vshll.u32 @p4 v11, $0x1  }
0x264: {  	s19 =	ssub.s32 s5, s1;
	vm0 =	vmmov vm1;
	v17 =	vld.idx.msk [tilespmem:v13+s21+$0x0], vm1;
	v10 =	vand.u32 @p4 $0x7F, v11;
	s25 =	ssub.s32 $0x400, s29;
	v9 =	vand.u32 @p4 $0xFFFFFF00, v9  }
0x265: {  	v29 =	vshll.u32 v28, $0x9;
	p1 =	por $0x1, $0x1;
	v13 =	vpsel p4, v11, v8;
	v19 =	vld.idx.msk [tilespmem:v14+s21+$0x0], vm1;
	p6 =	slt.s32 s25, s19;
	v14 =	vor.u32 @p4 v10, v9  }
0x266: {  	_ =	sdelay $0x1  }
0x267: {  	s19 =	smov.u32 @p6 s25  }
0x268: {  	p2 =	slt.s32 s19, $0x10  }
0x269: {  	s19 =	simm.s32 @!p2 $0x10  }
0x26a: {  	[tilespmem:v16+s9+$0x0] =	vst.idx.msk vm0, v7;
	v11 =	vor.u32 $0x80, v12;
	v15 =	vadd.s32 s29, v5;
	s29 =	sadd.s32 s29, s19  }
0x26b: {  	p3 =	por p4, p4;
	p6 =	slt.s32 s2, $0x3FE;
	[tilespmem:v21+s9+$0x0] =	vst.idx.msk vm0, v6;
	p5 =	sgt.s32 s29, $0x3FF  }
0x26c: {  	v20 =	vor.u32 @p3 $0x80, v14;
	v10 =	vshll.u32 v15, $0x1;
	v9 =	vmov s19;
	[tilespmem:v23+s9+$0x0] =	vst.idx.msk vm0, v17;
	p2 =	por !p6, !p5  }
0x26d: {  	s25 =	simm.s32 $0x1;
	v16 =	vand.u32 $0x7F, v15;
	v10 =	vand.u32 $0xFFFFFF00, v10;
	s12 =	sadd.s32 s12, s19;
	vm1 =	vgt.s32 v9, v5;
	[tilespmem:v24+s9+$0x0] =	vst.idx.msk vm0, v19;
	p4 =	por !p2, !p2  }
0x26e: {  	s17 =	sadd.s32 $0xFFFFFFFF, s17;
	v17 =	vor.u32 v16, v10;
	v9 =	vadd.s32 s12, v5;
	[tilespmem:v12+s10+$0x0] =	vst.idx.msk vm0, v8;
	s25 =	simm.s32 @!p4 $0x0  }
0x26f: {  	s28 =	simm.s32 @p3 $0x0;
	v10 =	vshrl.u32 v9, $0x7;
	v8 =	vor.u32 $0x80, v17;
	p5 =	sne.s32 s17, $0x0;
	[tilespmem:v11+s10+$0x0] =	vst.idx.msk vm0, v18;
	s2 =	sadd.s32 s25, s2  }
.Ltmp17:
0x270: {  	v12 =	vand.u32 $0x7F, v27;
	vm0 =	vmmov vm1;
	v25 =	vld.idx.msk @p3 [tilespmem:v14+s28+$0x0], $0xffff;
	v18 =	vmov @p4 s2;
	(pc) =	sbr.rel @!p5 .LBB2_30-.Ltmp17, $4  }
0x271: {  	v16 =	vor.u32 v12, v29;
	v14 =	vshll.u32 v28, $0x8;
	v26 =	vld.idx.msk @p3 [tilespmem:v20+s28+$0x0], $0xffff;
	s25 =	sadd.s32 $0x1, s2;
	v20 =	vand.u32 @p4 $0x7F, v18  }
0x272: {  	s1 =	sadd.s32 s1, s19;
	v21 =	vor.u32 $0x80, v16;
	v12 =	vor.u32 v12, v14;
	s29 =	smov.u32 @p4 s25;
	v14 =	vshll.u32 @p4 v18, $0x1  }
0x273: {  	v22 =	vmovc v6;
	s19 =	ssub.s32 s5, s1;
	v11 =	vshll.u32 v10, $0x9;
	v23 =	vor.u32 $0x100, v16;
	v17 =	vld.idx.msk [tilespmem:v17+s21+$0x0], vm1;
	s25 =	ssub.s32 $0x400, s29;
	v14 =	vand.u32 @p4 $0xFFFFFF00, v14  }
0x274: {  	p2 =	por $0x1, $0x1;
	v24 =	vor.u32 $0x180, v16;
	v19 =	vld.idx.msk [tilespmem:v8+s21+$0x0], vm1;
	v8 =	vpsel p4, v18, v13;
	p6 =	slt.s32 s25, s19;
	v14 =	vor.u32 @p4 v20, v14;
	v20 =	vmovc v7  }
.LBB2_31:
0x275: {  	s17 =	sadd.s32 $0xFFFFFFFF, s17;
	s19 =	smov.u32 @p6 s25;
	v20 =	vpsel p3, v25, v20  }
0x276: {  	v22 =	vpsel p3, v26, v22;
	p3 =	por p4, p4;
	p5 =	sne.s32 s17, $0x0;
	p6 =	slt.s32 s19, $0x10;
	[tilespmem:v16+s9+$0x0] =	vst.idx.msk vm0, v20;
	v16 =	vor.u32 $0x80, v12  }
0x277: {  	v18 =	vadd.s32 s29, v5;
	s19 =	simm.s32 @!p6 $0x10;
	[tilespmem:v21+s9+$0x0] =	vst.idx.msk vm0, v22;
	v21 =	vor.u32 @p3 $0x80, v14  }
0x278: {  	v26 =	vshll.u32 v18, $0x1;
	v25 =	vmov s19;
	s1 =	sadd.s32 s1, s19;
	s12 =	sadd.s32 s12, s19;
	s29 =	sadd.s32 s29, s19;
	[tilespmem:v23+s9+$0x0] =	vst.idx.msk vm0, v17  }
0x279: {  	p6 =	slt.s32 s2, $0x3FE;
	v17 =	vand.u32 $0xFFFFFF00, v26;
	v23 =	vand.u32 $0x7F, v18;
	vm1 =	vgt.s32 v25, v5;
	p4 =	sgt.s32 s29, $0x3FF;
	[tilespmem:v24+s9+$0x0] =	vst.idx.msk vm0, v19  }
0x27a: {  	v19 =	vadd.s32 s12, v5;
	v17 =	vor.u32 v23, v17;
	p4 =	por !p6, !p4;
	[tilespmem:v12+s10+$0x0] =	vst.idx.msk vm0, v13;
	v13 =	vmov v8  }
0x27b: {  	s25 =	simm.s32 $0x1;
	s19 =	simm.s32 @p3 $0x0;
	v12 =	vshrl.u32 v19, $0x7;
	v23 =	vor.u32 $0x80, v17;
	p4 =	por !p4, !p4;
	[tilespmem:v16+s10+$0x0] =	vst.idx.msk vm0, v15;
	v15 =	vmovc v18;
	vm0 =	vmmov vm1  }
0x27c: {  	v18 =	vshll.u32 v12, $0x9;
	s25 =	simm.s32 @!p4 $0x0;
	v25 =	vld.idx.msk @p3 [tilespmem:v14+s19+$0x0], $0xffff  }
.Ltmp18:
0x27d: {  	v24 =	vshll.u32 v10, $0x8;
	v10 =	vmovc v12;
	v14 =	vand.u32 $0x7F, v9;
	v9 =	vmov v19;
	s2 =	sadd.s32 s25, s2;
	v26 =	vld.idx.msk @p3 [tilespmem:v21+s19+$0x0], $0xffff;
	(pc) =	sbr.rel @p5 .LBB2_31-.Ltmp18, $4  }
0x27e: {  	v16 =	vor.u32 v14, v11;
	v12 =	vor.u32 v14, v24;
	v11 =	vmovc v18;
	s19 =	sadd.s32 $0x1, s2;
	v14 =	vmov @p4 s2  }
0x27f: {  	v21 =	vor.u32 $0x80, v16;
	v17 =	vld.idx.msk [tilespmem:v17+s21+$0x0], vm1;
	s29 =	smov.u32 @p4 s19;
	v18 =	vshll.u32 @p4 v14, $0x1;
	v27 =	vand.u32 @p4 $0x7F, v14  }
0x280: {  	s19 =	ssub.s32 s5, s1;
	v8 =	vpsel p4, v14, v8;
	s25 =	ssub.s32 $0x400, s29;
	v19 =	vld.idx.msk [tilespmem:v23+s21+$0x0], vm1;
	v23 =	vor.u32 $0x100, v16;
	v18 =	vand.u32 @p4 $0xFFFFFF00, v18  }
0x281: {  	v24 =	vor.u32 $0x180, v16;
	p6 =	slt.s32 s25, s19;
	v14 =	vor.u32 @p4 v27, v18  }
0x282: {  	v30 =	vmov v13;
	v18 =	vmov v15  }
.LBB2_33:
0x283: {  	_ =	sdelay $0x1  }
0x284: {  	p3 =	por !p3, !p2  }
0x285: {  	v13 =	vpsel p3, v20, v25  }
0x286: {  	v15 =	vpsel p3, v22, v26;
	v13 =	vpsel p2, v13, v7  }
0x287: {  	p3 =	por @p1 p4, p4;
	v15 =	vpsel p2, v15, v6;
	[tilespmem:v16+s9+$0x0] =	vst.idx.msk @p1 vm0, v13;
	v16 =	vor.u32 @p1 $0x80, v12  }
0x288: {  	s19 =	smov.u32 @p6 s25;
	p4 =	por !p3, !p1;
	[tilespmem:v21+s9+$0x0] =	vst.idx.msk @p1 vm0, v15  }
0x289: {  	p2 =	slt.s32 s19, $0x10;
	v20 =	vor.u32 @!p4 $0x80, v14;
	[tilespmem:v23+s9+$0x0] =	vst.idx.msk @p1 vm0, v17  }
0x28a: {  	v54 =	vadd.s32 s29, v5;
	s19 =	simm.s32 @!p2 $0x10;
	[tilespmem:v24+s9+$0x0] =	vst.idx.msk @p1 vm0, v19  }
0x28b: {  	v56 =	vshll.u32 v54, $0x1;
	v55 =	vmov s19;
	[tilespmem:v12+s10+$0x0] =	vst.idx.msk @p1 vm0, v30  }
0x28c: {  	v58 =	vand.u32 $0x7F, v54;
	v57 =	vand.u32 $0xFFFFFF00, v56;
	s17 =	simm.s32 @!p4 $0x0;
	s29 =	sadd.s32 s29, s19;
	vm1 =	vgt.s32 v55, v5;
	[tilespmem:v16+s10+$0x0] =	vst.idx.msk @p1 vm0, v18  }
0x28d: {  	p5 =	slt.s32 s2, $0x3FE;
	p6 =	sgt.s32 s29, $0x3FF;
	v12 =	vor.u32 v58, v57;
	v14 =	vld.idx.msk @!p4 [tilespmem:v14+s17+$0x0], $0xffff  }
0x28e: {  	p2 =	por !p5, !p6;
	v59 =	vor.u32 $0x80, v12;
	v18 =	vld.idx.msk @!p4 [tilespmem:v20+s17+$0x0], $0xffff  }
0x28f: {  	v9 =	vand.u32 $0x7F, v9;
	p2 =	por !p2, !p2;
	s17 =	simm.s32 $0x1  }
0x290: {  	v10 =	vshll.u32 v10, $0x8;
	v11 =	vor.u32 v9, v11;
	s17 =	simm.s32 @!p2 $0x0  }
0x291: {  	v9 =	vor.u32 v9, v10;
	v60 =	vor.u32 $0x80, v11;
	p3 =	por @!p1 p0, p0;
	v61 =	vor.u32 $0x100, v11;
	s2 =	sadd.s32 s17, s2  }
0x292: {  	v62 =	vor.u32 $0x180, v11;
	p3 =	por !p3, !p1;
	v10 =	vmov @p2 s2;
	v12 =	vld.idx.msk [tilespmem:v12+s21+$0x0], vm1;
	v14 =	vpsel p1, v14, v0  }
0x293: {  	v20 =	vshll.u32 @p2 v10, $0x1;
	v16 =	vld.idx.msk [tilespmem:v59+s21+$0x0], vm1;
	v18 =	vpsel p1, v18, v0;
	v13 =	vpsel p3, v13, v14  }
0x294: {  	v14 =	vand.u32 @p2 $0x7F, v10;
	v63 =	vpsel p3, v15, v18;
	v7 =	vpsel p1, v13, v7  }
0x295: {  	v15 =	vand.u32 @p2 $0xFFFFFF00, v20;
	v6 =	vpsel p1, v63, v6;
	[tilespmem:v11+s9+$0x0] =	vst.idx.msk vm1, v7;
	v11 =	vor.u32 $0x80, v9  }
0x296: {  	v13 =	vor.u32 @p2 v14, v15;
	p1 =	por p2, p2;
	[tilespmem:v60+s9+$0x0] =	vst.idx.msk vm1, v6  }
0x297: {  	v14 =	vor.u32 @p1 $0x80, v13;
	[tilespmem:v61+s9+$0x0] =	vst.idx.msk vm1, v12  }
0x298: {  	[tilespmem:v62+s9+$0x0] =	vst.idx.msk vm1, v16  }
0x299: {  	[tilespmem:v9+s10+$0x0] =	vst.idx.msk vm1, v8  }
0x29a: {  	s17 =	simm.s32 @p1 $0x0;
	[tilespmem:v11+s10+$0x0] =	vst.idx.msk vm1, v54  }
0x29b: {  	v9 =	vld.idx.msk @p1 [tilespmem:v13+s17+$0x0], $0xffff  }
0x29c: {  	v11 =	vld.idx.msk @p1 [tilespmem:v14+s17+$0x0], $0xffff;
	_ =	sdelay $0x3  }
0x29d: {  	vm15 =	vmmov vm1;
	s17 =	sadd.s32 $0x1, s2  }
0x29e: {  	s1 =	sadd.s32 s1, s19;
	s12 =	sadd.s32 s12, s19;
	v8 =	vpsel p2, v10, v8;
	s29 =	smov.u32 @p2 s17;
	v7 =	vpsel p1, v9, v7;
	v6 =	vpsel p1, v11, v6  }
.LBB2_34:
0x29f: {  	s17 =	rddreg [dreg:$0x12];
	s19 =	simm.s32 $0x8800  }
0x2a0: {  	[hbm4b:s17+s21] =	stream.linear.scatter [tilespmem:s19], [sflag:$0x1], $0x4000, $0x38;
	[tilespmem:$0x1E800] =	vst v63  }
0x2a1: {  	s17 =	ssub.s32 s3, s1  }
0x2a2: {  	s25 =	simm.s32 $0x14800;
	s19 =	rddreg [dreg:$0x10];
	s28 =	sshrl.u32 s17, $0x4  }
0x2a3: {  	[hbm4b:s19+s21] =	stream.linear.scatter [tilespmem:s25], [sflag:$0x2], $0x2000, $0x38;
	[tilespmem:$0x1E800] =	vst v63  }
0x2a4: {  	s19 =	ssub.s32 s28, s2  }
0x2a5: {  	s19 =	sadd.s32 s0, s19  }
0x2a6: {  	p1 =	slt.s32 s19, $0x1  }
.Ltmp19:
0x2a7: {  	_ = 	snop;
	(pc) =	sbr.rel @p1 .LBB2_44-.Ltmp19, $1  }
0x2a8: {  	_ =	sdelay $0x3  }
0x2a9: {  	s19 =	sadd.s32 $0xFFFFFFFF, s19  }
0x2aa: {  	p3 =	sne.s32 s19, $0x0  }
.Ltmp20:
0x2ab: {  	_ = 	snop;
	(pc) =	sbr.rel @!p3 .LBB2_36-.Ltmp20, $4  }
0x2ac: {  	_ = 	snop  }
0x2ad: {  	v9 =	vadd.s32 s12, v5  }
0x2ae: {  	s25 =	ssub.s32 $0x400, s29;
	v10 =	vshrl.u32 v9, $0x7  }
0x2af: {  	p1 =	por $0x0, $0x0;
	p2 =	por $0x0, $0x0;
	p6 =	slt.s32 s25, s17;
	v11 =	vshll.u32 v10, $0x9  }
0x2b0: {  	s17 =	smov.u32 @p6 s25  }
0x2b1: {  	p1 =	slt.s32 s17, $0x10  }
0x2b2: {  	s17 =	simm.s32 @!p1 $0x10  }
0x2b3: {  	v20 =	vadd.s32 s29, v5;
	s29 =	sadd.s32 s29, s17  }
0x2b4: {  	p3 =	slt.s32 s2, $0x3FE;
	v13 =	vshll.u32 v20, $0x1;
	v12 =	vmov s17;
	p6 =	sgt.s32 s29, $0x3FF  }
0x2b5: {  	s19 =	sadd.s32 $0xFFFFFFFF, s19;
	vm1 =	vgt.s32 v12, v5;
	v12 =	vand.u32 $0xFFFFFF00, v13;
	v13 =	vand.u32 $0x7F, v20;
	p1 =	por !p3, !p6  }
0x2b6: {  	v9 =	vand.u32 $0x7F, v9;
	s28 =	sadd.s32 s12, s17;
	s12 =	simm.s32 $0x1;
	v13 =	vor.u32 v13, v12;
	p4 =	por !p1, !p1  }
0x2b7: {  	v16 =	vor.u32 v9, v11;
	p3 =	sne.s32 s19, $0x0;
	v14 =	vor.u32 $0x80, v13;
	s12 =	simm.s32 @!p4 $0x0  }
.Ltmp21:
0x2b8: {  	v10 =	vshll.u32 v10, $0x8;
	v21 =	vor.u32 $0x80, v16;
	v23 =	vor.u32 $0x100, v16;
	s2 =	sadd.s32 s12, s2;
	(pc) =	sbr.rel @!p3 .LBB2_38-.Ltmp21, $4  }
0x2b9: {  	v24 =	vor.u32 $0x180, v16;
	v27 =	vadd.s32 s28, v5;
	s25 =	sadd.s32 $0x1, s2;
	v11 =	vmov @p4 s2  }
0x2ba: {  	v28 =	vshrl.u32 v27, $0x7;
	v12 =	vor.u32 v9, v10;
	s12 =	sadd.s32 s1, s17;
	s29 =	smov.u32 @p4 s25;
	v9 =	vshll.u32 @p4 v11, $0x1  }
0x2bb: {  	vm0 =	vmmov vm1;
	s17 =	ssub.s32 s3, s12;
	v17 =	vld.idx.msk [tilespmem:v13+s21+$0x0], vm1;
	v10 =	vand.u32 @p4 $0x7F, v11;
	s25 =	ssub.s32 $0x400, s29;
	v9 =	vand.u32 @p4 $0xFFFFFF00, v9  }
0x2bc: {  	v29 =	vshll.u32 v28, $0x9;
	p1 =	por $0x1, $0x1;
	v13 =	vpsel p4, v11, v8;
	v18 =	vld.idx.msk [tilespmem:v14+s21+$0x0], vm1;
	p6 =	slt.s32 s25, s17;
	v14 =	vor.u32 @p4 v10, v9  }
0x2bd: {  	_ =	sdelay $0x1  }
0x2be: {  	s17 =	smov.u32 @p6 s25  }
0x2bf: {  	p2 =	slt.s32 s17, $0x10  }
0x2c0: {  	s17 =	simm.s32 @!p2 $0x10  }
0x2c1: {  	[tilespmem:v16+s9+$0x0] =	vst.idx.msk vm0, v7;
	v11 =	vor.u32 $0x80, v12;
	v15 =	vadd.s32 s29, v5;
	s29 =	sadd.s32 s29, s17  }
0x2c2: {  	p3 =	por p4, p4;
	p6 =	slt.s32 s2, $0x3FE;
	[tilespmem:v21+s9+$0x0] =	vst.idx.msk vm0, v6;
	p5 =	sgt.s32 s29, $0x3FF  }
0x2c3: {  	v19 =	vor.u32 @p3 $0x80, v14;
	v10 =	vshll.u32 v15, $0x1;
	v9 =	vmov s17;
	[tilespmem:v23+s9+$0x0] =	vst.idx.msk vm0, v17;
	p2 =	por !p6, !p5  }
0x2c4: {  	s25 =	simm.s32 $0x1;
	v16 =	vand.u32 $0x7F, v15;
	v10 =	vand.u32 $0xFFFFFF00, v10;
	s1 =	sadd.s32 s28, s17;
	vm1 =	vgt.s32 v9, v5;
	[tilespmem:v24+s9+$0x0] =	vst.idx.msk vm0, v18;
	p4 =	por !p2, !p2  }
0x2c5: {  	s19 =	sadd.s32 $0xFFFFFFFF, s19;
	v17 =	vor.u32 v16, v10;
	v9 =	vadd.s32 s1, v5;
	[tilespmem:v12+s10+$0x0] =	vst.idx.msk vm0, v8;
	s25 =	simm.s32 @!p4 $0x0  }
0x2c6: {  	s28 =	simm.s32 @p3 $0x0;
	v10 =	vshrl.u32 v9, $0x7;
	v8 =	vor.u32 $0x80, v17;
	p5 =	sne.s32 s19, $0x0;
	[tilespmem:v11+s10+$0x0] =	vst.idx.msk vm0, v20;
	s2 =	sadd.s32 s25, s2  }
.Ltmp22:
0x2c7: {  	v12 =	vand.u32 $0x7F, v27;
	vm0 =	vmmov vm1;
	v25 =	vld.idx.msk @p3 [tilespmem:v14+s28+$0x0], $0xffff;
	v20 =	vmov @p4 s2;
	(pc) =	sbr.rel @!p5 .LBB2_40-.Ltmp22, $4  }
0x2c8: {  	v16 =	vor.u32 v12, v29;
	v14 =	vshll.u32 v28, $0x8;
	v26 =	vld.idx.msk @p3 [tilespmem:v19+s28+$0x0], $0xffff;
	s25 =	sadd.s32 $0x1, s2;
	v19 =	vand.u32 @p4 $0x7F, v20  }
0x2c9: {  	s12 =	sadd.s32 s12, s17;
	v21 =	vor.u32 $0x80, v16;
	v12 =	vor.u32 v12, v14;
	s29 =	smov.u32 @p4 s25;
	v14 =	vshll.u32 @p4 v20, $0x1  }
0x2ca: {  	v22 =	vmovc v6;
	s17 =	ssub.s32 s3, s12;
	v11 =	vshll.u32 v10, $0x9;
	v23 =	vor.u32 $0x100, v16;
	v17 =	vld.idx.msk [tilespmem:v17+s21+$0x0], vm1;
	s25 =	ssub.s32 $0x400, s29;
	v14 =	vand.u32 @p4 $0xFFFFFF00, v14  }
0x2cb: {  	p2 =	por $0x1, $0x1;
	v24 =	vor.u32 $0x180, v16;
	v18 =	vld.idx.msk [tilespmem:v8+s21+$0x0], vm1;
	v8 =	vpsel p4, v20, v13;
	p6 =	slt.s32 s25, s17;
	v14 =	vor.u32 @p4 v19, v14;
	v19 =	vmovc v7  }
.LBB2_41:
0x2cc: {  	s19 =	sadd.s32 $0xFFFFFFFF, s19;
	s17 =	smov.u32 @p6 s25;
	v19 =	vpsel p3, v25, v19  }
0x2cd: {  	v22 =	vpsel p3, v26, v22;
	p3 =	por p4, p4;
	p5 =	sne.s32 s19, $0x0;
	p6 =	slt.s32 s17, $0x10;
	[tilespmem:v16+s9+$0x0] =	vst.idx.msk vm0, v19;
	v16 =	vor.u32 $0x80, v12  }
0x2ce: {  	v20 =	vadd.s32 s29, v5;
	s17 =	simm.s32 @!p6 $0x10;
	[tilespmem:v21+s9+$0x0] =	vst.idx.msk vm0, v22;
	v21 =	vor.u32 @p3 $0x80, v14  }
0x2cf: {  	v26 =	vshll.u32 v20, $0x1;
	v25 =	vmov s17;
	s12 =	sadd.s32 s12, s17;
	s1 =	sadd.s32 s1, s17;
	s29 =	sadd.s32 s29, s17;
	[tilespmem:v23+s9+$0x0] =	vst.idx.msk vm0, v17  }
0x2d0: {  	p6 =	slt.s32 s2, $0x3FE;
	v17 =	vand.u32 $0xFFFFFF00, v26;
	v23 =	vand.u32 $0x7F, v20;
	vm1 =	vgt.s32 v25, v5;
	p4 =	sgt.s32 s29, $0x3FF;
	[tilespmem:v24+s9+$0x0] =	vst.idx.msk vm0, v18  }
0x2d1: {  	v18 =	vadd.s32 s1, v5;
	v17 =	vor.u32 v23, v17;
	p4 =	por !p6, !p4;
	[tilespmem:v12+s10+$0x0] =	vst.idx.msk vm0, v13;
	v13 =	vmov v8  }
0x2d2: {  	s25 =	simm.s32 $0x1;
	s17 =	simm.s32 @p3 $0x0;
	v12 =	vshrl.u32 v18, $0x7;
	v23 =	vor.u32 $0x80, v17;
	p4 =	por !p4, !p4;
	[tilespmem:v16+s10+$0x0] =	vst.idx.msk vm0, v15;
	v15 =	vmovc v20;
	vm0 =	vmmov vm1  }
0x2d3: {  	v20 =	vshll.u32 v12, $0x9;
	s25 =	simm.s32 @!p4 $0x0;
	v25 =	vld.idx.msk @p3 [tilespmem:v14+s17+$0x0], $0xffff  }
.Ltmp23:
0x2d4: {  	v24 =	vshll.u32 v10, $0x8;
	v10 =	vmovc v12;
	v14 =	vand.u32 $0x7F, v9;
	v9 =	vmov v18;
	s2 =	sadd.s32 s25, s2;
	v26 =	vld.idx.msk @p3 [tilespmem:v21+s17+$0x0], $0xffff;
	(pc) =	sbr.rel @p5 .LBB2_41-.Ltmp23, $4  }
0x2d5: {  	v16 =	vor.u32 v14, v11;
	v12 =	vor.u32 v14, v24;
	v11 =	vmovc v20;
	s17 =	sadd.s32 $0x1, s2;
	v14 =	vmov @p4 s2  }
0x2d6: {  	v21 =	vor.u32 $0x80, v16;
	v17 =	vld.idx.msk [tilespmem:v17+s21+$0x0], vm1;
	s29 =	smov.u32 @p4 s17;
	v20 =	vshll.u32 @p4 v14, $0x1;
	v27 =	vand.u32 @p4 $0x7F, v14  }
0x2d7: {  	s17 =	ssub.s32 s3, s12;
	v8 =	vpsel p4, v14, v8;
	s25 =	ssub.s32 $0x400, s29;
	v18 =	vld.idx.msk [tilespmem:v23+s21+$0x0], vm1;
	v23 =	vor.u32 $0x100, v16;
	v20 =	vand.u32 @p4 $0xFFFFFF00, v20  }
0x2d8: {  	v24 =	vor.u32 $0x180, v16;
	p6 =	slt.s32 s25, s17;
	v14 =	vor.u32 @p4 v27, v20  }
.Ltmp24:
0x2d9: {  	(pc) =	sbr.rel .LBB2_43-.Ltmp24, $2  }
0x2da: {  	_ =	sdelay $0x2  }
0x2db: {  	v30 =	vmov v13;
	v20 =	vmov v15  }
.LBB2_16:
.Ltmp25:
0x2dc: {  	(pc) =	sbr.rel .LBB2_23-.Ltmp25, $2  }
0x2dd: {  	_ =	sdelay $0x2  }
0x2de: {  	v20 =	vmov v7;
	v22 =	vmov v6  }
.LBB2_26:
.Ltmp26:
0x2df: {  	(pc) =	sbr.rel .LBB2_33-.Ltmp26, $2  }
0x2e0: {  	_ =	sdelay $0x2  }
0x2e1: {  	v20 =	vmov v7;
	v22 =	vmov v6  }
.LBB2_18:
.Ltmp27:
0x2e2: {  	(pc) =	sbr.rel .LBB2_23-.Ltmp27, $3  }
0x2e3: {  	_ =	sdelay $0x1  }
0x2e4: {  	v30 =	vmov v8;
	v20 =	vmov v7  }
0x2e5: {  	v22 =	vmovc v6;
	v8 =	vmovc v13;
	v9 =	vmov v27;
	v10 =	vmov v28;
	v11 =	vmov v29  }
.LBB2_28:
.Ltmp28:
0x2e6: {  	(pc) =	sbr.rel .LBB2_33-.Ltmp28, $3  }
0x2e7: {  	_ =	sdelay $0x1  }
0x2e8: {  	v30 =	vmov v8;
	v20 =	vmov v7  }
0x2e9: {  	v22 =	vmovc v6;
	v8 =	vmovc v13;
	v9 =	vmov v27;
	v10 =	vmov v28;
	v11 =	vmov v29  }
.LBB2_38:
.Ltmp29:
0x2ea: {  	(pc) =	sbr.rel .LBB2_43-.Ltmp29, $3  }
0x2eb: {  	_ =	sdelay $0x1  }
0x2ec: {  	v30 =	vmov v8;
	v19 =	vmov v7  }
0x2ed: {  	v22 =	vmovc v6;
	v8 =	vmovc v13;
	v9 =	vmov v27;
	v10 =	vmov v28;
	v11 =	vmov v29  }
.LBB2_20:
.Ltmp30:
0x2ee: {  	(pc) =	sbr.rel .LBB2_23-.Ltmp30, $2  }
0x2ef: {  	_ =	sdelay $0x2  }
0x2f0: {  	v20 =	vmovc v7;
	v22 =	vmov v6;
	v30 =	vmov v13;
	v18 =	vmov v15  }
.LBB2_30:
.Ltmp31:
0x2f1: {  	(pc) =	sbr.rel .LBB2_33-.Ltmp31, $2  }
0x2f2: {  	_ =	sdelay $0x2  }
0x2f3: {  	v20 =	vmovc v7;
	v22 =	vmov v6;
	v30 =	vmov v13;
	v18 =	vmov v15  }
.LBB2_40:
.Ltmp32:
0x2f4: {  	(pc) =	sbr.rel .LBB2_43-.Ltmp32, $2  }
0x2f5: {  	_ =	sdelay $0x2  }
0x2f6: {  	v19 =	vmovc v7;
	v22 =	vmov v6;
	v30 =	vmov v13;
	v20 =	vmov v15  }
.LBB2_6:
.Ltmp33:
0x2f7: {  	(pc) =	sbr.rel .LBB2_13-.Ltmp33, $2  }
0x2f8: {  	_ =	sdelay $0x2  }
0x2f9: {  	v17 =	vmov v7;
	v21 =	vmov v6;
	s2 =	smov.u32 s13;
	s1 =	smov.u32 s18;
	s17 =	smov.u32 s24;
	v8 =	vmov v0  }
.LBB2_8:
.Ltmp34:
0x2fa: {  	(pc) =	sbr.rel .LBB2_13-.Ltmp34, $3  }
0x2fb: {  	_ =	sdelay $0x1  }
0x2fc: {  	v17 =	vmov v7  }
0x2fd: {  	v21 =	vmovc v6;
	v29 =	vmovc v0;
	v9 =	vmov v26;
	v10 =	vmov v27;
	v11 =	vmov v28  }
.LBB2_10:
.Ltmp35:
0x2fe: {  	(pc) =	sbr.rel .LBB2_13-.Ltmp35, $2  }
0x2ff: {  	_ =	sdelay $0x2  }
0x300: {  	v29 =	vmovc v8;
	v17 =	vmovc v7;
	v21 =	vmov v6;
	v8 =	vmov v20;
	v20 =	vmov v14  }
.LBB2_45:
0x301: {  	_ =	sfence.sel $0x180000  }
0x302: {  	[bflag:$0x0] =	sbarrier.arrive $0xFFFF  }
0x303: {  	_ =	strace $0x90000047  }
0x304: {  	s0 =	stileid.u32;
	[bflag:$0x2] =	sbarrier.arrive $0xFFFF  }
0x305: {  	p0 =	sne.s32 s0, $0x0;
	s0 =	rddreg [dreg:$0x6]  }
0x306: {  	s0 =	sadd.s32 @!p0 $0x100000, s0  }
0x307: {  	[sflag:s0] =	ssyncadd.tile.s32 @!p0 $0x1;
	_ =	shalt  }
.Lfunc_end2:
_tile_overlayer_lowered:
.L_overlay_start_2:
0x308: {  	(tag) =	ssettag $0x2  }
0x309: {  	s0 =	rddreg [dreg:$0x0];
	s2 =	stileid.u32  }
0x30a: {  	s1 =	rddreg [dreg:$0x1];
	p0 =	sne.s32 s2, $0x0  }
0x30b: {  	s3 =	rddreg [dreg:$0x2];
	[bflag:$0x3] =	sbarrier.arrive $0xFFFF;
	s2 =	simm.s32 @!p0 $0x1C04  }
0x30c: {  	[timem:s3], [sflag:s2] =	dma.local @!p0 [hbm:s0], s1  }
0x30d: {  	s0 =	simm.s32 @!p0 $0x4  }
0x30e: {  	_ =	swait.ge @!p0 [sflag:s0], s1  }
0x30f: {  	s1 =	ssub.s32 @!p0 $0x0, s1;
	[sflag:s0] =	ssyncset.done @!p0 $0x0  }
0x310: {  	[sflag:s0] =	ssyncadd.s32 @!p0 s1  }
0x311: {  	[bflag:$0x3] =	sbarrier.arrive $0xFFFF  }
0x312: {  	_ =	shalt  }

</sc_bundles>
